<compile_context>
chip_gen: v7x
topology: tpu7x:2x2x1
jax: 0.10.2.dev20260603
libtpu: 0.0.44.dev20260713+nightly
codegen_flags: <defaults>
</compile_context>

<pallas_src>
import functools

import jax
import jax.numpy as jnp
from jax import lax
from jax.experimental import pallas as pl
from jax.experimental.pallas import tpu as pltpu
from jax.experimental.pallas import tpu_sc as plsc

N = 10000
E = 320000
D = 128
NC = 2
NS = 16
LANES = 16
CH = 128
E_PAD = 327680
ROWS_TOT = E_PAD // CH
NR = 8
N_PAD = 10240
PAD_DST = N
A_RPT = N_PAD // NS
ROWS_PT = ROWS_TOT // (NC * NS)
BLKS = ROWS_PT // NR
C0_ROWS_PT = 80
C1_ROWS_PT = 80
C0_ROWS = C0_ROWS_PT * NS

_mesh = plsc.VectorSubcoreMesh(
    core_axis_name="c", subcore_axis_name="s", num_cores=NC, num_subcores=NS)


@functools.partial(
    pl.kernel,
    out_type=jax.ShapeDtypeStruct((NC, N_PAD, LANES), jnp.float32),
    mesh=_mesh,
    scratch_types=[
        pltpu.VMEM_SHARED((N_PAD, LANES), jnp.float32),
        pltpu.VMEM((NR, CH), jnp.int32),
        pltpu.VMEM((CH, LANES), jnp.float32),
        pltpu.SemaphoreType.DMA,
    ],
)
def _deg_kernel(dst_hbm, out_hbm, hist, didx, ones, ssem):
    c = lax.axis_index("c")
    s = lax.axis_index("s")
    t = c * NS + s
    one16 = jnp.full((LANES,), 1.0, jnp.float32)
    zero16 = jnp.zeros((LANES,), jnp.float32)

    def zfill(i, _):
        ones[i, :] = zero16
        return 0

    lax.fori_loop(0, CH, zfill, 0)
    for k in range(A_RPT // CH):
        pltpu.sync_copy(ones, hist.at[pl.ds(s * A_RPT + k * CH, CH)])

    def ofill(i, _):
        ones[i, :] = one16
        return 0

    lax.fori_loop(0, CH, ofill, 0)
    plsc.subcore_barrier()

    def blk(j, _):
        row0 = t * ROWS_PT + j * NR
        pltpu.sync_copy(dst_hbm.at[pl.ds(row0, NR)], didx)
        cps = [pltpu.async_copy(ones, hist.at[didx.at[r]], ssem, add=True)
               for r in range(NR)]
        for cp in cps:
            cp.wait()
        return 0

    lax.fori_loop(0, BLKS, blk, 0)
    plsc.subcore_barrier()

    off = s * A_RPT
    pltpu.sync_copy(hist.at[pl.ds(off, A_RPT)],
                    out_hbm.at[c, pl.ds(off, A_RPT)])


@functools.partial(
    pl.kernel,
    out_type=jax.ShapeDtypeStruct((NC, N_PAD, D), jnp.float32),
    mesh=_mesh,
    scratch_types=[
        pltpu.VMEM_SHARED((N_PAD, D), jnp.float32),
        pltpu.VMEM((NR, CH), jnp.int32),
        pltpu.VMEM((NR, CH), jnp.int32),
        pltpu.VMEM((CH, D), jnp.float32),
        pltpu.VMEM((CH, D), jnp.float32),
        pltpu.SemaphoreType.DMA,
        pltpu.SemaphoreType.DMA,
        pltpu.SemaphoreType.DMA,
        pltpu.SemaphoreType.DMA,
    ],
)
def _agg_kernel(src_hbm, dst_hbm, hs_hbm, out_hbm, acc, sidx, didx, rows0,
                rows1, gsem0, gsem1, ssem0, ssem1):
    c = lax.axis_index("c")
    s = lax.axis_index("s")
    zero16 = jnp.zeros((LANES,), jnp.float32)
    rows = (rows0, rows1)
    gsems = (gsem0, gsem1)
    ssems = (ssem0, ssem1)
    NB = 2

    def zfill(i, _):
        for k in range(D // LANES):
            rows0[i, k * LANES:(k + 1) * LANES] = zero16
        return 0

    lax.fori_loop(0, CH, zfill, 0)
    for k in range(A_RPT // CH):
        pltpu.sync_copy(rows0, acc.at[pl.ds(s * A_RPT + k * CH, CH)])
    plsc.subcore_barrier()

    tile_base = jnp.where(c == 0, s * C0_ROWS_PT, C0_ROWS + s * C1_ROWS_PT)
    nblk = jnp.where(c == 0, C0_ROWS_PT // NR, C1_ROWS_PT // NR)

    def blk(j, _):
        row0 = tile_base + j * NR
        pltpu.sync_copy(src_hbm.at[pl.ds(row0, NR)], sidx)
        pltpu.sync_copy(dst_hbm.at[pl.ds(row0, NR)], didx)
        gd = {}
        sd = {}
        gd[0] = pltpu.async_copy(hs_hbm.at[sidx.at[0]], rows[0], gsems[0])
        for r in range(NR):
            if r + 1 < NR:
                nb = (r + 1) % NB
                if r >= 1:
                    sd[r - 1].wait()
                gd[r + 1] = pltpu.async_copy(hs_hbm.at[sidx.at[r + 1]],
                                             rows[nb], gsems[nb])
            gd[r].wait()
            b = r % NB
            sd[r] = pltpu.async_copy(rows[b], acc.at[didx.at[r]], ssems[b],
                                     add=True)
        for r in range(max(0, NR - NB), NR):
            sd[r].wait()
        return 0

    lax.fori_loop(0, nblk, blk, 0)
    plsc.subcore_barrier()

    o = s * A_RPT
    pltpu.sync_copy(acc.at[pl.ds(o, A_RPT)], out_hbm.at[c, pl.ds(o, A_RPT)])


_BN = 2000


def _dinv_of(degp_ref):
    deg = degp_ref[0, :, 0] + degp_ref[1, :, 0] + 1.0
    return lax.rsqrt(deg)


def _tc1_body(x_ref, w_ref, degp_ref, out_ref):
    dinv = _dinv_of(degp_ref)
    h = jnp.dot(x_ref[...], w_ref[...], preferred_element_type=jnp.float32)
    out_ref[...] = h * dinv[:, None]


def _tc2_body(acc_ref, hs_ref, degp_ref, b_ref, w_ref, out_ref):
    dinv = _dinv_of(degp_ref)
    tot = acc_ref[0] + acc_ref[1] + hs_ref[...]
    z = jnp.maximum(dinv[:, None] * tot + b_ref[...][None, :], 0.0)
    h = jnp.dot(z, w_ref[...], preferred_element_type=jnp.float32)
    out_ref[...] = h * dinv[:, None]


def _tc3_body(acc_ref, hs_ref, degp_ref, b_ref, out_ref):
    dinv = _dinv_of(degp_ref)
    tot = acc_ref[0] + acc_ref[1] + hs_ref[...]
    out_ref[...] = jnp.maximum(dinv[:, None] * tot + b_ref[...][None, :], 0.0)


_acc_spec = pl.BlockSpec((NC, _BN, D), lambda i: (0, i, 0))
_hs_spec = pl.BlockSpec((_BN, D), lambda i: (i, 0))
_degp_spec = pl.BlockSpec((NC, _BN, LANES), lambda i: (0, i, 0))
_vec_spec = pl.BlockSpec((D,), lambda i: (0,))
_w_spec = pl.BlockSpec((D, D), lambda i: (0, 0))


def _tc1(x, w0, degp):
    return pl.pallas_call(
        _tc1_body,
        grid=(N // _BN,),
        in_specs=[_hs_spec, _w_spec, _degp_spec],
        out_specs=_hs_spec,
        out_shape=jax.ShapeDtypeStruct((N, D), jnp.float32),
    )(x, w0, degp)


def _tc2(acc0, hs0, degp, b0, w1):
    return pl.pallas_call(
        _tc2_body,
        grid=(N // _BN,),
        in_specs=[_acc_spec, _hs_spec, _degp_spec, _vec_spec, _w_spec],
        out_specs=_hs_spec,
        out_shape=jax.ShapeDtypeStruct((N, D), jnp.float32),
    )(acc0, hs0, degp, b0, w1)


def _tc3(acc1, hs1, degp, b1):
    return pl.pallas_call(
        _tc3_body,
        grid=(N // _BN,),
        in_specs=[_acc_spec, _hs_spec, _degp_spec, _vec_spec],
        out_specs=_hs_spec,
        out_shape=jax.ShapeDtypeStruct((N, D), jnp.float32),
    )(acc1, hs1, degp, b1)


def kernel(x, edge_index, W0, b0, W1, b1):
    ei = edge_index.astype(jnp.int32)
    pad = E_PAD - E
    src2 = jnp.concatenate([ei[0], jnp.arange(pad, dtype=jnp.int32)]).reshape(
        ROWS_TOT, CH)
    padv = N + jnp.arange(pad, dtype=jnp.int32) % (N_PAD - N)
    dst2 = jnp.concatenate([ei[1], padv]).reshape(ROWS_TOT, CH)
    degp = _deg_kernel(dst2)
    hs0 = _tc1(x, W0, degp)
    acc0 = _agg_kernel(src2, dst2, hs0)
    hs1 = _tc2(acc0, hs0, degp, b0, W1)
    acc1 = _agg_kernel(src2, dst2, hs1)
    return _tc3(acc1, hs1, degp, b1)

# --- scband reference (transcript-rebuilt; emitter-appended) ---
"""Pipeline reference for scband-encoder-12257836662966 (READ-ONLY COPY).

The authoritative reference and input builder live on the scoring server;
editing this copy changes nothing except your own understanding.
"""

import jax, jax.numpy as jnp
import numpy as np

N = 10000
E = 320000
D_IN = 128
D_H = 128


def setup_inputs(seed: int = 0) -> dict:
    key = jax.random.key(seed)
    k1, k2, k3, k4 = jax.random.split(key, 4)
    x = jax.random.normal(k1, (N, D_IN), dtype=jnp.float32)
    edge_index = jax.random.randint(k2, (2, E), 0, N)
    W0 = jax.random.normal(k3, (D_IN, D_H), dtype=jnp.float32) / np.sqrt(D_IN)
    b0 = jnp.zeros((D_H,), dtype=jnp.float32)
    W1 = jax.random.normal(k4, (D_H, D_H), dtype=jnp.float32) / np.sqrt(D_H)
    b1 = jnp.zeros((D_H,), dtype=jnp.float32)
    return {"x": x, "edge_index": edge_index, "W0": W0, "b0": b0, "W1": W1, "b1": b1}


def _gcn_conv(x, src, dst, W, b):
    # GCNConv with self-loops and symmetric normalization (PyG default behavior)
    n = x.shape[0]
    loop = jnp.arange(n, dtype=src.dtype)
    s = jnp.concatenate([src, loop], axis=0)
    d = jnp.concatenate([dst, loop], axis=0)
    h = x @ W
    deg = jnp.zeros((n,), dtype=h.dtype).at[d].add(1.0)
    dinv = jnp.where(deg > 0, deg ** -0.5, 0.0)
    norm = dinv[s] * dinv[d]
    msg = h[s] * norm[:, None]
    out = jnp.zeros((n, h.shape[1]), dtype=h.dtype).at[d].add(msg)
    return out + b


def reference(x, edge_index, W0, b0, W1, b1):
    # Encoder.forward: loop over k=2 convs (note: the (k+1)-th conv created in
    # __init__ is never used by forward, which iterates range(self.k)),
    # each followed by the activation (relu).
    src = edge_index[0]
    dst = edge_index[1]
    h = jax.nn.relu(_gcn_conv(x, src, dst, W0, b0))
    h = jax.nn.relu(_gcn_conv(h, src, dst, W1, b1))
    return h

if __name__ == "__main__":
    import jax
    _d = setup_inputs()
    print(jax.jit(kernel)(*tuple(_d.values())))

</pallas_src>

<mosaic_0001>
#map = affine_map<(d0, d1) -> (0, 0)>
#map1 = affine_map<(d0, d1) -> (0, 0, 0)>
module attributes {stable_mosaic.version = 14 : i64} {
  func.func @_agg_kernel(%arg0: i32, %arg1: i32, %arg2: memref<2560x128xi32, #tpu.memory_space<hbm>>, %arg3: memref<2560x128xi32, #tpu.memory_space<hbm>>, %arg4: memref<10000x128xf32, #tpu.memory_space<hbm>>, %arg5: memref<2x10240x128xf32, #tpu.memory_space<hbm>>, %arg6: memref<10240x128xf32, #tpu.memory_space<vmem_shared>>, %arg7: memref<8x128xi32, #tpu.memory_space<vmem>>, %arg8: memref<8x128xi32, #tpu.memory_space<vmem>>, %arg9: memref<128x128xf32, #tpu.memory_space<vmem>>, %arg10: memref<128x128xf32, #tpu.memory_space<vmem>>, %arg11: memref<!tpu.dma_semaphore, #tpu.memory_space<semaphore_mem>>, %arg12: memref<!tpu.dma_semaphore, #tpu.memory_space<semaphore_mem>>, %arg13: memref<!tpu.dma_semaphore, #tpu.memory_space<semaphore_mem>>, %arg14: memref<!tpu.dma_semaphore, #tpu.memory_space<semaphore_mem>>) attributes {dimension_semantics = [#tpu.dimension_semantics<core_parallel>, #tpu.dimension_semantics<subcore_parallel>], iteration_bounds = array<i64: 2, 16>, scalar_prefetch = 0 : i64, scratch_operands = 9 : i64, tpu.core_type = #tpu.core_type<sc_vector_subcore>, window_params = [{transform_indices = #map}, {transform_indices = #map}, {transform_indices = #map}, {transform_indices = #map1}]} {
    %broadcast_in_dim3A = arith.constant 0.000000e+00 : f32
    %broadcast_in_dim3A_0 = vector.broadcast %broadcast_in_dim3A : f32 to vector<16xf32>
    %scan3A = arith.constant 0 : i32
    %scan3A_1 = arith.constant 0 : i32
    %scan3A_2 = arith.constant 128 : i32
    %scan3A_3 = arith.addi %scan3A_1, %scan3A_2 : i32
    %scan3A_4 = arith.constant 1 : i32
    %scan3A_5 = scf.for %scan3A_50 = %scan3A_1 to %scan3A_3 step %scan3A_4 iter_args(%scan3A_51 = %scan3A) -> (i32)  : i32 {
      %swap3A = arith.index_cast %scan3A_50 : i32 to index
      %swap3A_52 = arith.constant 0 : index
      %swap3A_53 = tpu.vector_load %arg9[%swap3A, %swap3A_52] {strides = array<i32>} : memref<128x128xf32, #tpu.memory_space<vmem>>, vector<1x16xf32>,
      %swap3A_54 = vector.shape_cast %swap3A_53 : vector<1x16xf32> to vector<16xf32>
      %swap3A_55 = vector.shape_cast %broadcast_in_dim3A_0 : vector<16xf32> to vector<1x16xf32>
      tpu.vector_store %arg9[%swap3A, %swap3A_52], %swap3A_55 {strides = array<i32>} : memref<128x128xf32, #tpu.memory_space<vmem>>, vector<1x16xf32>,
      %swap3A_56 = arith.index_cast %scan3A_50 : i32 to index
      %swap3A_57 = arith.constant 16 : index
      %swap3A_58 = tpu.vector_load %arg9[%swap3A_56, %swap3A_57] {strides = array<i32>} : memref<128x128xf32, #tpu.memory_space<vmem>>, vector<1x16xf32>,
      %swap3A_59 = vector.shape_cast %swap3A_58 : vector<1x16xf32> to vector<16xf32>
      %swap3A_60 = vector.shape_cast %broadcast_in_dim3A_0 : vector<16xf32> to vector<1x16xf32>
      tpu.vector_store %arg9[%swap3A_56, %swap3A_57], %swap3A_60 {strides = array<i32>} : memref<128x128xf32, #tpu.memory_space<vmem>>, vector<1x16xf32>,
      %swap3A_61 = arith.index_cast %scan3A_50 : i32 to index
      %swap3A_62 = arith.constant 32 : index
      %swap3A_63 = tpu.vector_load %arg9[%swap3A_61, %swap3A_62] {strides = array<i32>} : memref<128x128xf32, #tpu.memory_space<vmem>>, vector<1x16xf32>,
      %swap3A_64 = vector.shape_cast %swap3A_63 : vector<1x16xf32> to vector<16xf32>
      %swap3A_65 = vector.shape_cast %broadcast_in_dim3A_0 : vector<16xf32> to vector<1x16xf32>
      tpu.vector_store %arg9[%swap3A_61, %swap3A_62], %swap3A_65 {strides = array<i32>} : memref<128x128xf32, #tpu.memory_space<vmem>>, vector<1x16xf32>,
      %swap3A_66 = arith.index_cast %scan3A_50 : i32 to index
      %swap3A_67 = arith.constant 48 : index
      %swap3A_68 = tpu.vector_load %arg9[%swap3A_66, %swap3A_67] {strides = array<i32>} : memref<128x128xf32, #tpu.memory_space<vmem>>, vector<1x16xf32>,
      %swap3A_69 = vector.shape_cast %swap3A_68 : vector<1x16xf32> to vector<16xf32>
      %swap3A_70 = vector.shape_cast %broadcast_in_dim3A_0 : vector<16xf32> to vector<1x16xf32>
      tpu.vector_store %arg9[%swap3A_66, %swap3A_67], %swap3A_70 {strides = array<i32>} : memref<128x128xf32, #tpu.memory_space<vmem>>, vector<1x16xf32>,
      %swap3A_71 = arith.index_cast %scan3A_50 : i32 to index
      %swap3A_72 = arith.constant 64 : index
      %swap3A_73 = tpu.vector_load %arg9[%swap3A_71, %swap3A_72] {strides = array<i32>} : memref<128x128xf32, #tpu.memory_space<vmem>>, vector<1x16xf32>,
      %swap3A_74 = vector.shape_cast %swap3A_73 : vector<1x16xf32> to vector<16xf32>
      %swap3A_75 = vector.shape_cast %broadcast_in_dim3A_0 : vector<16xf32> to vector<1x16xf32>
      tpu.vector_store %arg9[%swap3A_71, %swap3A_72], %swap3A_75 {strides = array<i32>} : memref<128x128xf32, #tpu.memory_space<vmem>>, vector<1x16xf32>,
      %swap3A_76 = arith.index_cast %scan3A_50 : i32 to index
      %swap3A_77 = arith.constant 80 : index
      %swap3A_78 = tpu.vector_load %arg9[%swap3A_76, %swap3A_77] {strides = array<i32>} : memref<128x128xf32, #tpu.memory_space<vmem>>, vector<1x16xf32>,
      %swap3A_79 = vector.shape_cast %swap3A_78 : vector<1x16xf32> to vector<16xf32>
      %swap3A_80 = vector.shape_cast %broadcast_in_dim3A_0 : vector<16xf32> to vector<1x16xf32>
      tpu.vector_store %arg9[%swap3A_76, %swap3A_77], %swap3A_80 {strides = array<i32>} : memref<128x128xf32, #tpu.memory_space<vmem>>, vector<1x16xf32>,
      %swap3A_81 = arith.index_cast %scan3A_50 : i32 to index
      %swap3A_82 = arith.constant 96 : index
      %swap3A_83 = tpu.vector_load %arg9[%swap3A_81, %swap3A_82] {strides = array<i32>} : memref<128x128xf32, #tpu.memory_space<vmem>>, vector<1x16xf32>,
      %swap3A_84 = vector.shape_cast %swap3A_83 : vector<1x16xf32> to vector<16xf32>
      %swap3A_85 = vector.shape_cast %broadcast_in_dim3A_0 : vector<16xf32> to vector<1x16xf32>
      tpu.vector_store %arg9[%swap3A_81, %swap3A_82], %swap3A_85 {strides = array<i32>} : memref<128x128xf32, #tpu.memory_space<vmem>>, vector<1x16xf32>,
      %swap3A_86 = arith.index_cast %scan3A_50 : i32 to index
      %swap3A_87 = arith.constant 112 : index
      %swap3A_88 = tpu.vector_load %arg9[%swap3A_86, %swap3A_87] {strides = array<i32>} : memref<128x128xf32, #tpu.memory_space<vmem>>, vector<1x16xf32>,
      %swap3A_89 = vector.shape_cast %swap3A_88 : vector<1x16xf32> to vector<16xf32>
      %swap3A_90 = vector.shape_cast %broadcast_in_dim3A_0 : vector<16xf32> to vector<1x16xf32>
      tpu.vector_store %arg9[%swap3A_86, %swap3A_87], %swap3A_90 {strides = array<i32>} : memref<128x128xf32, #tpu.memory_space<vmem>>, vector<1x16xf32>,
      %scan3A_91 = arith.constant 0 : i32
      scf.yield %scan3A_91 : i32
    }
    %scan3A_6 = arith.constant 128 : i32
    %mul3A = arith.constant 640 : i32
    %mul3A_7 = arith.muli %arg1, %mul3A : i32
    %add3A = arith.constant 0 : i32
    %add3A_8 = arith.addi %mul3A_7, %add3A : i32
    "tpu.region"() ({
      %run_scoped3A = tpu.sem_alloc : memref<!tpu.dma_semaphore, #tpu.memory_space<semaphore_mem>>
      %dma_start3A = arith.constant 0 : i32
      %dma_start3A_50 = tpu.memref_slice %arg6[%add3A_8, %dma_start3A] : memref<10240x128xf32, #tpu.memory_space<vmem_shared>> -> memref<128x128xf32, #tpu.memory_space<vmem_shared>>
      %dma_start3A_51 = arith.constant 0 : i32
      %dma_start3A_52 = tpu.memref_slice %arg6[%add3A_8, %dma_start3A_51] : memref<10240x128xf32, #tpu.memory_space<vmem_shared>> -> memref<128x128xf32, #tpu.memory_space<vmem_shared>>
      tpu.enqueue_dma source(%arg9 : memref<128x128xf32, #tpu.memory_space<vmem>>) target(%dma_start3A_52 : memref<128x128xf32, #tpu.memory_space<vmem_shared>>) target_semaphore(%run_scoped3A : memref<!tpu.dma_semaphore, #tpu.memory_space<semaphore_mem>>)
      %dma_wait3A = arith.constant 0 : i32
      %dma_wait3A_53 = tpu.memref_slice %arg6[%add3A_8, %dma_wait3A] : memref<10240x128xf32, #tpu.memory_space<vmem_shared>> -> memref<128x128xf32, #tpu.memory_space<vmem_shared>>
      %dma_wait3A_54 = arith.constant 0 : i32
      %dma_wait3A_55 = tpu.memref_slice %arg6[%add3A_8, %dma_wait3A_54] : memref<10240x128xf32, #tpu.memory_space<vmem_shared>> -> memref<128x128xf32, #tpu.memory_space<vmem_shared>>
      tpu.wait_dma2 semaphore(%run_scoped3A : memref<!tpu.dma_semaphore, #tpu.memory_space<semaphore_mem>>) src(%arg9 : memref<128x128xf32, #tpu.memory_space<vmem>>) dst(%dma_wait3A_55 : memref<128x128xf32, #tpu.memory_space<vmem_shared>>)
      tpu.yield
    }) : () -> ()
    %mul3A_9 = arith.constant 640 : i32
    %mul3A_10 = arith.muli %arg1, %mul3A_9 : i32
    %add3A_11 = arith.constant 128 : i32
    %add3A_12 = arith.addi %mul3A_10, %add3A_11 : i32
    "tpu.region"() ({
      %run_scoped3A = tpu.sem_alloc : memref<!tpu.dma_semaphore, #tpu.memory_space<semaphore_mem>>
      %dma_start3A = arith.constant 0 : i32
      %dma_start3A_50 = tpu.memref_slice %arg6[%add3A_12, %dma_start3A] : memref<10240x128xf32, #tpu.memory_space<vmem_shared>> -> memref<128x128xf32, #tpu.memory_space<vmem_shared>>
      %dma_start3A_51 = arith.constant 0 : i32
      %dma_start3A_52 = tpu.memref_slice %arg6[%add3A_12, %dma_start3A_51] : memref<10240x128xf32, #tpu.memory_space<vmem_shared>> -> memref<128x128xf32, #tpu.memory_space<vmem_shared>>
      tpu.enqueue_dma source(%arg9 : memref<128x128xf32, #tpu.memory_space<vmem>>) target(%dma_start3A_52 : memref<128x128xf32, #tpu.memory_space<vmem_shared>>) target_semaphore(%run_scoped3A : memref<!tpu.dma_semaphore, #tpu.memory_space<semaphore_mem>>)
      %dma_wait3A = arith.constant 0 : i32
      %dma_wait3A_53 = tpu.memref_slice %arg6[%add3A_12, %dma_wait3A] : memref<10240x128xf32, #tpu.memory_space<vmem_shared>> -> memref<128x128xf32, #tpu.memory_space<vmem_shared>>
      %dma_wait3A_54 = arith.constant 0 : i32
      %dma_wait3A_55 = tpu.memref_slice %arg6[%add3A_12, %dma_wait3A_54] : memref<10240x128xf32, #tpu.memory_space<vmem_shared>> -> memref<128x128xf32, #tpu.memory_space<vmem_shared>>
      tpu.wait_dma2 semaphore(%run_scoped3A : memref<!tpu.dma_semaphore, #tpu.memory_space<semaphore_mem>>) src(%arg9 : memref<128x128xf32, #tpu.memory_space<vmem>>) dst(%dma_wait3A_55 : memref<128x128xf32, #tpu.memory_space<vmem_shared>>)
      tpu.yield
    }) : () -> ()
    %mul3A_13 = arith.constant 640 : i32
    %mul3A_14 = arith.muli %arg1, %mul3A_13 : i32
    %add3A_15 = arith.constant 256 : i32
    %add3A_16 = arith.addi %mul3A_14, %add3A_15 : i32
    "tpu.region"() ({
      %run_scoped3A = tpu.sem_alloc : memref<!tpu.dma_semaphore, #tpu.memory_space<semaphore_mem>>
      %dma_start3A = arith.constant 0 : i32
      %dma_start3A_50 = tpu.memref_slice %arg6[%add3A_16, %dma_start3A] : memref<10240x128xf32, #tpu.memory_space<vmem_shared>> -> memref<128x128xf32, #tpu.memory_space<vmem_shared>>
      %dma_start3A_51 = arith.constant 0 : i32
      %dma_start3A_52 = tpu.memref_slice %arg6[%add3A_16, %dma_start3A_51] : memref<10240x128xf32, #tpu.memory_space<vmem_shared>> -> memref<128x128xf32, #tpu.memory_space<vmem_shared>>
      tpu.enqueue_dma source(%arg9 : memref<128x128xf32, #tpu.memory_space<vmem>>) target(%dma_start3A_52 : memref<128x128xf32, #tpu.memory_space<vmem_shared>>) target_semaphore(%run_scoped3A : memref<!tpu.dma_semaphore, #tpu.memory_space<semaphore_mem>>)
      %dma_wait3A = arith.constant 0 : i32
      %dma_wait3A_53 = tpu.memref_slice %arg6[%add3A_16, %dma_wait3A] : memref<10240x128xf32, #tpu.memory_space<vmem_shared>> -> memref<128x128xf32, #tpu.memory_space<vmem_shared>>
      %dma_wait3A_54 = arith.constant 0 : i32
      %dma_wait3A_55 = tpu.memref_slice %arg6[%add3A_16, %dma_wait3A_54] : memref<10240x128xf32, #tpu.memory_space<vmem_shared>> -> memref<128x128xf32, #tpu.memory_space<vmem_shared>>
      tpu.wait_dma2 semaphore(%run_scoped3A : memref<!tpu.dma_semaphore, #tpu.memory_space<semaphore_mem>>) src(%arg9 : memref<128x128xf32, #tpu.memory_space<vmem>>) dst(%dma_wait3A_55 : memref<128x128xf32, #tpu.memory_space<vmem_shared>>)
      tpu.yield
    }) : () -> ()
    %mul3A_17 = arith.constant 640 : i32
    %mul3A_18 = arith.muli %arg1, %mul3A_17 : i32
    %add3A_19 = arith.constant 384 : i32
    %add3A_20 = arith.addi %mul3A_18, %add3A_19 : i32
    "tpu.region"() ({
      %run_scoped3A = tpu.sem_alloc : memref<!tpu.dma_semaphore, #tpu.memory_space<semaphore_mem>>
      %dma_start3A = arith.constant 0 : i32
      %dma_start3A_50 = tpu.memref_slice %arg6[%add3A_20, %dma_start3A] : memref<10240x128xf32, #tpu.memory_space<vmem_shared>> -> memref<128x128xf32, #tpu.memory_space<vmem_shared>>
      %dma_start3A_51 = arith.constant 0 : i32
      %dma_start3A_52 = tpu.memref_slice %arg6[%add3A_20, %dma_start3A_51] : memref<10240x128xf32, #tpu.memory_space<vmem_shared>> -> memref<128x128xf32, #tpu.memory_space<vmem_shared>>
      tpu.enqueue_dma source(%arg9 : memref<128x128xf32, #tpu.memory_space<vmem>>) target(%dma_start3A_52 : memref<128x128xf32, #tpu.memory_space<vmem_shared>>) target_semaphore(%run_scoped3A : memref<!tpu.dma_semaphore, #tpu.memory_space<semaphore_mem>>)
      %dma_wait3A = arith.constant 0 : i32
      %dma_wait3A_53 = tpu.memref_slice %arg6[%add3A_20, %dma_wait3A] : memref<10240x128xf32, #tpu.memory_space<vmem_shared>> -> memref<128x128xf32, #tpu.memory_space<vmem_shared>>
      %dma_wait3A_54 = arith.constant 0 : i32
      %dma_wait3A_55 = tpu.memref_slice %arg6[%add3A_20, %dma_wait3A_54] : memref<10240x128xf32, #tpu.memory_space<vmem_shared>> -> memref<128x128xf32, #tpu.memory_space<vmem_shared>>
      tpu.wait_dma2 semaphore(%run_scoped3A : memref<!tpu.dma_semaphore, #tpu.memory_space<semaphore_mem>>) src(%arg9 : memref<128x128xf32, #tpu.memory_space<vmem>>) dst(%dma_wait3A_55 : memref<128x128xf32, #tpu.memory_space<vmem_shared>>)
      tpu.yield
    }) : () -> ()
    %mul3A_21 = arith.constant 640 : i32
    %mul3A_22 = arith.muli %arg1, %mul3A_21 : i32
    %add3A_23 = arith.constant 512 : i32
    %add3A_24 = arith.addi %mul3A_22, %add3A_23 : i32
    "tpu.region"() ({
      %run_scoped3A = tpu.sem_alloc : memref<!tpu.dma_semaphore, #tpu.memory_space<semaphore_mem>>
      %dma_start3A = arith.constant 0 : i32
      %dma_start3A_50 = tpu.memref_slice %arg6[%add3A_24, %dma_start3A] : memref<10240x128xf32, #tpu.memory_space<vmem_shared>> -> memref<128x128xf32, #tpu.memory_space<vmem_shared>>
      %dma_start3A_51 = arith.constant 0 : i32
      %dma_start3A_52 = tpu.memref_slice %arg6[%add3A_24, %dma_start3A_51] : memref<10240x128xf32, #tpu.memory_space<vmem_shared>> -> memref<128x128xf32, #tpu.memory_space<vmem_shared>>
      tpu.enqueue_dma source(%arg9 : memref<128x128xf32, #tpu.memory_space<vmem>>) target(%dma_start3A_52 : memref<128x128xf32, #tpu.memory_space<vmem_shared>>) target_semaphore(%run_scoped3A : memref<!tpu.dma_semaphore, #tpu.memory_space<semaphore_mem>>)
      %dma_wait3A = arith.constant 0 : i32
      %dma_wait3A_53 = tpu.memref_slice %arg6[%add3A_24, %dma_wait3A] : memref<10240x128xf32, #tpu.memory_space<vmem_shared>> -> memref<128x128xf32, #tpu.memory_space<vmem_shared>>
      %dma_wait3A_54 = arith.constant 0 : i32
      %dma_wait3A_55 = tpu.memref_slice %arg6[%add3A_24, %dma_wait3A_54] : memref<10240x128xf32, #tpu.memory_space<vmem_shared>> -> memref<128x128xf32, #tpu.memory_space<vmem_shared>>
      tpu.wait_dma2 semaphore(%run_scoped3A : memref<!tpu.dma_semaphore, #tpu.memory_space<semaphore_mem>>) src(%arg9 : memref<128x128xf32, #tpu.memory_space<vmem>>) dst(%dma_wait3A_55 : memref<128x128xf32, #tpu.memory_space<vmem_shared>>)
      tpu.yield
    }) : () -> ()
    %barrier3A = arith.constant 0 : index
    tpu.barrier barrier_id(%barrier3A)
    %eq3A = arith.constant 0 : i32
    %eq3A_25 = arith.cmpi eq, %arg0, %eq3A : i32
    %mul3A_26 = arith.constant 80 : i32
    %mul3A_27 = arith.muli %arg1, %mul3A_26 : i32
    %mul3A_28 = arith.constant 80 : i32
    %mul3A_29 = arith.muli %arg1, %mul3A_28 : i32
    %add3A_30 = arith.constant 1280 : i32
    %add3A_31 = arith.addi %add3A_30, %mul3A_29 : i32
    %select_n3A = arith.select %eq3A_25, %mul3A_27, %add3A_31 : i32
    %eq3A_32 = arith.constant 0 : i32
    %eq3A_33 = arith.cmpi eq, %arg0, %eq3A_32 : i32
    %jit3A = arith.constant 10 : i32
    %jit3A_34 = arith.constant 10 : i32
    %select_n3A_35 = arith.select %eq3A_33, %jit3A, %jit3A_34 : i32
    %while3A = arith.constant 0 : i32
    %while3A_36 = arith.constant 0 : i32
    %while3A_37 = arith.subi %select_n3A_35, %while3A : i32
    %while3A_38 = arith.addi %while3A, %while3A_37 : i32
    %while3A_39 = arith.constant 1 : i32
    %while3A_40 = arith.divsi %while3A_37, %while3A_39 : i32
    %while3A_41 = arith.muli %while3A_40, %while3A_39 : i32
    %while3A_42 = arith.addi %while3A, %while3A_41 : i32
    %while3A_43 = arith.constant 1 : i32
    %while3A_44 = scf.for %while3A_50 = %while3A to %while3A_42 step %while3A_43 iter_args(%while3A_51 = %while3A_36) -> (i32)  : i32 {
      %mul3A_52 = arith.constant 8 : i32
      %mul3A_53 = arith.muli %while3A_50, %mul3A_52 : i32
      %add3A_54 = arith.addi %select_n3A, %mul3A_53 : i32
      "tpu.region"() ({
        %run_scoped3A = tpu.sem_alloc : memref<!tpu.dma_semaphore, #tpu.memory_space<semaphore_mem>>
        %dma_start3A_278 = arith.constant 0 : i32
        %dma_start3A_279 = tpu.memref_slice %arg2[%add3A_54, %dma_start3A_278] : memref<2560x128xi32, #tpu.memory_space<hbm>> -> memref<8x128xi32, #tpu.memory_space<hbm>>
        %dma_start3A_280 = arith.constant 0 : i32
        %dma_start3A_281 = tpu.memref_slice %arg2[%add3A_54, %dma_start3A_280] : memref<2560x128xi32, #tpu.memory_space<hbm>> -> memref<8x128xi32, #tpu.memory_space<hbm>>
        tpu.enqueue_dma source(%dma_start3A_281 : memref<8x128xi32, #tpu.memory_space<hbm>>) target(%arg7 : memref<8x128xi32, #tpu.memory_space<vmem>>) target_semaphore(%run_scoped3A : memref<!tpu.dma_semaphore, #tpu.memory_space<semaphore_mem>>)
        %dma_wait3A_282 = arith.constant 0 : i32
        %dma_wait3A_283 = tpu.memref_slice %arg2[%add3A_54, %dma_wait3A_282] : memref<2560x128xi32, #tpu.memory_space<hbm>> -> memref<8x128xi32, #tpu.memory_space<hbm>>
        %dma_wait3A_284 = arith.constant 0 : i32
        %dma_wait3A_285 = tpu.memref_slice %arg2[%add3A_54, %dma_wait3A_284] : memref<2560x128xi32, #tpu.memory_space<hbm>> -> memref<8x128xi32, #tpu.memory_space<hbm>>
        tpu.wait_dma2 semaphore(%run_scoped3A : memref<!tpu.dma_semaphore, #tpu.memory_space<semaphore_mem>>) src(%dma_wait3A_285 : memref<8x128xi32, #tpu.memory_space<hbm>>) dst(%arg7 : memref<8x128xi32, #tpu.memory_space<vmem>>)
        tpu.yield
      }) : () -> ()
      "tpu.region"() ({
        %run_scoped3A = tpu.sem_alloc : memref<!tpu.dma_semaphore, #tpu.memory_space<semaphore_mem>>
        %dma_start3A_278 = arith.constant 0 : i32
        %dma_start3A_279 = tpu.memref_slice %arg3[%add3A_54, %dma_start3A_278] : memref<2560x128xi32, #tpu.memory_space<hbm>> -> memref<8x128xi32, #tpu.memory_space<hbm>>
        %dma_start3A_280 = arith.constant 0 : i32
        %dma_start3A_281 = tpu.memref_slice %arg3[%add3A_54, %dma_start3A_280] : memref<2560x128xi32, #tpu.memory_space<hbm>> -> memref<8x128xi32, #tpu.memory_space<hbm>>
        tpu.enqueue_dma source(%dma_start3A_281 : memref<8x128xi32, #tpu.memory_space<hbm>>) target(%arg8 : memref<8x128xi32, #tpu.memory_space<vmem>>) target_semaphore(%run_scoped3A : memref<!tpu.dma_semaphore, #tpu.memory_space<semaphore_mem>>)
        %dma_wait3A_282 = arith.constant 0 : i32
        %dma_wait3A_283 = tpu.memref_slice %arg3[%add3A_54, %dma_wait3A_282] : memref<2560x128xi32, #tpu.memory_space<hbm>> -> memref<8x128xi32, #tpu.memory_space<hbm>>
        %dma_wait3A_284 = arith.constant 0 : i32
        %dma_wait3A_285 = tpu.memref_slice %arg3[%add3A_54, %dma_wait3A_284] : memref<2560x128xi32, #tpu.memory_space<hbm>> -> memref<8x128xi32, #tpu.memory_space<hbm>>
        tpu.wait_dma2 semaphore(%run_scoped3A : memref<!tpu.dma_semaphore, #tpu.memory_space<semaphore_mem>>) src(%dma_wait3A_285 : memref<8x128xi32, #tpu.memory_space<hbm>>) dst(%arg8 : memref<8x128xi32, #tpu.memory_space<vmem>>)
        tpu.yield
      }) : () -> ()
      %dma_start3A = arith.constant 0 : i32
      %dma_start3A_55 = arith.constant 0 : i32
      %dma_start3A_56 = tpu.memref_slice %arg7[%dma_start3A, %dma_start3A_55] : memref<8x128xi32, #tpu.memory_space<vmem>> -> memref<1x128xi32, #tpu.memory_space<vmem>>
      %dma_start3A_57 = tpu.memref_squeeze %dma_start3A_56 : memref<1x128xi32, #tpu.memory_space<vmem>> -> memref<128xi32, #tpu.memory_space<vmem>>
      %dma_start3A_58 = arith.constant 0 : i32
      %dma_start3A_59 = arith.constant 0 : i32
      %dma_start3A_60 = tpu.memref_slice %arg4[%dma_start3A_58, %dma_start3A_59] : memref<10000x128xf32, #tpu.memory_space<hbm>> -> memref<10000x128xf32, #tpu.memory_space<hbm>>
      tpu.enqueue_indirect_dma source(%dma_start3A_60 : memref<10000x128xf32, #tpu.memory_space<hbm>>) target(%arg9 : memref<128x128xf32, #tpu.memory_space<vmem>>) offsets(%dma_start3A_57 : memref<128xi32, #tpu.memory_space<vmem>>) semaphore(%arg11 : memref<!tpu.dma_semaphore, #tpu.memory_space<semaphore_mem>>)
      %dma_start3A_61 = arith.constant 1 : i32
      %dma_start3A_62 = arith.constant 0 : i32
      %dma_start3A_63 = tpu.memref_slice %arg7[%dma_start3A_61, %dma_start3A_62] : memref<8x128xi32, #tpu.memory_space<vmem>> -> memref<1x128xi32, #tpu.memory_space<vmem>>
      %dma_start3A_64 = tpu.memref_squeeze %dma_start3A_63 : memref<1x128xi32, #tpu.memory_space<vmem>> -> memref<128xi32, #tpu.memory_space<vmem>>
      %dma_start3A_65 = arith.constant 0 : i32
      %dma_start3A_66 = arith.constant 0 : i32
      %dma_start3A_67 = tpu.memref_slice %arg4[%dma_start3A_65, %dma_start3A_66] : memref<10000x128xf32, #tpu.memory_space<hbm>> -> memref<10000x128xf32, #tpu.memory_space<hbm>>
      tpu.enqueue_indirect_dma source(%dma_start3A_67 : memref<10000x128xf32, #tpu.memory_space<hbm>>) target(%arg10 : memref<128x128xf32, #tpu.memory_space<vmem>>) offsets(%dma_start3A_64 : memref<128xi32, #tpu.memory_space<vmem>>) semaphore(%arg12 : memref<!tpu.dma_semaphore, #tpu.memory_space<semaphore_mem>>)
      %dma_wait3A = arith.constant 0 : i32
      %dma_wait3A_68 = arith.constant 0 : i32
      %dma_wait3A_69 = tpu.memref_slice %arg7[%dma_wait3A, %dma_wait3A_68] : memref<8x128xi32, #tpu.memory_space<vmem>> -> memref<1x128xi32, #tpu.memory_space<vmem>>
      %dma_wait3A_70 = tpu.memref_squeeze %dma_wait3A_69 : memref<1x128xi32, #tpu.memory_space<vmem>> -> memref<128xi32, #tpu.memory_space<vmem>>
      %dma_wait3A_71 = arith.constant 0 : i32
      %dma_wait3A_72 = arith.constant 0 : i32
      %dma_wait3A_73 = tpu.memref_slice %arg4[%dma_wait3A_71, %dma_wait3A_72] : memref<10000x128xf32, #tpu.memory_space<hbm>> -> memref<10000x128xf32, #tpu.memory_space<hbm>>
      tpu.wait_indirect_dma semaphore(%arg11 : memref<!tpu.dma_semaphore, #tpu.memory_space<semaphore_mem>>) src(%dma_wait3A_73 : memref<10000x128xf32, #tpu.memory_space<hbm>>) dst(%arg9 : memref<128x128xf32, #tpu.memory_space<vmem>>)
      %dma_start3A_74 = arith.constant 0 : i32
      %dma_start3A_75 = arith.constant 0 : i32
      %dma_start3A_76 = tpu.memref_slice %arg8[%dma_start3A_74, %dma_start3A_75] : memref<8x128xi32, #tpu.memory_space<vmem>> -> memref<1x128xi32, #tpu.memory_space<vmem>>
      %dma_start3A_77 = tpu.memref_squeeze %dma_start3A_76 : memref<1x128xi32, #tpu.memory_space<vmem>> -> memref<128xi32, #tpu.memory_space<vmem>>
      %dma_start3A_78 = arith.constant 0 : i32
      %dma_start3A_79 = arith.constant 0 : i32
      %dma_start3A_80 = tpu.memref_slice %arg6[%dma_start3A_78, %dma_start3A_79] : memref<10240x128xf32, #tpu.memory_space<vmem_shared>> -> memref<10240x128xf32, #tpu.memory_space<vmem_shared>>
      tpu.enqueue_indirect_dma source(%arg9 : memref<128x128xf32, #tpu.memory_space<vmem>>) target(%dma_start3A_80 : memref<10240x128xf32, #tpu.memory_space<vmem_shared>>) offsets(%dma_start3A_77 : memref<128xi32, #tpu.memory_space<vmem>>) semaphore(%arg13 : memref<!tpu.dma_semaphore, #tpu.memory_space<semaphore_mem>>) {add = true}
      %dma_wait3A_81 = arith.constant 0 : i32
      %dma_wait3A_82 = arith.constant 0 : i32
      %dma_wait3A_83 = tpu.memref_slice %arg8[%dma_wait3A_81, %dma_wait3A_82] : memref<8x128xi32, #tpu.memory_space<vmem>> -> memref<1x128xi32, #tpu.memory_space<vmem>>
      %dma_wait3A_84 = tpu.memref_squeeze %dma_wait3A_83 : memref<1x128xi32, #tpu.memory_space<vmem>> -> memref<128xi32, #tpu.memory_space<vmem>>
      %dma_wait3A_85 = arith.constant 0 : i32
      %dma_wait3A_86 = arith.constant 0 : i32
      %dma_wait3A_87 = tpu.memref_slice %arg6[%dma_wait3A_85, %dma_wait3A_86] : memref<10240x128xf32, #tpu.memory_space<vmem_shared>> -> memref<10240x128xf32, #tpu.memory_space<vmem_shared>>
      tpu.wait_indirect_dma semaphore(%arg13 : memref<!tpu.dma_semaphore, #tpu.memory_space<semaphore_mem>>) src(%arg9 : memref<128x128xf32, #tpu.memory_space<vmem>>) dst(%dma_wait3A_87 : memref<10240x128xf32, #tpu.memory_space<vmem_shared>>)
      %dma_start3A_88 = arith.constant 2 : i32
      %dma_start3A_89 = arith.constant 0 : i32
      %dma_start3A_90 = tpu.memref_slice %arg7[%dma_start3A_88, %dma_start3A_89] : memref<8x128xi32, #tpu.memory_space<vmem>> -> memref<1x128xi32, #tpu.memory_space<vmem>>
      %dma_start3A_91 = tpu.memref_squeeze %dma_start3A_90 : memref<1x128xi32, #tpu.memory_space<vmem>> -> memref<128xi32, #tpu.memory_space<vmem>>
      %dma_start3A_92 = arith.constant 0 : i32
      %dma_start3A_93 = arith.constant 0 : i32
      %dma_start3A_94 = tpu.memref_slice %arg4[%dma_start3A_92, %dma_start3A_93] : memref<10000x128xf32, #tpu.memory_space<hbm>> -> memref<10000x128xf32, #tpu.memory_space<hbm>>
      tpu.enqueue_indirect_dma source(%dma_start3A_94 : memref<10000x128xf32, #tpu.memory_space<hbm>>) target(%arg9 : memref<128x128xf32, #tpu.memory_space<vmem>>) offsets(%dma_start3A_91 : memref<128xi32, #tpu.memory_space<vmem>>) semaphore(%arg11 : memref<!tpu.dma_semaphore, #tpu.memory_space<semaphore_mem>>)
      %dma_wait3A_95 = arith.constant 1 : i32
      %dma_wait3A_96 = arith.constant 0 : i32
      %dma_wait3A_97 = tpu.memref_slice %arg7[%dma_wait3A_95, %dma_wait3A_96] : memref<8x128xi32, #tpu.memory_space<vmem>> -> memref<1x128xi32, #tpu.memory_space<vmem>>
      %dma_wait3A_98 = tpu.memref_squeeze %dma_wait3A_97 : memref<1x128xi32, #tpu.memory_space<vmem>> -> memref<128xi32, #tpu.memory_space<vmem>>
      %dma_wait3A_99 = arith.constant 0 : i32
      %dma_wait3A_100 = arith.constant 0 : i32
      %dma_wait3A_101 = tpu.memref_slice %arg4[%dma_wait3A_99, %dma_wait3A_100] : memref<10000x128xf32, #tpu.memory_space<hbm>> -> memref<10000x128xf32, #tpu.memory_space<hbm>>
      tpu.wait_indirect_dma semaphore(%arg12 : memref<!tpu.dma_semaphore, #tpu.memory_space<semaphore_mem>>) src(%dma_wait3A_101 : memref<10000x128xf32, #tpu.memory_space<hbm>>) dst(%arg10 : memref<128x128xf32, #tpu.memory_space<vmem>>)
      %dma_start3A_102 = arith.constant 1 : i32
      %dma_start3A_103 = arith.constant 0 : i32
      %dma_start3A_104 = tpu.memref_slice %arg8[%dma_start3A_102, %dma_start3A_103] : memref<8x128xi32, #tpu.memory_space<vmem>> -> memref<1x128xi32, #tpu.memory_space<vmem>>
      %dma_start3A_105 = tpu.memref_squeeze %dma_start3A_104 : memref<1x128xi32, #tpu.memory_space<vmem>> -> memref<128xi32, #tpu.memory_space<vmem>>
      %dma_start3A_106 = arith.constant 0 : i32
      %dma_start3A_107 = arith.constant 0 : i32
      %dma_start3A_108 = tpu.memref_slice %arg6[%dma_start3A_106, %dma_start3A_107] : memref<10240x128xf32, #tpu.memory_space<vmem_shared>> -> memref<10240x128xf32, #tpu.memory_space<vmem_shared>>
      tpu.enqueue_indirect_dma source(%arg10 : memref<128x128xf32, #tpu.memory_space<vmem>>) target(%dma_start3A_108 : memref<10240x128xf32, #tpu.memory_space<vmem_shared>>) offsets(%dma_start3A_105 : memref<128xi32, #tpu.memory_space<vmem>>) semaphore(%arg14 : memref<!tpu.dma_semaphore, #tpu.memory_space<semaphore_mem>>) {add = true}
      %dma_wait3A_109 = arith.constant 1 : i32
      %dma_wait3A_110 = arith.constant 0 : i32
      %dma_wait3A_111 = tpu.memref_slice %arg8[%dma_wait3A_109, %dma_wait3A_110] : memref<8x128xi32, #tpu.memory_space<vmem>> -> memref<1x128xi32, #tpu.memory_space<vmem>>
      %dma_wait3A_112 = tpu.memref_squeeze %dma_wait3A_111 : memref<1x128xi32, #tpu.memory_space<vmem>> -> memref<128xi32, #tpu.memory_space<vmem>>
      %dma_wait3A_113 = arith.constant 0 : i32
      %dma_wait3A_114 = arith.constant 0 : i32
      %dma_wait3A_115 = tpu.memref_slice %arg6[%dma_wait3A_113, %dma_wait3A_114] : memref<10240x128xf32, #tpu.memory_space<vmem_shared>> -> memref<10240x128xf32, #tpu.memory_space<vmem_shared>>
      tpu.wait_indirect_dma semaphore(%arg14 : memref<!tpu.dma_semaphore, #tpu.memory_space<semaphore_mem>>) src(%arg10 : memref<128x128xf32, #tpu.memory_space<vmem>>) dst(%dma_wait3A_115 : memref<10240x128xf32, #tpu.memory_space<vmem_shared>>)
      %dma_start3A_116 = arith.constant 3 : i32
      %dma_start3A_117 = arith.constant 0 : i32
      %dma_start3A_118 = tpu.memref_slice %arg7[%dma_start3A_116, %dma_start3A_117] : memref<8x128xi32, #tpu.memory_space<vmem>> -> memref<1x128xi32, #tpu.memory_space<vmem>>
      %dma_start3A_119 = tpu.memref_squeeze %dma_start3A_118 : memref<1x128xi32, #tpu.memory_space<vmem>> -> memref<128xi32, #tpu.memory_space<vmem>>
      %dma_start3A_120 = arith.constant 0 : i32
      %dma_start3A_121 = arith.constant 0 : i32
      %dma_start3A_122 = tpu.memref_slice %arg4[%dma_start3A_120, %dma_start3A_121] : memref<10000x128xf32, #tpu.memory_space<hbm>> -> memref<10000x128xf32, #tpu.memory_space<hbm>>
      tpu.enqueue_indirect_dma source(%dma_start3A_122 : memref<10000x128xf32, #tpu.memory_space<hbm>>) target(%arg10 : memref<128x128xf32, #tpu.memory_space<vmem>>) offsets(%dma_start3A_119 : memref<128xi32, #tpu.memory_space<vmem>>) semaphore(%arg12 : memref<!tpu.dma_semaphore, #tpu.memory_space<semaphore_mem>>)
      %dma_wait3A_123 = arith.constant 2 : i32
      %dma_wait3A_124 = arith.constant 0 : i32
      %dma_wait3A_125 = tpu.memref_slice %arg7[%dma_wait3A_123, %dma_wait3A_124] : memref<8x128xi32, #tpu.memory_space<vmem>> -> memref<1x128xi32, #tpu.memory_space<vmem>>
      %dma_wait3A_126 = tpu.memref_squeeze %dma_wait3A_125 : memref<1x128xi32, #tpu.memory_space<vmem>> -> memref<128xi32, #tpu.memory_space<vmem>>
      %dma_wait3A_127 = arith.constant 0 : i32
      %dma_wait3A_128 = arith.constant 0 : i32
      %dma_wait3A_129 = tpu.memref_slice %arg4[%dma_wait3A_127, %dma_wait3A_128] : memref<10000x128xf32, #tpu.memory_space<hbm>> -> memref<10000x128xf32, #tpu.memory_space<hbm>>
      tpu.wait_indirect_dma semaphore(%arg11 : memref<!tpu.dma_semaphore, #tpu.memory_space<semaphore_mem>>) src(%dma_wait3A_129 : memref<10000x128xf32, #tpu.memory_space<hbm>>) dst(%arg9 : memref<128x128xf32, #tpu.memory_space<vmem>>)
      %dma_start3A_130 = arith.constant 2 : i32
      %dma_start3A_131 = arith.constant 0 : i32
      %dma_start3A_132 = tpu.memref_slice %arg8[%dma_start3A_130, %dma_start3A_131] : memref<8x128xi32, #tpu.memory_space<vmem>> -> memref<1x128xi32, #tpu.memory_space<vmem>>
      %dma_start3A_133 = tpu.memref_squeeze %dma_start3A_132 : memref<1x128xi32, #tpu.memory_space<vmem>> -> memref<128xi32, #tpu.memory_space<vmem>>
      %dma_start3A_134 = arith.constant 0 : i32
      %dma_start3A_135 = arith.constant 0 : i32
      %dma_start3A_136 = tpu.memref_slice %arg6[%dma_start3A_134, %dma_start3A_135] : memref<10240x128xf32, #tpu.memory_space<vmem_shared>> -> memref<10240x128xf32, #tpu.memory_space<vmem_shared>>
      tpu.enqueue_indirect_dma source(%arg9 : memref<128x128xf32, #tpu.memory_space<vmem>>) target(%dma_start3A_136 : memref<10240x128xf32, #tpu.memory_space<vmem_shared>>) offsets(%dma_start3A_133 : memref<128xi32, #tpu.memory_space<vmem>>) semaphore(%arg13 : memref<!tpu.dma_semaphore, #tpu.memory_space<semaphore_mem>>) {add = true}
      %dma_wait3A_137 = arith.constant 2 : i32
      %dma_wait3A_138 = arith.constant 0 : i32
      %dma_wait3A_139 = tpu.memref_slice %arg8[%dma_wait3A_137, %dma_wait3A_138] : memref<8x128xi32, #tpu.memory_space<vmem>> -> memref<1x128xi32, #tpu.memory_space<vmem>>
      %dma_wait3A_140 = tpu.memref_squeeze %dma_wait3A_139 : memref<1x128xi32, #tpu.memory_space<vmem>> -> memref<128xi32, #tpu.memory_space<vmem>>
      %dma_wait3A_141 = arith.constant 0 : i32
      %dma_wait3A_142 = arith.constant 0 : i32
      %dma_wait3A_143 = tpu.memref_slice %arg6[%dma_wait3A_141, %dma_wait3A_142] : memref<10240x128xf32, #tpu.memory_space<vmem_shared>> -> memref<10240x128xf32, #tpu.memory_space<vmem_shared>>
      tpu.wait_indirect_dma semaphore(%arg13 : memref<!tpu.dma_semaphore, #tpu.memory_space<semaphore_mem>>) src(%arg9 : memref<128x128xf32, #tpu.memory_space<vmem>>) dst(%dma_wait3A_143 : memref<10240x128xf32, #tpu.memory_space<vmem_shared>>)
      %dma_start3A_144 = arith.constant 4 : i32
      %dma_start3A_145 = arith.constant 0 : i32
      %dma_start3A_146 = tpu.memref_slice %arg7[%dma_start3A_144, %dma_start3A_145] : memref<8x128xi32, #tpu.memory_space<vmem>> -> memref<1x128xi32, #tpu.memory_space<vmem>>
      %dma_start3A_147 = tpu.memref_squeeze %dma_start3A_146 : memref<1x128xi32, #tpu.memory_space<vmem>> -> memref<128xi32, #tpu.memory_space<vmem>>
      %dma_start3A_148 = arith.constant 0 : i32
      %dma_start3A_149 = arith.constant 0 : i32
      %dma_start3A_150 = tpu.memref_slice %arg4[%dma_start3A_148, %dma_start3A_149] : memref<10000x128xf32, #tpu.memory_space<hbm>> -> memref<10000x128xf32, #tpu.memory_space<hbm>>
      tpu.enqueue_indirect_dma source(%dma_start3A_150 : memref<10000x128xf32, #tpu.memory_space<hbm>>) target(%arg9 : memref<128x128xf32, #tpu.memory_space<vmem>>) offsets(%dma_start3A_147 : memref<128xi32, #tpu.memory_space<vmem>>) semaphore(%arg11 : memref<!tpu.dma_semaphore, #tpu.memory_space<semaphore_mem>>)
      %dma_wait3A_151 = arith.constant 3 : i32
      %dma_wait3A_152 = arith.constant 0 : i32
      %dma_wait3A_153 = tpu.memref_slice %arg7[%dma_wait3A_151, %dma_wait3A_152] : memref<8x128xi32, #tpu.memory_space<vmem>> -> memref<1x128xi32, #tpu.memory_space<vmem>>
      %dma_wait3A_154 = tpu.memref_squeeze %dma_wait3A_153 : memref<1x128xi32, #tpu.memory_space<vmem>> -> memref<128xi32, #tpu.memory_space<vmem>>
      %dma_wait3A_155 = arith.constant 0 : i32
      %dma_wait3A_156 = arith.constant 0 : i32
      %dma_wait3A_157 = tpu.memref_slice %arg4[%dma_wait3A_155, %dma_wait3A_156] : memref<10000x128xf32, #tpu.memory_space<hbm>> -> memref<10000x128xf32, #tpu.memory_space<hbm>>
      tpu.wait_indirect_dma semaphore(%arg12 : memref<!tpu.dma_semaphore, #tpu.memory_space<semaphore_mem>>) src(%dma_wait3A_157 : memref<10000x128xf32, #tpu.memory_space<hbm>>) dst(%arg10 : memref<128x128xf32, #tpu.memory_space<vmem>>)
      %dma_start3A_158 = arith.constant 3 : i32
      %dma_start3A_159 = arith.constant 0 : i32
      %dma_start3A_160 = tpu.memref_slice %arg8[%dma_start3A_158, %dma_start3A_159] : memref<8x128xi32, #tpu.memory_space<vmem>> -> memref<1x128xi32, #tpu.memory_space<vmem>>
      %dma_start3A_161 = tpu.memref_squeeze %dma_start3A_160 : memref<1x128xi32, #tpu.memory_space<vmem>> -> memref<128xi32, #tpu.memory_space<vmem>>
      %dma_start3A_162 = arith.constant 0 : i32
      %dma_start3A_163 = arith.constant 0 : i32
      %dma_start3A_164 = tpu.memref_slice %arg6[%dma_start3A_162, %dma_start3A_163] : memref<10240x128xf32, #tpu.memory_space<vmem_shared>> -> memref<10240x128xf32, #tpu.memory_space<vmem_shared>>
      tpu.enqueue_indirect_dma source(%arg10 : memref<128x128xf32, #tpu.memory_space<vmem>>) target(%dma_start3A_164 : memref<10240x128xf32, #tpu.memory_space<vmem_shared>>) offsets(%dma_start3A_161 : memref<128xi32, #tpu.memory_space<vmem>>) semaphore(%arg14 : memref<!tpu.dma_semaphore, #tpu.memory_space<semaphore_mem>>) {add = true}
      %dma_wait3A_165 = arith.constant 3 : i32
      %dma_wait3A_166 = arith.constant 0 : i32
      %dma_wait3A_167 = tpu.memref_slice %arg8[%dma_wait3A_165, %dma_wait3A_166] : memref<8x128xi32, #tpu.memory_space<vmem>> -> memref<1x128xi32, #tpu.memory_space<vmem>>
      %dma_wait3A_168 = tpu.memref_squeeze %dma_wait3A_167 : memref<1x128xi32, #tpu.memory_space<vmem>> -> memref<128xi32, #tpu.memory_space<vmem>>
      %dma_wait3A_169 = arith.constant 0 : i32
      %dma_wait3A_170 = arith.constant 0 : i32
      %dma_wait3A_171 = tpu.memref_slice %arg6[%dma_wait3A_169, %dma_wait3A_170] : memref<10240x128xf32, #tpu.memory_space<vmem_shared>> -> memref<10240x128xf32, #tpu.memory_space<vmem_shared>>
      tpu.wait_indirect_dma semaphore(%arg14 : memref<!tpu.dma_semaphore, #tpu.memory_space<semaphore_mem>>) src(%arg10 : memref<128x128xf32, #tpu.memory_space<vmem>>) dst(%dma_wait3A_171 : memref<10240x128xf32, #tpu.memory_space<vmem_shared>>)
      %dma_start3A_172 = arith.constant 5 : i32
      %dma_start3A_173 = arith.constant 0 : i32
      %dma_start3A_174 = tpu.memref_slice %arg7[%dma_start3A_172, %dma_start3A_173] : memref<8x128xi32, #tpu.memory_space<vmem>> -> memref<1x128xi32, #tpu.memory_space<vmem>>
      %dma_start3A_175 = tpu.memref_squeeze %dma_start3A_174 : memref<1x128xi32, #tpu.memory_space<vmem>> -> memref<128xi32, #tpu.memory_space<vmem>>
      %dma_start3A_176 = arith.constant 0 : i32
      %dma_start3A_177 = arith.constant 0 : i32
      %dma_start3A_178 = tpu.memref_slice %arg4[%dma_start3A_176, %dma_start3A_177] : memref<10000x128xf32, #tpu.memory_space<hbm>> -> memref<10000x128xf32, #tpu.memory_space<hbm>>
      tpu.enqueue_indirect_dma source(%dma_start3A_178 : memref<10000x128xf32, #tpu.memory_space<hbm>>) target(%arg10 : memref<128x128xf32, #tpu.memory_space<vmem>>) offsets(%dma_start3A_175 : memref<128xi32, #tpu.memory_space<vmem>>) semaphore(%arg12 : memref<!tpu.dma_semaphore, #tpu.memory_space<semaphore_mem>>)
      %dma_wait3A_179 = arith.constant 4 : i32
      %dma_wait3A_180 = arith.constant 0 : i32
      %dma_wait3A_181 = tpu.memref_slice %arg7[%dma_wait3A_179, %dma_wait3A_180] : memref<8x128xi32, #tpu.memory_space<vmem>> -> memref<1x128xi32, #tpu.memory_space<vmem>>
      %dma_wait3A_182 = tpu.memref_squeeze %dma_wait3A_181 : memref<1x128xi32, #tpu.memory_space<vmem>> -> memref<128xi32, #tpu.memory_space<vmem>>
      %dma_wait3A_183 = arith.constant 0 : i32
      %dma_wait3A_184 = arith.constant 0 : i32
      %dma_wait3A_185 = tpu.memref_slice %arg4[%dma_wait3A_183, %dma_wait3A_184] : memref<10000x128xf32, #tpu.memory_space<hbm>> -> memref<10000x128xf32, #tpu.memory_space<hbm>>
      tpu.wait_indirect_dma semaphore(%arg11 : memref<!tpu.dma_semaphore, #tpu.memory_space<semaphore_mem>>) src(%dma_wait3A_185 : memref<10000x128xf32, #tpu.memory_space<hbm>>) dst(%arg9 : memref<128x128xf32, #tpu.memory_space<vmem>>)
      %dma_start3A_186 = arith.constant 4 : i32
      %dma_start3A_187 = arith.constant 0 : i32
      %dma_start3A_188 = tpu.memref_slice %arg8[%dma_start3A_186, %dma_start3A_187] : memref<8x128xi32, #tpu.memory_space<vmem>> -> memref<1x128xi32, #tpu.memory_space<vmem>>
      %dma_start3A_189 = tpu.memref_squeeze %dma_start3A_188 : memref<1x128xi32, #tpu.memory_space<vmem>> -> memref<128xi32, #tpu.memory_space<vmem>>
      %dma_start3A_190 = arith.constant 0 : i32
      %dma_start3A_191 = arith.constant 0 : i32
      %dma_start3A_192 = tpu.memref_slice %arg6[%dma_start3A_190, %dma_start3A_191] : memref<10240x128xf32, #tpu.memory_space<vmem_shared>> -> memref<10240x128xf32, #tpu.memory_space<vmem_shared>>
      tpu.enqueue_indirect_dma source(%arg9 : memref<128x128xf32, #tpu.memory_space<vmem>>) target(%dma_start3A_192 : memref<10240x128xf32, #tpu.memory_space<vmem_shared>>) offsets(%dma_start3A_189 : memref<128xi32, #tpu.memory_space<vmem>>) semaphore(%arg13 : memref<!tpu.dma_semaphore, #tpu.memory_space<semaphore_mem>>) {add = true}
      %dma_wait3A_193 = arith.constant 4 : i32
      %dma_wait3A_194 = arith.constant 0 : i32
      %dma_wait3A_195 = tpu.memref_slice %arg8[%dma_wait3A_193, %dma_wait3A_194] : memref<8x128xi32, #tpu.memory_space<vmem>> -> memref<1x128xi32, #tpu.memory_space<vmem>>
      %dma_wait3A_196 = tpu.memref_squeeze %dma_wait3A_195 : memref<1x128xi32, #tpu.memory_space<vmem>> -> memref<128xi32, #tpu.memory_space<vmem>>
      %dma_wait3A_197 = arith.constant 0 : i32
      %dma_wait3A_198 = arith.constant 0 : i32
      %dma_wait3A_199 = tpu.memref_slice %arg6[%dma_wait3A_197, %dma_wait3A_198] : memref<10240x128xf32, #tpu.memory_space<vmem_shared>> -> memref<10240x128xf32, #tpu.memory_space<vmem_shared>>
      tpu.wait_indirect_dma semaphore(%arg13 : memref<!tpu.dma_semaphore, #tpu.memory_space<semaphore_mem>>) src(%arg9 : memref<128x128xf32, #tpu.memory_space<vmem>>) dst(%dma_wait3A_199 : memref<10240x128xf32, #tpu.memory_space<vmem_shared>>)
      %dma_start3A_200 = arith.constant 6 : i32
      %dma_start3A_201 = arith.constant 0 : i32
      %dma_start3A_202 = tpu.memref_slice %arg7[%dma_start3A_200, %dma_start3A_201] : memref<8x128xi32, #tpu.memory_space<vmem>> -> memref<1x128xi32, #tpu.memory_space<vmem>>
      %dma_start3A_203 = tpu.memref_squeeze %dma_start3A_202 : memref<1x128xi32, #tpu.memory_space<vmem>> -> memref<128xi32, #tpu.memory_space<vmem>>
      %dma_start3A_204 = arith.constant 0 : i32
      %dma_start3A_205 = arith.constant 0 : i32
      %dma_start3A_206 = tpu.memref_slice %arg4[%dma_start3A_204, %dma_start3A_205] : memref<10000x128xf32, #tpu.memory_space<hbm>> -> memref<10000x128xf32, #tpu.memory_space<hbm>>
      tpu.enqueue_indirect_dma source(%dma_start3A_206 : memref<10000x128xf32, #tpu.memory_space<hbm>>) target(%arg9 : memref<128x128xf32, #tpu.memory_space<vmem>>) offsets(%dma_start3A_203 : memref<128xi32, #tpu.memory_space<vmem>>) semaphore(%arg11 : memref<!tpu.dma_semaphore, #tpu.memory_space<semaphore_mem>>)
      %dma_wait3A_207 = arith.constant 5 : i32
      %dma_wait3A_208 = arith.constant 0 : i32
      %dma_wait3A_209 = tpu.memref_slice %arg7[%dma_wait3A_207, %dma_wait3A_208] : memref<8x128xi32, #tpu.memory_space<vmem>> -> memref<1x128xi32, #tpu.memory_space<vmem>>
      %dma_wait3A_210 = tpu.memref_squeeze %dma_wait3A_209 : memref<1x128xi32, #tpu.memory_space<vmem>> -> memref<128xi32, #tpu.memory_space<vmem>>
      %dma_wait3A_211 = arith.constant 0 : i32
      %dma_wait3A_212 = arith.constant 0 : i32
      %dma_wait3A_213 = tpu.memref_slice %arg4[%dma_wait3A_211, %dma_wait3A_212] : memref<10000x128xf32, #tpu.memory_space<hbm>> -> memref<10000x128xf32, #tpu.memory_space<hbm>>
      tpu.wait_indirect_dma semaphore(%arg12 : memref<!tpu.dma_semaphore, #tpu.memory_space<semaphore_mem>>) src(%dma_wait3A_213 : memref<10000x128xf32, #tpu.memory_space<hbm>>) dst(%arg10 : memref<128x128xf32, #tpu.memory_space<vmem>>)
      %dma_start3A_214 = arith.constant 5 : i32
      %dma_start3A_215 = arith.constant 0 : i32
      %dma_start3A_216 = tpu.memref_slice %arg8[%dma_start3A_214, %dma_start3A_215] : memref<8x128xi32, #tpu.memory_space<vmem>> -> memref<1x128xi32, #tpu.memory_space<vmem>>
      %dma_start3A_217 = tpu.memref_squeeze %dma_start3A_216 : memref<1x128xi32, #tpu.memory_space<vmem>> -> memref<128xi32, #tpu.memory_space<vmem>>
      %dma_start3A_218 = arith.constant 0 : i32
      %dma_start3A_219 = arith.constant 0 : i32
      %dma_start3A_220 = tpu.memref_slice %arg6[%dma_start3A_218, %dma_start3A_219] : memref<10240x128xf32, #tpu.memory_space<vmem_shared>> -> memref<10240x128xf32, #tpu.memory_space<vmem_shared>>
      tpu.enqueue_indirect_dma source(%arg10 : memref<128x128xf32, #tpu.memory_space<vmem>>) target(%dma_start3A_220 : memref<10240x128xf32, #tpu.memory_space<vmem_shared>>) offsets(%dma_start3A_217 : memref<128xi32, #tpu.memory_space<vmem>>) semaphore(%arg14 : memref<!tpu.dma_semaphore, #tpu.memory_space<semaphore_mem>>) {add = true}
      %dma_wait3A_221 = arith.constant 5 : i32
      %dma_wait3A_222 = arith.constant 0 : i32
      %dma_wait3A_223 = tpu.memref_slice %arg8[%dma_wait3A_221, %dma_wait3A_222] : memref<8x128xi32, #tpu.memory_space<vmem>> -> memref<1x128xi32, #tpu.memory_space<vmem>>
      %dma_wait3A_224 = tpu.memref_squeeze %dma_wait3A_223 : memref<1x128xi32, #tpu.memory_space<vmem>> -> memref<128xi32, #tpu.memory_space<vmem>>
      %dma_wait3A_225 = arith.constant 0 : i32
      %dma_wait3A_226 = arith.constant 0 : i32
      %dma_wait3A_227 = tpu.memref_slice %arg6[%dma_wait3A_225, %dma_wait3A_226] : memref<10240x128xf32, #tpu.memory_space<vmem_shared>> -> memref<10240x128xf32, #tpu.memory_space<vmem_shared>>
      tpu.wait_indirect_dma semaphore(%arg14 : memref<!tpu.dma_semaphore, #tpu.memory_space<semaphore_mem>>) src(%arg10 : memref<128x128xf32, #tpu.memory_space<vmem>>) dst(%dma_wait3A_227 : memref<10240x128xf32, #tpu.memory_space<vmem_shared>>)
      %dma_start3A_228 = arith.constant 7 : i32
      %dma_start3A_229 = arith.constant 0 : i32
      %dma_start3A_230 = tpu.memref_slice %arg7[%dma_start3A_228, %dma_start3A_229] : memref<8x128xi32, #tpu.memory_space<vmem>> -> memref<1x128xi32, #tpu.memory_space<vmem>>
      %dma_start3A_231 = tpu.memref_squeeze %dma_start3A_230 : memref<1x128xi32, #tpu.memory_space<vmem>> -> memref<128xi32, #tpu.memory_space<vmem>>
      %dma_start3A_232 = arith.constant 0 : i32
      %dma_start3A_233 = arith.constant 0 : i32
      %dma_start3A_234 = tpu.memref_slice %arg4[%dma_start3A_232, %dma_start3A_233] : memref<10000x128xf32, #tpu.memory_space<hbm>> -> memref<10000x128xf32, #tpu.memory_space<hbm>>
      tpu.enqueue_indirect_dma source(%dma_start3A_234 : memref<10000x128xf32, #tpu.memory_space<hbm>>) target(%arg10 : memref<128x128xf32, #tpu.memory_space<vmem>>) offsets(%dma_start3A_231 : memref<128xi32, #tpu.memory_space<vmem>>) semaphore(%arg12 : memref<!tpu.dma_semaphore, #tpu.memory_space<semaphore_mem>>)
      %dma_wait3A_235 = arith.constant 6 : i32
      %dma_wait3A_236 = arith.constant 0 : i32
      %dma_wait3A_237 = tpu.memref_slice %arg7[%dma_wait3A_235, %dma_wait3A_236] : memref<8x128xi32, #tpu.memory_space<vmem>> -> memref<1x128xi32, #tpu.memory_space<vmem>>
      %dma_wait3A_238 = tpu.memref_squeeze %dma_wait3A_237 : memref<1x128xi32, #tpu.memory_space<vmem>> -> memref<128xi32, #tpu.memory_space<vmem>>
      %dma_wait3A_239 = arith.constant 0 : i32
      %dma_wait3A_240 = arith.constant 0 : i32
      %dma_wait3A_241 = tpu.memref_slice %arg4[%dma_wait3A_239, %dma_wait3A_240] : memref<10000x128xf32, #tpu.memory_space<hbm>> -> memref<10000x128xf32, #tpu.memory_space<hbm>>
      tpu.wait_indirect_dma semaphore(%arg11 : memref<!tpu.dma_semaphore, #tpu.memory_space<semaphore_mem>>) src(%dma_wait3A_241 : memref<10000x128xf32, #tpu.memory_space<hbm>>) dst(%arg9 : memref<128x128xf32, #tpu.memory_space<vmem>>)
      %dma_start3A_242 = arith.constant 6 : i32
      %dma_start3A_243 = arith.constant 0 : i32
      %dma_start3A_244 = tpu.memref_slice %arg8[%dma_start3A_242, %dma_start3A_243] : memref<8x128xi32, #tpu.memory_space<vmem>> -> memref<1x128xi32, #tpu.memory_space<vmem>>
      %dma_start3A_245 = tpu.memref_squeeze %dma_start3A_244 : memref<1x128xi32, #tpu.memory_space<vmem>> -> memref<128xi32, #tpu.memory_space<vmem>>
      %dma_start3A_246 = arith.constant 0 : i32
      %dma_start3A_247 = arith.constant 0 : i32
      %dma_start3A_248 = tpu.memref_slice %arg6[%dma_start3A_246, %dma_start3A_247] : memref<10240x128xf32, #tpu.memory_space<vmem_shared>> -> memref<10240x128xf32, #tpu.memory_space<vmem_shared>>
      tpu.enqueue_indirect_dma source(%arg9 : memref<128x128xf32, #tpu.memory_space<vmem>>) target(%dma_start3A_248 : memref<10240x128xf32, #tpu.memory_space<vmem_shared>>) offsets(%dma_start3A_245 : memref<128xi32, #tpu.memory_space<vmem>>) semaphore(%arg13 : memref<!tpu.dma_semaphore, #tpu.memory_space<semaphore_mem>>) {add = true}
      %dma_wait3A_249 = arith.constant 7 : i32
      %dma_wait3A_250 = arith.constant 0 : i32
      %dma_wait3A_251 = tpu.memref_slice %arg7[%dma_wait3A_249, %dma_wait3A_250] : memref<8x128xi32, #tpu.memory_space<vmem>> -> memref<1x128xi32, #tpu.memory_space<vmem>>
      %dma_wait3A_252 = tpu.memref_squeeze %dma_wait3A_251 : memref<1x128xi32, #tpu.memory_space<vmem>> -> memref<128xi32, #tpu.memory_space<vmem>>
      %dma_wait3A_253 = arith.constant 0 : i32
      %dma_wait3A_254 = arith.constant 0 : i32
      %dma_wait3A_255 = tpu.memref_slice %arg4[%dma_wait3A_253, %dma_wait3A_254] : memref<10000x128xf32, #tpu.memory_space<hbm>> -> memref<10000x128xf32, #tpu.memory_space<hbm>>
      tpu.wait_indirect_dma semaphore(%arg12 : memref<!tpu.dma_semaphore, #tpu.memory_space<semaphore_mem>>) src(%dma_wait3A_255 : memref<10000x128xf32, #tpu.memory_space<hbm>>) dst(%arg10 : memref<128x128xf32, #tpu.memory_space<vmem>>)
      %dma_start3A_256 = arith.constant 7 : i32
      %dma_start3A_257 = arith.constant 0 : i32
      %dma_start3A_258 = tpu.memref_slice %arg8[%dma_start3A_256, %dma_start3A_257] : memref<8x128xi32, #tpu.memory_space<vmem>> -> memref<1x128xi32, #tpu.memory_space<vmem>>
      %dma_start3A_259 = tpu.memref_squeeze %dma_start3A_258 : memref<1x128xi32, #tpu.memory_space<vmem>> -> memref<128xi32, #tpu.memory_space<vmem>>
      %dma_start3A_260 = arith.constant 0 : i32
      %dma_start3A_261 = arith.constant 0 : i32
      %dma_start3A_262 = tpu.memref_slice %arg6[%dma_start3A_260, %dma_start3A_261] : memref<10240x128xf32, #tpu.memory_space<vmem_shared>> -> memref<10240x128xf32, #tpu.memory_space<vmem_shared>>
      tpu.enqueue_indirect_dma source(%arg10 : memref<128x128xf32, #tpu.memory_space<vmem>>) target(%dma_start3A_262 : memref<10240x128xf32, #tpu.memory_space<vmem_shared>>) offsets(%dma_start3A_259 : memref<128xi32, #tpu.memory_space<vmem>>) semaphore(%arg14 : memref<!tpu.dma_semaphore, #tpu.memory_space<semaphore_mem>>) {add = true}
      %dma_wait3A_263 = arith.constant 6 : i32
      %dma_wait3A_264 = arith.constant 0 : i32
      %dma_wait3A_265 = tpu.memref_slice %arg8[%dma_wait3A_263, %dma_wait3A_264] : memref<8x128xi32, #tpu.memory_space<vmem>> -> memref<1x128xi32, #tpu.memory_space<vmem>>
      %dma_wait3A_266 = tpu.memref_squeeze %dma_wait3A_265 : memref<1x128xi32, #tpu.memory_space<vmem>> -> memref<128xi32, #tpu.memory_space<vmem>>
      %dma_wait3A_267 = arith.constant 0 : i32
      %dma_wait3A_268 = arith.constant 0 : i32
      %dma_wait3A_269 = tpu.memref_slice %arg6[%dma_wait3A_267, %dma_wait3A_268] : memref<10240x128xf32, #tpu.memory_space<vmem_shared>> -> memref<10240x128xf32, #tpu.memory_space<vmem_shared>>
      tpu.wait_indirect_dma semaphore(%arg13 : memref<!tpu.dma_semaphore, #tpu.memory_space<semaphore_mem>>) src(%arg9 : memref<128x128xf32, #tpu.memory_space<vmem>>) dst(%dma_wait3A_269 : memref<10240x128xf32, #tpu.memory_space<vmem_shared>>)
      %dma_wait3A_270 = arith.constant 7 : i32
      %dma_wait3A_271 = arith.constant 0 : i32
      %dma_wait3A_272 = tpu.memref_slice %arg8[%dma_wait3A_270, %dma_wait3A_271] : memref<8x128xi32, #tpu.memory_space<vmem>> -> memref<1x128xi32, #tpu.memory_space<vmem>>
      %dma_wait3A_273 = tpu.memref_squeeze %dma_wait3A_272 : memref<1x128xi32, #tpu.memory_space<vmem>> -> memref<128xi32, #tpu.memory_space<vmem>>
      %dma_wait3A_274 = arith.constant 0 : i32
      %dma_wait3A_275 = arith.constant 0 : i32
      %dma_wait3A_276 = tpu.memref_slice %arg6[%dma_wait3A_274, %dma_wait3A_275] : memref<10240x128xf32, #tpu.memory_space<vmem_shared>> -> memref<10240x128xf32, #tpu.memory_space<vmem_shared>>
      tpu.wait_indirect_dma semaphore(%arg14 : memref<!tpu.dma_semaphore, #tpu.memory_space<semaphore_mem>>) src(%arg10 : memref<128x128xf32, #tpu.memory_space<vmem>>) dst(%dma_wait3A_276 : memref<10240x128xf32, #tpu.memory_space<vmem_shared>>)
      %while3A_277 = arith.constant 0 : i32
      scf.yield %while3A_277 : i32
    }
    %while3A_45 = arith.constant 1 : i32
    %while3A_46 = scf.for %while3A_50 = %while3A_42 to %while3A_38 step %while3A_45 iter_args(%while3A_51 = %while3A_44) -> (i32)  : i32 {
      %mul3A_52 = arith.constant 8 : i32
      %mul3A_53 = arith.muli %while3A_50, %mul3A_52 : i32
      %add3A_54 = arith.addi %select_n3A, %mul3A_53 : i32
      "tpu.region"() ({
        %run_scoped3A = tpu.sem_alloc : memref<!tpu.dma_semaphore, #tpu.memory_space<semaphore_mem>>
        %dma_start3A_278 = arith.constant 0 : i32
        %dma_start3A_279 = tpu.memref_slice %arg2[%add3A_54, %dma_start3A_278] : memref<2560x128xi32, #tpu.memory_space<hbm>> -> memref<8x128xi32, #tpu.memory_space<hbm>>
        %dma_start3A_280 = arith.constant 0 : i32
        %dma_start3A_281 = tpu.memref_slice %arg2[%add3A_54, %dma_start3A_280] : memref<2560x128xi32, #tpu.memory_space<hbm>> -> memref<8x128xi32, #tpu.memory_space<hbm>>
        tpu.enqueue_dma source(%dma_start3A_281 : memref<8x128xi32, #tpu.memory_space<hbm>>) target(%arg7 : memref<8x128xi32, #tpu.memory_space<vmem>>) target_semaphore(%run_scoped3A : memref<!tpu.dma_semaphore, #tpu.memory_space<semaphore_mem>>)
        %dma_wait3A_282 = arith.constant 0 : i32
        %dma_wait3A_283 = tpu.memref_slice %arg2[%add3A_54, %dma_wait3A_282] : memref<2560x128xi32, #tpu.memory_space<hbm>> -> memref<8x128xi32, #tpu.memory_space<hbm>>
        %dma_wait3A_284 = arith.constant 0 : i32
        %dma_wait3A_285 = tpu.memref_slice %arg2[%add3A_54, %dma_wait3A_284] : memref<2560x128xi32, #tpu.memory_space<hbm>> -> memref<8x128xi32, #tpu.memory_space<hbm>>
        tpu.wait_dma2 semaphore(%run_scoped3A : memref<!tpu.dma_semaphore, #tpu.memory_space<semaphore_mem>>) src(%dma_wait3A_285 : memref<8x128xi32, #tpu.memory_space<hbm>>) dst(%arg7 : memref<8x128xi32, #tpu.memory_space<vmem>>)
        tpu.yield
      }) : () -> ()
      "tpu.region"() ({
        %run_scoped3A = tpu.sem_alloc : memref<!tpu.dma_semaphore, #tpu.memory_space<semaphore_mem>>
        %dma_start3A_278 = arith.constant 0 : i32
        %dma_start3A_279 = tpu.memref_slice %arg3[%add3A_54, %dma_start3A_278] : memref<2560x128xi32, #tpu.memory_space<hbm>> -> memref<8x128xi32, #tpu.memory_space<hbm>>
        %dma_start3A_280 = arith.constant 0 : i32
        %dma_start3A_281 = tpu.memref_slice %arg3[%add3A_54, %dma_start3A_280] : memref<2560x128xi32, #tpu.memory_space<hbm>> -> memref<8x128xi32, #tpu.memory_space<hbm>>
        tpu.enqueue_dma source(%dma_start3A_281 : memref<8x128xi32, #tpu.memory_space<hbm>>) target(%arg8 : memref<8x128xi32, #tpu.memory_space<vmem>>) target_semaphore(%run_scoped3A : memref<!tpu.dma_semaphore, #tpu.memory_space<semaphore_mem>>)
        %dma_wait3A_282 = arith.constant 0 : i32
        %dma_wait3A_283 = tpu.memref_slice %arg3[%add3A_54, %dma_wait3A_282] : memref<2560x128xi32, #tpu.memory_space<hbm>> -> memref<8x128xi32, #tpu.memory_space<hbm>>
        %dma_wait3A_284 = arith.constant 0 : i32
        %dma_wait3A_285 = tpu.memref_slice %arg3[%add3A_54, %dma_wait3A_284] : memref<2560x128xi32, #tpu.memory_space<hbm>> -> memref<8x128xi32, #tpu.memory_space<hbm>>
        tpu.wait_dma2 semaphore(%run_scoped3A : memref<!tpu.dma_semaphore, #tpu.memory_space<semaphore_mem>>) src(%dma_wait3A_285 : memref<8x128xi32, #tpu.memory_space<hbm>>) dst(%arg8 : memref<8x128xi32, #tpu.memory_space<vmem>>)
        tpu.yield
      }) : () -> ()
      %dma_start3A = arith.constant 0 : i32
      %dma_start3A_55 = arith.constant 0 : i32
      %dma_start3A_56 = tpu.memref_slice %arg7[%dma_start3A, %dma_start3A_55] : memref<8x128xi32, #tpu.memory_space<vmem>> -> memref<1x128xi32, #tpu.memory_space<vmem>>
      %dma_start3A_57 = tpu.memref_squeeze %dma_start3A_56 : memref<1x128xi32, #tpu.memory_space<vmem>> -> memref<128xi32, #tpu.memory_space<vmem>>
      %dma_start3A_58 = arith.constant 0 : i32
      %dma_start3A_59 = arith.constant 0 : i32
      %dma_start3A_60 = tpu.memref_slice %arg4[%dma_start3A_58, %dma_start3A_59] : memref<10000x128xf32, #tpu.memory_space<hbm>> -> memref<10000x128xf32, #tpu.memory_space<hbm>>
      tpu.enqueue_indirect_dma source(%dma_start3A_60 : memref<10000x128xf32, #tpu.memory_space<hbm>>) target(%arg9 : memref<128x128xf32, #tpu.memory_space<vmem>>) offsets(%dma_start3A_57 : memref<128xi32, #tpu.memory_space<vmem>>) semaphore(%arg11 : memref<!tpu.dma_semaphore, #tpu.memory_space<semaphore_mem>>)
      %dma_start3A_61 = arith.constant 1 : i32
      %dma_start3A_62 = arith.constant 0 : i32
      %dma_start3A_63 = tpu.memref_slice %arg7[%dma_start3A_61, %dma_start3A_62] : memref<8x128xi32, #tpu.memory_space<vmem>> -> memref<1x128xi32, #tpu.memory_space<vmem>>
      %dma_start3A_64 = tpu.memref_squeeze %dma_start3A_63 : memref<1x128xi32, #tpu.memory_space<vmem>> -> memref<128xi32, #tpu.memory_space<vmem>>
      %dma_start3A_65 = arith.constant 0 : i32
      %dma_start3A_66 = arith.constant 0 : i32
      %dma_start3A_67 = tpu.memref_slice %arg4[%dma_start3A_65, %dma_start3A_66] : memref<10000x128xf32, #tpu.memory_space<hbm>> -> memref<10000x128xf32, #tpu.memory_space<hbm>>
      tpu.enqueue_indirect_dma source(%dma_start3A_67 : memref<10000x128xf32, #tpu.memory_space<hbm>>) target(%arg10 : memref<128x128xf32, #tpu.memory_space<vmem>>) offsets(%dma_start3A_64 : memref<128xi32, #tpu.memory_space<vmem>>) semaphore(%arg12 : memref<!tpu.dma_semaphore, #tpu.memory_space<semaphore_mem>>)
      %dma_wait3A = arith.constant 0 : i32
      %dma_wait3A_68 = arith.constant 0 : i32
      %dma_wait3A_69 = tpu.memref_slice %arg7[%dma_wait3A, %dma_wait3A_68] : memref<8x128xi32, #tpu.memory_space<vmem>> -> memref<1x128xi32, #tpu.memory_space<vmem>>
      %dma_wait3A_70 = tpu.memref_squeeze %dma_wait3A_69 : memref<1x128xi32, #tpu.memory_space<vmem>> -> memref<128xi32, #tpu.memory_space<vmem>>
      %dma_wait3A_71 = arith.constant 0 : i32
      %dma_wait3A_72 = arith.constant 0 : i32
      %dma_wait3A_73 = tpu.memref_slice %arg4[%dma_wait3A_71, %dma_wait3A_72] : memref<10000x128xf32, #tpu.memory_space<hbm>> -> memref<10000x128xf32, #tpu.memory_space<hbm>>
      tpu.wait_indirect_dma semaphore(%arg11 : memref<!tpu.dma_semaphore, #tpu.memory_space<semaphore_mem>>) src(%dma_wait3A_73 : memref<10000x128xf32, #tpu.memory_space<hbm>>) dst(%arg9 : memref<128x128xf32, #tpu.memory_space<vmem>>)
      %dma_start3A_74 = arith.constant 0 : i32
      %dma_start3A_75 = arith.constant 0 : i32
      %dma_start3A_76 = tpu.memref_slice %arg8[%dma_start3A_74, %dma_start3A_75] : memref<8x128xi32, #tpu.memory_space<vmem>> -> memref<1x128xi32, #tpu.memory_space<vmem>>
      %dma_start3A_77 = tpu.memref_squeeze %dma_start3A_76 : memref<1x128xi32, #tpu.memory_space<vmem>> -> memref<128xi32, #tpu.memory_space<vmem>>
      %dma_start3A_78 = arith.constant 0 : i32
      %dma_start3A_79 = arith.constant 0 : i32
      %dma_start3A_80 = tpu.memref_slice %arg6[%dma_start3A_78, %dma_start3A_79] : memref<10240x128xf32, #tpu.memory_space<vmem_shared>> -> memref<10240x128xf32, #tpu.memory_space<vmem_shared>>
      tpu.enqueue_indirect_dma source(%arg9 : memref<128x128xf32, #tpu.memory_space<vmem>>) target(%dma_start3A_80 : memref<10240x128xf32, #tpu.memory_space<vmem_shared>>) offsets(%dma_start3A_77 : memref<128xi32, #tpu.memory_space<vmem>>) semaphore(%arg13 : memref<!tpu.dma_semaphore, #tpu.memory_space<semaphore_mem>>) {add = true}
      %dma_wait3A_81 = arith.constant 0 : i32
      %dma_wait3A_82 = arith.constant 0 : i32
      %dma_wait3A_83 = tpu.memref_slice %arg8[%dma_wait3A_81, %dma_wait3A_82] : memref<8x128xi32, #tpu.memory_space<vmem>> -> memref<1x128xi32, #tpu.memory_space<vmem>>
      %dma_wait3A_84 = tpu.memref_squeeze %dma_wait3A_83 : memref<1x128xi32, #tpu.memory_space<vmem>> -> memref<128xi32, #tpu.memory_space<vmem>>
      %dma_wait3A_85 = arith.constant 0 : i32
      %dma_wait3A_86 = arith.constant 0 : i32
      %dma_wait3A_87 = tpu.memref_slice %arg6[%dma_wait3A_85, %dma_wait3A_86] : memref<10240x128xf32, #tpu.memory_space<vmem_shared>> -> memref<10240x128xf32, #tpu.memory_space<vmem_shared>>
      tpu.wait_indirect_dma semaphore(%arg13 : memref<!tpu.dma_semaphore, #tpu.memory_space<semaphore_mem>>) src(%arg9 : memref<128x128xf32, #tpu.memory_space<vmem>>) dst(%dma_wait3A_87 : memref<10240x128xf32, #tpu.memory_space<vmem_shared>>)
      %dma_start3A_88 = arith.constant 2 : i32
      %dma_start3A_89 = arith.constant 0 : i32
      %dma_start3A_90 = tpu.memref_slice %arg7[%dma_start3A_88, %dma_start3A_89] : memref<8x128xi32, #tpu.memory_space<vmem>> -> memref<1x128xi32, #tpu.memory_space<vmem>>
      %dma_start3A_91 = tpu.memref_squeeze %dma_start3A_90 : memref<1x128xi32, #tpu.memory_space<vmem>> -> memref<128xi32, #tpu.memory_space<vmem>>
      %dma_start3A_92 = arith.constant 0 : i32
      %dma_start3A_93 = arith.constant 0 : i32
      %dma_start3A_94 = tpu.memref_slice %arg4[%dma_start3A_92, %dma_start3A_93] : memref<10000x128xf32, #tpu.memory_space<hbm>> -> memref<10000x128xf32, #tpu.memory_space<hbm>>
      tpu.enqueue_indirect_dma source(%dma_start3A_94 : memref<10000x128xf32, #tpu.memory_space<hbm>>) target(%arg9 : memref<128x128xf32, #tpu.memory_space<vmem>>) offsets(%dma_start3A_91 : memref<128xi32, #tpu.memory_space<vmem>>) semaphore(%arg11 : memref<!tpu.dma_semaphore, #tpu.memory_space<semaphore_mem>>)
      %dma_wait3A_95 = arith.constant 1 : i32
      %dma_wait3A_96 = arith.constant 0 : i32
      %dma_wait3A_97 = tpu.memref_slice %arg7[%dma_wait3A_95, %dma_wait3A_96] : memref<8x128xi32, #tpu.memory_space<vmem>> -> memref<1x128xi32, #tpu.memory_space<vmem>>
      %dma_wait3A_98 = tpu.memref_squeeze %dma_wait3A_97 : memref<1x128xi32, #tpu.memory_space<vmem>> -> memref<128xi32, #tpu.memory_space<vmem>>
      %dma_wait3A_99 = arith.constant 0 : i32
      %dma_wait3A_100 = arith.constant 0 : i32
      %dma_wait3A_101 = tpu.memref_slice %arg4[%dma_wait3A_99, %dma_wait3A_100] : memref<10000x128xf32, #tpu.memory_space<hbm>> -> memref<10000x128xf32, #tpu.memory_space<hbm>>
      tpu.wait_indirect_dma semaphore(%arg12 : memref<!tpu.dma_semaphore, #tpu.memory_space<semaphore_mem>>) src(%dma_wait3A_101 : memref<10000x128xf32, #tpu.memory_space<hbm>>) dst(%arg10 : memref<128x128xf32, #tpu.memory_space<vmem>>)
      %dma_start3A_102 = arith.constant 1 : i32
      %dma_start3A_103 = arith.constant 0 : i32
      %dma_start3A_104 = tpu.memref_slice %arg8[%dma_start3A_102, %dma_start3A_103] : memref<8x128xi32, #tpu.memory_space<vmem>> -> memref<1x128xi32, #tpu.memory_space<vmem>>
      %dma_start3A_105 = tpu.memref_squeeze %dma_start3A_104 : memref<1x128xi32, #tpu.memory_space<vmem>> -> memref<128xi32, #tpu.memory_space<vmem>>
      %dma_start3A_106 = arith.constant 0 : i32
      %dma_start3A_107 = arith.constant 0 : i32
      %dma_start3A_108 = tpu.memref_slice %arg6[%dma_start3A_106, %dma_start3A_107] : memref<10240x128xf32, #tpu.memory_space<vmem_shared>> -> memref<10240x128xf32, #tpu.memory_space<vmem_shared>>
      tpu.enqueue_indirect_dma source(%arg10 : memref<128x128xf32, #tpu.memory_space<vmem>>) target(%dma_start3A_108 : memref<10240x128xf32, #tpu.memory_space<vmem_shared>>) offsets(%dma_start3A_105 : memref<128xi32, #tpu.memory_space<vmem>>) semaphore(%arg14 : memref<!tpu.dma_semaphore, #tpu.memory_space<semaphore_mem>>) {add = true}
      %dma_wait3A_109 = arith.constant 1 : i32
      %dma_wait3A_110 = arith.constant 0 : i32
      %dma_wait3A_111 = tpu.memref_slice %arg8[%dma_wait3A_109, %dma_wait3A_110] : memref<8x128xi32, #tpu.memory_space<vmem>> -> memref<1x128xi32, #tpu.memory_space<vmem>>
      %dma_wait3A_112 = tpu.memref_squeeze %dma_wait3A_111 : memref<1x128xi32, #tpu.memory_space<vmem>> -> memref<128xi32, #tpu.memory_space<vmem>>
      %dma_wait3A_113 = arith.constant 0 : i32
      %dma_wait3A_114 = arith.constant 0 : i32
      %dma_wait3A_115 = tpu.memref_slice %arg6[%dma_wait3A_113, %dma_wait3A_114] : memref<10240x128xf32, #tpu.memory_space<vmem_shared>> -> memref<10240x128xf32, #tpu.memory_space<vmem_shared>>
      tpu.wait_indirect_dma semaphore(%arg14 : memref<!tpu.dma_semaphore, #tpu.memory_space<semaphore_mem>>) src(%arg10 : memref<128x128xf32, #tpu.memory_space<vmem>>) dst(%dma_wait3A_115 : memref<10240x128xf32, #tpu.memory_space<vmem_shared>>)
      %dma_start3A_116 = arith.constant 3 : i32
      %dma_start3A_117 = arith.constant 0 : i32
      %dma_start3A_118 = tpu.memref_slice %arg7[%dma_start3A_116, %dma_start3A_117] : memref<8x128xi32, #tpu.memory_space<vmem>> -> memref<1x128xi32, #tpu.memory_space<vmem>>
      %dma_start3A_119 = tpu.memref_squeeze %dma_start3A_118 : memref<1x128xi32, #tpu.memory_space<vmem>> -> memref<128xi32, #tpu.memory_space<vmem>>
      %dma_start3A_120 = arith.constant 0 : i32
      %dma_start3A_121 = arith.constant 0 : i32
      %dma_start3A_122 = tpu.memref_slice %arg4[%dma_start3A_120, %dma_start3A_121] : memref<10000x128xf32, #tpu.memory_space<hbm>> -> memref<10000x128xf32, #tpu.memory_space<hbm>>
      tpu.enqueue_indirect_dma source(%dma_start3A_122 : memref<10000x128xf32, #tpu.memory_space<hbm>>) target(%arg10 : memref<128x128xf32, #tpu.memory_space<vmem>>) offsets(%dma_start3A_119 : memref<128xi32, #tpu.memory_space<vmem>>) semaphore(%arg12 : memref<!tpu.dma_semaphore, #tpu.memory_space<semaphore_mem>>)
      %dma_wait3A_123 = arith.constant 2 : i32
      %dma_wait3A_124 = arith.constant 0 : i32
      %dma_wait3A_125 = tpu.memref_slice %arg7[%dma_wait3A_123, %dma_wait3A_124] : memref<8x128xi32, #tpu.memory_space<vmem>> -> memref<1x128xi32, #tpu.memory_space<vmem>>
      %dma_wait3A_126 = tpu.memref_squeeze %dma_wait3A_125 : memref<1x128xi32, #tpu.memory_space<vmem>> -> memref<128xi32, #tpu.memory_space<vmem>>
      %dma_wait3A_127 = arith.constant 0 : i32
      %dma_wait3A_128 = arith.constant 0 : i32
      %dma_wait3A_129 = tpu.memref_slice %arg4[%dma_wait3A_127, %dma_wait3A_128] : memref<10000x128xf32, #tpu.memory_space<hbm>> -> memref<10000x128xf32, #tpu.memory_space<hbm>>
      tpu.wait_indirect_dma semaphore(%arg11 : memref<!tpu.dma_semaphore, #tpu.memory_space<semaphore_mem>>) src(%dma_wait3A_129 : memref<10000x128xf32, #tpu.memory_space<hbm>>) dst(%arg9 : memref<128x128xf32, #tpu.memory_space<vmem>>)
      %dma_start3A_130 = arith.constant 2 : i32
      %dma_start3A_131 = arith.constant 0 : i32
      %dma_start3A_132 = tpu.memref_slice %arg8[%dma_start3A_130, %dma_start3A_131] : memref<8x128xi32, #tpu.memory_space<vmem>> -> memref<1x128xi32, #tpu.memory_space<vmem>>
      %dma_start3A_133 = tpu.memref_squeeze %dma_start3A_132 : memref<1x128xi32, #tpu.memory_space<vmem>> -> memref<128xi32, #tpu.memory_space<vmem>>
      %dma_start3A_134 = arith.constant 0 : i32
      %dma_start3A_135 = arith.constant 0 : i32
      %dma_start3A_136 = tpu.memref_slice %arg6[%dma_start3A_134, %dma_start3A_135] : memref<10240x128xf32, #tpu.memory_space<vmem_shared>> -> memref<10240x128xf32, #tpu.memory_space<vmem_shared>>
      tpu.enqueue_indirect_dma source(%arg9 : memref<128x128xf32, #tpu.memory_space<vmem>>) target(%dma_start3A_136 : memref<10240x128xf32, #tpu.memory_space<vmem_shared>>) offsets(%dma_start3A_133 : memref<128xi32, #tpu.memory_space<vmem>>) semaphore(%arg13 : memref<!tpu.dma_semaphore, #tpu.memory_space<semaphore_mem>>) {add = true}
      %dma_wait3A_137 = arith.constant 2 : i32
      %dma_wait3A_138 = arith.constant 0 : i32
      %dma_wait3A_139 = tpu.memref_slice %arg8[%dma_wait3A_137, %dma_wait3A_138] : memref<8x128xi32, #tpu.memory_space<vmem>> -> memref<1x128xi32, #tpu.memory_space<vmem>>
      %dma_wait3A_140 = tpu.memref_squeeze %dma_wait3A_139 : memref<1x128xi32, #tpu.memory_space<vmem>> -> memref<128xi32, #tpu.memory_space<vmem>>
      %dma_wait3A_141 = arith.constant 0 : i32
      %dma_wait3A_142 = arith.constant 0 : i32
      %dma_wait3A_143 = tpu.memref_slice %arg6[%dma_wait3A_141, %dma_wait3A_142] : memref<10240x128xf32, #tpu.memory_space<vmem_shared>> -> memref<10240x128xf32, #tpu.memory_space<vmem_shared>>
      tpu.wait_indirect_dma semaphore(%arg13 : memref<!tpu.dma_semaphore, #tpu.memory_space<semaphore_mem>>) src(%arg9 : memref<128x128xf32, #tpu.memory_space<vmem>>) dst(%dma_wait3A_143 : memref<10240x128xf32, #tpu.memory_space<vmem_shared>>)
      %dma_start3A_144 = arith.constant 4 : i32
      %dma_start3A_145 = arith.constant 0 : i32
      %dma_start3A_146 = tpu.memref_slice %arg7[%dma_start3A_144, %dma_start3A_145] : memref<8x128xi32, #tpu.memory_space<vmem>> -> memref<1x128xi32, #tpu.memory_space<vmem>>
      %dma_start3A_147 = tpu.memref_squeeze %dma_start3A_146 : memref<1x128xi32, #tpu.memory_space<vmem>> -> memref<128xi32, #tpu.memory_space<vmem>>
      %dma_start3A_148 = arith.constant 0 : i32
      %dma_start3A_149 = arith.constant 0 : i32
      %dma_start3A_150 = tpu.memref_slice %arg4[%dma_start3A_148, %dma_start3A_149] : memref<10000x128xf32, #tpu.memory_space<hbm>> -> memref<10000x128xf32, #tpu.memory_space<hbm>>
      tpu.enqueue_indirect_dma source(%dma_start3A_150 : memref<10000x128xf32, #tpu.memory_space<hbm>>) target(%arg9 : memref<128x128xf32, #tpu.memory_space<vmem>>) offsets(%dma_start3A_147 : memref<128xi32, #tpu.memory_space<vmem>>) semaphore(%arg11 : memref<!tpu.dma_semaphore, #tpu.memory_space<semaphore_mem>>)
      %dma_wait3A_151 = arith.constant 3 : i32
      %dma_wait3A_152 = arith.constant 0 : i32
      %dma_wait3A_153 = tpu.memref_slice %arg7[%dma_wait3A_151, %dma_wait3A_152] : memref<8x128xi32, #tpu.memory_space<vmem>> -> memref<1x128xi32, #tpu.memory_space<vmem>>
      %dma_wait3A_154 = tpu.memref_squeeze %dma_wait3A_153 : memref<1x128xi32, #tpu.memory_space<vmem>> -> memref<128xi32, #tpu.memory_space<vmem>>
      %dma_wait3A_155 = arith.constant 0 : i32
      %dma_wait3A_156 = arith.constant 0 : i32
      %dma_wait3A_157 = tpu.memref_slice %arg4[%dma_wait3A_155, %dma_wait3A_156] : memref<10000x128xf32, #tpu.memory_space<hbm>> -> memref<10000x128xf32, #tpu.memory_space<hbm>>
      tpu.wait_indirect_dma semaphore(%arg12 : memref<!tpu.dma_semaphore, #tpu.memory_space<semaphore_mem>>) src(%dma_wait3A_157 : memref<10000x128xf32, #tpu.memory_space<hbm>>) dst(%arg10 : memref<128x128xf32, #tpu.memory_space<vmem>>)
      %dma_start3A_158 = arith.constant 3 : i32
      %dma_start3A_159 = arith.constant 0 : i32
      %dma_start3A_160 = tpu.memref_slice %arg8[%dma_start3A_158, %dma_start3A_159] : memref<8x128xi32, #tpu.memory_space<vmem>> -> memref<1x128xi32, #tpu.memory_space<vmem>>
      %dma_start3A_161 = tpu.memref_squeeze %dma_start3A_160 : memref<1x128xi32, #tpu.memory_space<vmem>> -> memref<128xi32, #tpu.memory_space<vmem>>
      %dma_start3A_162 = arith.constant 0 : i32
      %dma_start3A_163 = arith.constant 0 : i32
      %dma_start3A_164 = tpu.memref_slice %arg6[%dma_start3A_162, %dma_start3A_163] : memref<10240x128xf32, #tpu.memory_space<vmem_shared>> -> memref<10240x128xf32, #tpu.memory_space<vmem_shared>>
      tpu.enqueue_indirect_dma source(%arg10 : memref<128x128xf32, #tpu.memory_space<vmem>>) target(%dma_start3A_164 : memref<10240x128xf32, #tpu.memory_space<vmem_shared>>) offsets(%dma_start3A_161 : memref<128xi32, #tpu.memory_space<vmem>>) semaphore(%arg14 : memref<!tpu.dma_semaphore, #tpu.memory_space<semaphore_mem>>) {add = true}
      %dma_wait3A_165 = arith.constant 3 : i32
      %dma_wait3A_166 = arith.constant 0 : i32
      %dma_wait3A_167 = tpu.memref_slice %arg8[%dma_wait3A_165, %dma_wait3A_166] : memref<8x128xi32, #tpu.memory_space<vmem>> -> memref<1x128xi32, #tpu.memory_space<vmem>>
      %dma_wait3A_168 = tpu.memref_squeeze %dma_wait3A_167 : memref<1x128xi32, #tpu.memory_space<vmem>> -> memref<128xi32, #tpu.memory_space<vmem>>
      %dma_wait3A_169 = arith.constant 0 : i32
      %dma_wait3A_170 = arith.constant 0 : i32
      %dma_wait3A_171 = tpu.memref_slice %arg6[%dma_wait3A_169, %dma_wait3A_170] : memref<10240x128xf32, #tpu.memory_space<vmem_shared>> -> memref<10240x128xf32, #tpu.memory_space<vmem_shared>>
      tpu.wait_indirect_dma semaphore(%arg14 : memref<!tpu.dma_semaphore, #tpu.memory_space<semaphore_mem>>) src(%arg10 : memref<128x128xf32, #tpu.memory_space<vmem>>) dst(%dma_wait3A_171 : memref<10240x128xf32, #tpu.memory_space<vmem_shared>>)
      %dma_start3A_172 = arith.constant 5 : i32
      %dma_start3A_173 = arith.constant 0 : i32
      %dma_start3A_174 = tpu.memref_slice %arg7[%dma_start3A_172, %dma_start3A_173] : memref<8x128xi32, #tpu.memory_space<vmem>> -> memref<1x128xi32, #tpu.memory_space<vmem>>
      %dma_start3A_175 = tpu.memref_squeeze %dma_start3A_174 : memref<1x128xi32, #tpu.memory_space<vmem>> -> memref<128xi32, #tpu.memory_space<vmem>>
      %dma_start3A_176 = arith.constant 0 : i32
      %dma_start3A_177 = arith.constant 0 : i32
      %dma_start3A_178 = tpu.memref_slice %arg4[%dma_start3A_176, %dma_start3A_177] : memref<10000x128xf32, #tpu.memory_space<hbm>> -> memref<10000x128xf32, #tpu.memory_space<hbm>>
      tpu.enqueue_indirect_dma source(%dma_start3A_178 : memref<10000x128xf32, #tpu.memory_space<hbm>>) target(%arg10 : memref<128x128xf32, #tpu.memory_space<vmem>>) offsets(%dma_start3A_175 : memref<128xi32, #tpu.memory_space<vmem>>) semaphore(%arg12 : memref<!tpu.dma_semaphore, #tpu.memory_space<semaphore_mem>>)
      %dma_wait3A_179 = arith.constant 4 : i32
      %dma_wait3A_180 = arith.constant 0 : i32
      %dma_wait3A_181 = tpu.memref_slice %arg7[%dma_wait3A_179, %dma_wait3A_180] : memref<8x128xi32, #tpu.memory_space<vmem>> -> memref<1x128xi32, #tpu.memory_space<vmem>>
      %dma_wait3A_182 = tpu.memref_squeeze %dma_wait3A_181 : memref<1x128xi32, #tpu.memory_space<vmem>> -> memref<128xi32, #tpu.memory_space<vmem>>
      %dma_wait3A_183 = arith.constant 0 : i32
      %dma_wait3A_184 = arith.constant 0 : i32
      %dma_wait3A_185 = tpu.memref_slice %arg4[%dma_wait3A_183, %dma_wait3A_184] : memref<10000x128xf32, #tpu.memory_space<hbm>> -> memref<10000x128xf32, #tpu.memory_space<hbm>>
      tpu.wait_indirect_dma semaphore(%arg11 : memref<!tpu.dma_semaphore, #tpu.memory_space<semaphore_mem>>) src(%dma_wait3A_185 : memref<10000x128xf32, #tpu.memory_space<hbm>>) dst(%arg9 : memref<128x128xf32, #tpu.memory_space<vmem>>)
      %dma_start3A_186 = arith.constant 4 : i32
      %dma_start3A_187 = arith.constant 0 : i32
      %dma_start3A_188 = tpu.memref_slice %arg8[%dma_start3A_186, %dma_start3A_187] : memref<8x128xi32, #tpu.memory_space<vmem>> -> memref<1x128xi32, #tpu.memory_space<vmem>>
      %dma_start3A_189 = tpu.memref_squeeze %dma_start3A_188 : memref<1x128xi32, #tpu.memory_space<vmem>> -> memref<128xi32, #tpu.memory_space<vmem>>
      %dma_start3A_190 = arith.constant 0 : i32
      %dma_start3A_191 = arith.constant 0 : i32
      %dma_start3A_192 = tpu.memref_slice %arg6[%dma_start3A_190, %dma_start3A_191] : memref<10240x128xf32, #tpu.memory_space<vmem_shared>> -> memref<10240x128xf32, #tpu.memory_space<vmem_shared>>
      tpu.enqueue_indirect_dma source(%arg9 : memref<128x128xf32, #tpu.memory_space<vmem>>) target(%dma_start3A_192 : memref<10240x128xf32, #tpu.memory_space<vmem_shared>>) offsets(%dma_start3A_189 : memref<128xi32, #tpu.memory_space<vmem>>) semaphore(%arg13 : memref<!tpu.dma_semaphore, #tpu.memory_space<semaphore_mem>>) {add = true}
      %dma_wait3A_193 = arith.constant 4 : i32
      %dma_wait3A_194 = arith.constant 0 : i32
      %dma_wait3A_195 = tpu.memref_slice %arg8[%dma_wait3A_193, %dma_wait3A_194] : memref<8x128xi32, #tpu.memory_space<vmem>> -> memref<1x128xi32, #tpu.memory_space<vmem>>
      %dma_wait3A_196 = tpu.memref_squeeze %dma_wait3A_195 : memref<1x128xi32, #tpu.memory_space<vmem>> -> memref<128xi32, #tpu.memory_space<vmem>>
      %dma_wait3A_197 = arith.constant 0 : i32
      %dma_wait3A_198 = arith.constant 0 : i32
      %dma_wait3A_199 = tpu.memref_slice %arg6[%dma_wait3A_197, %dma_wait3A_198] : memref<10240x128xf32, #tpu.memory_space<vmem_shared>> -> memref<10240x128xf32, #tpu.memory_space<vmem_shared>>
      tpu.wait_indirect_dma semaphore(%arg13 : memref<!tpu.dma_semaphore, #tpu.memory_space<semaphore_mem>>) src(%arg9 : memref<128x128xf32, #tpu.memory_space<vmem>>) dst(%dma_wait3A_199 : memref<10240x128xf32, #tpu.memory_space<vmem_shared>>)
      %dma_start3A_200 = arith.constant 6 : i32
      %dma_start3A_201 = arith.constant 0 : i32
      %dma_start3A_202 = tpu.memref_slice %arg7[%dma_start3A_200, %dma_start3A_201] : memref<8x128xi32, #tpu.memory_space<vmem>> -> memref<1x128xi32, #tpu.memory_space<vmem>>
      %dma_start3A_203 = tpu.memref_squeeze %dma_start3A_202 : memref<1x128xi32, #tpu.memory_space<vmem>> -> memref<128xi32, #tpu.memory_space<vmem>>
      %dma_start3A_204 = arith.constant 0 : i32
      %dma_start3A_205 = arith.constant 0 : i32
      %dma_start3A_206 = tpu.memref_slice %arg4[%dma_start3A_204, %dma_start3A_205] : memref<10000x128xf32, #tpu.memory_space<hbm>> -> memref<10000x128xf32, #tpu.memory_space<hbm>>
      tpu.enqueue_indirect_dma source(%dma_start3A_206 : memref<10000x128xf32, #tpu.memory_space<hbm>>) target(%arg9 : memref<128x128xf32, #tpu.memory_space<vmem>>) offsets(%dma_start3A_203 : memref<128xi32, #tpu.memory_space<vmem>>) semaphore(%arg11 : memref<!tpu.dma_semaphore, #tpu.memory_space<semaphore_mem>>)
      %dma_wait3A_207 = arith.constant 5 : i32
      %dma_wait3A_208 = arith.constant 0 : i32
      %dma_wait3A_209 = tpu.memref_slice %arg7[%dma_wait3A_207, %dma_wait3A_208] : memref<8x128xi32, #tpu.memory_space<vmem>> -> memref<1x128xi32, #tpu.memory_space<vmem>>
      %dma_wait3A_210 = tpu.memref_squeeze %dma_wait3A_209 : memref<1x128xi32, #tpu.memory_space<vmem>> -> memref<128xi32, #tpu.memory_space<vmem>>
      %dma_wait3A_211 = arith.constant 0 : i32
      %dma_wait3A_212 = arith.constant 0 : i32
      %dma_wait3A_213 = tpu.memref_slice %arg4[%dma_wait3A_211, %dma_wait3A_212] : memref<10000x128xf32, #tpu.memory_space<hbm>> -> memref<10000x128xf32, #tpu.memory_space<hbm>>
      tpu.wait_indirect_dma semaphore(%arg12 : memref<!tpu.dma_semaphore, #tpu.memory_space<semaphore_mem>>) src(%dma_wait3A_213 : memref<10000x128xf32, #tpu.memory_space<hbm>>) dst(%arg10 : memref<128x128xf32, #tpu.memory_space<vmem>>)
      %dma_start3A_214 = arith.constant 5 : i32
      %dma_start3A_215 = arith.constant 0 : i32
      %dma_start3A_216 = tpu.memref_slice %arg8[%dma_start3A_214, %dma_start3A_215] : memref<8x128xi32, #tpu.memory_space<vmem>> -> memref<1x128xi32, #tpu.memory_space<vmem>>
      %dma_start3A_217 = tpu.memref_squeeze %dma_start3A_216 : memref<1x128xi32, #tpu.memory_space<vmem>> -> memref<128xi32, #tpu.memory_space<vmem>>
      %dma_start3A_218 = arith.constant 0 : i32
      %dma_start3A_219 = arith.constant 0 : i32
      %dma_start3A_220 = tpu.memref_slice %arg6[%dma_start3A_218, %dma_start3A_219] : memref<10240x128xf32, #tpu.memory_space<vmem_shared>> -> memref<10240x128xf32, #tpu.memory_space<vmem_shared>>
      tpu.enqueue_indirect_dma source(%arg10 : memref<128x128xf32, #tpu.memory_space<vmem>>) target(%dma_start3A_220 : memref<10240x128xf32, #tpu.memory_space<vmem_shared>>) offsets(%dma_start3A_217 : memref<128xi32, #tpu.memory_space<vmem>>) semaphore(%arg14 : memref<!tpu.dma_semaphore, #tpu.memory_space<semaphore_mem>>) {add = true}
      %dma_wait3A_221 = arith.constant 5 : i32
      %dma_wait3A_222 = arith.constant 0 : i32
      %dma_wait3A_223 = tpu.memref_slice %arg8[%dma_wait3A_221, %dma_wait3A_222] : memref<8x128xi32, #tpu.memory_space<vmem>> -> memref<1x128xi32, #tpu.memory_space<vmem>>
      %dma_wait3A_224 = tpu.memref_squeeze %dma_wait3A_223 : memref<1x128xi32, #tpu.memory_space<vmem>> -> memref<128xi32, #tpu.memory_space<vmem>>
      %dma_wait3A_225 = arith.constant 0 : i32
      %dma_wait3A_226 = arith.constant 0 : i32
      %dma_wait3A_227 = tpu.memref_slice %arg6[%dma_wait3A_225, %dma_wait3A_226] : memref<10240x128xf32, #tpu.memory_space<vmem_shared>> -> memref<10240x128xf32, #tpu.memory_space<vmem_shared>>
      tpu.wait_indirect_dma semaphore(%arg14 : memref<!tpu.dma_semaphore, #tpu.memory_space<semaphore_mem>>) src(%arg10 : memref<128x128xf32, #tpu.memory_space<vmem>>) dst(%dma_wait3A_227 : memref<10240x128xf32, #tpu.memory_space<vmem_shared>>)
      %dma_start3A_228 = arith.constant 7 : i32
      %dma_start3A_229 = arith.constant 0 : i32
      %dma_start3A_230 = tpu.memref_slice %arg7[%dma_start3A_228, %dma_start3A_229] : memref<8x128xi32, #tpu.memory_space<vmem>> -> memref<1x128xi32, #tpu.memory_space<vmem>>
      %dma_start3A_231 = tpu.memref_squeeze %dma_start3A_230 : memref<1x128xi32, #tpu.memory_space<vmem>> -> memref<128xi32, #tpu.memory_space<vmem>>
      %dma_start3A_232 = arith.constant 0 : i32
      %dma_start3A_233 = arith.constant 0 : i32
      %dma_start3A_234 = tpu.memref_slice %arg4[%dma_start3A_232, %dma_start3A_233] : memref<10000x128xf32, #tpu.memory_space<hbm>> -> memref<10000x128xf32, #tpu.memory_space<hbm>>
      tpu.enqueue_indirect_dma source(%dma_start3A_234 : memref<10000x128xf32, #tpu.memory_space<hbm>>) target(%arg10 : memref<128x128xf32, #tpu.memory_space<vmem>>) offsets(%dma_start3A_231 : memref<128xi32, #tpu.memory_space<vmem>>) semaphore(%arg12 : memref<!tpu.dma_semaphore, #tpu.memory_space<semaphore_mem>>)
      %dma_wait3A_235 = arith.constant 6 : i32
      %dma_wait3A_236 = arith.constant 0 : i32
      %dma_wait3A_237 = tpu.memref_slice %arg7[%dma_wait3A_235, %dma_wait3A_236] : memref<8x128xi32, #tpu.memory_space<vmem>> -> memref<1x128xi32, #tpu.memory_space<vmem>>
      %dma_wait3A_238 = tpu.memref_squeeze %dma_wait3A_237 : memref<1x128xi32, #tpu.memory_space<vmem>> -> memref<128xi32, #tpu.memory_space<vmem>>
      %dma_wait3A_239 = arith.constant 0 : i32
      %dma_wait3A_240 = arith.constant 0 : i32
      %dma_wait3A_241 = tpu.memref_slice %arg4[%dma_wait3A_239, %dma_wait3A_240] : memref<10000x128xf32, #tpu.memory_space<hbm>> -> memref<10000x128xf32, #tpu.memory_space<hbm>>
      tpu.wait_indirect_dma semaphore(%arg11 : memref<!tpu.dma_semaphore, #tpu.memory_space<semaphore_mem>>) src(%dma_wait3A_241 : memref<10000x128xf32, #tpu.memory_space<hbm>>) dst(%arg9 : memref<128x128xf32, #tpu.memory_space<vmem>>)
      %dma_start3A_242 = arith.constant 6 : i32
      %dma_start3A_243 = arith.constant 0 : i32
      %dma_start3A_244 = tpu.memref_slice %arg8[%dma_start3A_242, %dma_start3A_243] : memref<8x128xi32, #tpu.memory_space<vmem>> -> memref<1x128xi32, #tpu.memory_space<vmem>>
      %dma_start3A_245 = tpu.memref_squeeze %dma_start3A_244 : memref<1x128xi32, #tpu.memory_space<vmem>> -> memref<128xi32, #tpu.memory_space<vmem>>
      %dma_start3A_246 = arith.constant 0 : i32
      %dma_start3A_247 = arith.constant 0 : i32
      %dma_start3A_248 = tpu.memref_slice %arg6[%dma_start3A_246, %dma_start3A_247] : memref<10240x128xf32, #tpu.memory_space<vmem_shared>> -> memref<10240x128xf32, #tpu.memory_space<vmem_shared>>
      tpu.enqueue_indirect_dma source(%arg9 : memref<128x128xf32, #tpu.memory_space<vmem>>) target(%dma_start3A_248 : memref<10240x128xf32, #tpu.memory_space<vmem_shared>>) offsets(%dma_start3A_245 : memref<128xi32, #tpu.memory_space<vmem>>) semaphore(%arg13 : memref<!tpu.dma_semaphore, #tpu.memory_space<semaphore_mem>>) {add = true}
      %dma_wait3A_249 = arith.constant 7 : i32
      %dma_wait3A_250 = arith.constant 0 : i32
      %dma_wait3A_251 = tpu.memref_slice %arg7[%dma_wait3A_249, %dma_wait3A_250] : memref<8x128xi32, #tpu.memory_space<vmem>> -> memref<1x128xi32, #tpu.memory_space<vmem>>
      %dma_wait3A_252 = tpu.memref_squeeze %dma_wait3A_251 : memref<1x128xi32, #tpu.memory_space<vmem>> -> memref<128xi32, #tpu.memory_space<vmem>>
      %dma_wait3A_253 = arith.constant 0 : i32
      %dma_wait3A_254 = arith.constant 0 : i32
      %dma_wait3A_255 = tpu.memref_slice %arg4[%dma_wait3A_253, %dma_wait3A_254] : memref<10000x128xf32, #tpu.memory_space<hbm>> -> memref<10000x128xf32, #tpu.memory_space<hbm>>
      tpu.wait_indirect_dma semaphore(%arg12 : memref<!tpu.dma_semaphore, #tpu.memory_space<semaphore_mem>>) src(%dma_wait3A_255 : memref<10000x128xf32, #tpu.memory_space<hbm>>) dst(%arg10 : memref<128x128xf32, #tpu.memory_space<vmem>>)
      %dma_start3A_256 = arith.constant 7 : i32
      %dma_start3A_257 = arith.constant 0 : i32
      %dma_start3A_258 = tpu.memref_slice %arg8[%dma_start3A_256, %dma_start3A_257] : memref<8x128xi32, #tpu.memory_space<vmem>> -> memref<1x128xi32, #tpu.memory_space<vmem>>
      %dma_start3A_259 = tpu.memref_squeeze %dma_start3A_258 : memref<1x128xi32, #tpu.memory_space<vmem>> -> memref<128xi32, #tpu.memory_space<vmem>>
      %dma_start3A_260 = arith.constant 0 : i32
      %dma_start3A_261 = arith.constant 0 : i32
      %dma_start3A_262 = tpu.memref_slice %arg6[%dma_start3A_260, %dma_start3A_261] : memref<10240x128xf32, #tpu.memory_space<vmem_shared>> -> memref<10240x128xf32, #tpu.memory_space<vmem_shared>>
      tpu.enqueue_indirect_dma source(%arg10 : memref<128x128xf32, #tpu.memory_space<vmem>>) target(%dma_start3A_262 : memref<10240x128xf32, #tpu.memory_space<vmem_shared>>) offsets(%dma_start3A_259 : memref<128xi32, #tpu.memory_space<vmem>>) semaphore(%arg14 : memref<!tpu.dma_semaphore, #tpu.memory_space<semaphore_mem>>) {add = true}
      %dma_wait3A_263 = arith.constant 6 : i32
      %dma_wait3A_264 = arith.constant 0 : i32
      %dma_wait3A_265 = tpu.memref_slice %arg8[%dma_wait3A_263, %dma_wait3A_264] : memref<8x128xi32, #tpu.memory_space<vmem>> -> memref<1x128xi32, #tpu.memory_space<vmem>>
      %dma_wait3A_266 = tpu.memref_squeeze %dma_wait3A_265 : memref<1x128xi32, #tpu.memory_space<vmem>> -> memref<128xi32, #tpu.memory_space<vmem>>
      %dma_wait3A_267 = arith.constant 0 : i32
      %dma_wait3A_268 = arith.constant 0 : i32
      %dma_wait3A_269 = tpu.memref_slice %arg6[%dma_wait3A_267, %dma_wait3A_268] : memref<10240x128xf32, #tpu.memory_space<vmem_shared>> -> memref<10240x128xf32, #tpu.memory_space<vmem_shared>>
      tpu.wait_indirect_dma semaphore(%arg13 : memref<!tpu.dma_semaphore, #tpu.memory_space<semaphore_mem>>) src(%arg9 : memref<128x128xf32, #tpu.memory_space<vmem>>) dst(%dma_wait3A_269 : memref<10240x128xf32, #tpu.memory_space<vmem_shared>>)
      %dma_wait3A_270 = arith.constant 7 : i32
      %dma_wait3A_271 = arith.constant 0 : i32
      %dma_wait3A_272 = tpu.memref_slice %arg8[%dma_wait3A_270, %dma_wait3A_271] : memref<8x128xi32, #tpu.memory_space<vmem>> -> memref<1x128xi32, #tpu.memory_space<vmem>>
      %dma_wait3A_273 = tpu.memref_squeeze %dma_wait3A_272 : memref<1x128xi32, #tpu.memory_space<vmem>> -> memref<128xi32, #tpu.memory_space<vmem>>
      %dma_wait3A_274 = arith.constant 0 : i32
      %dma_wait3A_275 = arith.constant 0 : i32
      %dma_wait3A_276 = tpu.memref_slice %arg6[%dma_wait3A_274, %dma_wait3A_275] : memref<10240x128xf32, #tpu.memory_space<vmem_shared>> -> memref<10240x128xf32, #tpu.memory_space<vmem_shared>>
      tpu.wait_indirect_dma semaphore(%arg14 : memref<!tpu.dma_semaphore, #tpu.memory_space<semaphore_mem>>) src(%arg10 : memref<128x128xf32, #tpu.memory_space<vmem>>) dst(%dma_wait3A_276 : memref<10240x128xf32, #tpu.memory_space<vmem_shared>>)
      %while3A_277 = arith.constant 0 : i32
      scf.yield %while3A_277 : i32
    }
    %barrier3A_47 = arith.constant 0 : index
    tpu.barrier barrier_id(%barrier3A_47)
    %mul3A_48 = arith.constant 640 : i32
    %mul3A_49 = arith.muli %arg1, %mul3A_48 : i32
    "tpu.region"() ({
      %run_scoped3A = tpu.sem_alloc : memref<!tpu.dma_semaphore, #tpu.memory_space<semaphore_mem>>
      %dma_start3A = arith.constant 0 : i32
      %dma_start3A_50 = tpu.memref_slice %arg5[%arg0, %mul3A_49, %dma_start3A] : memref<2x10240x128xf32, #tpu.memory_space<hbm>> -> memref<1x640x128xf32, #tpu.memory_space<hbm>>
      %dma_start3A_51 = tpu.memref_squeeze %dma_start3A_50 : memref<1x640x128xf32, #tpu.memory_space<hbm>> -> memref<640x128xf32, #tpu.memory_space<hbm>>
      %dma_start3A_52 = arith.constant 0 : i32
      %dma_start3A_53 = tpu.memref_slice %arg6[%mul3A_49, %dma_start3A_52] : memref<10240x128xf32, #tpu.memory_space<vmem_shared>> -> memref<640x128xf32, #tpu.memory_space<vmem_shared>>
      tpu.enqueue_dma source(%dma_start3A_53 : memref<640x128xf32, #tpu.memory_space<vmem_shared>>) target(%dma_start3A_51 : memref<640x128xf32, #tpu.memory_space<hbm>>) target_semaphore(%run_scoped3A : memref<!tpu.dma_semaphore, #tpu.memory_space<semaphore_mem>>)
      %dma_wait3A = arith.constant 0 : i32
      %dma_wait3A_54 = tpu.memref_slice %arg5[%arg0, %mul3A_49, %dma_wait3A] : memref<2x10240x128xf32, #tpu.memory_space<hbm>> -> memref<1x640x128xf32, #tpu.memory_space<hbm>>
      %dma_wait3A_55 = tpu.memref_squeeze %dma_wait3A_54 : memref<1x640x128xf32, #tpu.memory_space<hbm>> -> memref<640x128xf32, #tpu.memory_space<hbm>>
      %dma_wait3A_56 = arith.constant 0 : i32
      %dma_wait3A_57 = tpu.memref_slice %arg6[%mul3A_49, %dma_wait3A_56] : memref<10240x128xf32, #tpu.memory_space<vmem_shared>> -> memref<640x128xf32, #tpu.memory_space<vmem_shared>>
      tpu.wait_dma2 semaphore(%run_scoped3A : memref<!tpu.dma_semaphore, #tpu.memory_space<semaphore_mem>>) src(%dma_wait3A_57 : memref<640x128xf32, #tpu.memory_space<vmem_shared>>) dst(%dma_wait3A_55 : memref<640x128xf32, #tpu.memory_space<hbm>>)
      tpu.yield
    }) : () -> ()
    return
  }
}

#map = affine_map<(d0, d1) -> (0, 0)>
#map1 = affine_map<(d0, d1) -> (0, 0, 0)>
module attributes {stable_mosaic.version = 14 : i64} {
  func.func @_agg_kernel(%arg0: i32, %arg1: i32, %arg2: memref<2560x128xi32, #tpu.memory_space<hbm>>, %arg3: memref<2560x128xi32, #tpu.memory_space<hbm>>, %arg4: memref<10000x128xf32, #tpu.memory_space<hbm>>, %arg5: memref<2x10240x128xf32, #tpu.memory_space<hbm>>, %arg6: memref<10240x128xf32, #tpu.memory_space<vmem_shared>>, %arg7: memref<8x128xi32, #tpu.memory_space<vmem>>, %arg8: memref<8x128xi32, #tpu.memory_space<vmem>>, %arg9: memref<128x128xf32, #tpu.memory_space<vmem>>, %arg10: memref<128x128xf32, #tpu.memory_space<vmem>>, %arg11: memref<!tpu.dma_semaphore, #tpu.memory_space<semaphore_mem>>, %arg12: memref<!tpu.dma_semaphore, #tpu.memory_space<semaphore_mem>>, %arg13: memref<!tpu.dma_semaphore, #tpu.memory_space<semaphore_mem>>, %arg14: memref<!tpu.dma_semaphore, #tpu.memory_space<semaphore_mem>>) attributes {dimension_semantics = [#tpu.dimension_semantics<core_parallel>, #tpu.dimension_semantics<subcore_parallel>], iteration_bounds = array<i64: 2, 16>, scalar_prefetch = 0 : i64, scratch_operands = 9 : i64, tpu.core_type = #tpu.core_type<sc_vector_subcore>, window_params = [{transform_indices = #map}, {transform_indices = #map}, {transform_indices = #map}, {transform_indices = #map1}]} {
    %broadcast_in_dim3A = arith.constant 0.000000e+00 : f32
    %broadcast_in_dim3A_0 = vector.broadcast %broadcast_in_dim3A : f32 to vector<16xf32>
    %scan3A = arith.constant 0 : i32
    %scan3A_1 = arith.constant 0 : i32
    %scan3A_2 = arith.constant 128 : i32
    %scan3A_3 = arith.addi %scan3A_1, %scan3A_2 : i32
    %scan3A_4 = arith.constant 1 : i32
    %scan3A_5 = scf.for %scan3A_50 = %scan3A_1 to %scan3A_3 step %scan3A_4 iter_args(%scan3A_51 = %scan3A) -> (i32)  : i32 {
      %swap3A = arith.index_cast %scan3A_50 : i32 to index
      %swap3A_52 = arith.constant 0 : index
      %swap3A_53 = tpu.vector_load %arg9[%swap3A, %swap3A_52] {strides = array<i32>} : memref<128x128xf32, #tpu.memory_space<vmem>>, vector<1x16xf32>,
      %swap3A_54 = vector.shape_cast %swap3A_53 : vector<1x16xf32> to vector<16xf32>
      %swap3A_55 = vector.shape_cast %broadcast_in_dim3A_0 : vector<16xf32> to vector<1x16xf32>
      tpu.vector_store %arg9[%swap3A, %swap3A_52], %swap3A_55 {strides = array<i32>} : memref<128x128xf32, #tpu.memory_space<vmem>>, vector<1x16xf32>,
      %swap3A_56 = arith.index_cast %scan3A_50 : i32 to index
      %swap3A_57 = arith.constant 16 : index
      %swap3A_58 = tpu.vector_load %arg9[%swap3A_56, %swap3A_57] {strides = array<i32>} : memref<128x128xf32, #tpu.memory_space<vmem>>, vector<1x16xf32>,
      %swap3A_59 = vector.shape_cast %swap3A_58 : vector<1x16xf32> to vector<16xf32>
      %swap3A_60 = vector.shape_cast %broadcast_in_dim3A_0 : vector<16xf32> to vector<1x16xf32>
      tpu.vector_store %arg9[%swap3A_56, %swap3A_57], %swap3A_60 {strides = array<i32>} : memref<128x128xf32, #tpu.memory_space<vmem>>, vector<1x16xf32>,
      %swap3A_61 = arith.index_cast %scan3A_50 : i32 to index
      %swap3A_62 = arith.constant 32 : index
      %swap3A_63 = tpu.vector_load %arg9[%swap3A_61, %swap3A_62] {strides = array<i32>} : memref<128x128xf32, #tpu.memory_space<vmem>>, vector<1x16xf32>,
      %swap3A_64 = vector.shape_cast %swap3A_63 : vector<1x16xf32> to vector<16xf32>
      %swap3A_65 = vector.shape_cast %broadcast_in_dim3A_0 : vector<16xf32> to vector<1x16xf32>
      tpu.vector_store %arg9[%swap3A_61, %swap3A_62], %swap3A_65 {strides = array<i32>} : memref<128x128xf32, #tpu.memory_space<vmem>>, vector<1x16xf32>,
      %swap3A_66 = arith.index_cast %scan3A_50 : i32 to index
      %swap3A_67 = arith.constant 48 : index
      %swap3A_68 = tpu.vector_load %arg9[%swap3A_66, %swap3A_67] {strides = array<i32>} : memref<128x128xf32, #tpu.memory_space<vmem>>, vector<1x16xf32>,
      %swap3A_69 = vector.shape_cast %swap3A_68 : vector<1x16xf32> to vector<16xf32>
      %swap3A_70 = vector.shape_cast %broadcast_in_dim3A_0 : vector<16xf32> to vector<1x16xf32>
      tpu.vector_store %arg9[%swap3A_66, %swap3A_67], %swap3A_70 {strides = array<i32>} : memref<128x128xf32, #tpu.memory_space<vmem>>, vector<1x16xf32>,
      %swap3A_71 = arith.index_cast %scan3A_50 : i32 to index
      %swap3A_72 = arith.constant 64 : index
      %swap3A_73 = tpu.vector_load %arg9[%swap3A_71, %swap3A_72] {strides = array<i32>} : memref<128x128xf32, #tpu.memory_space<vmem>>, vector<1x16xf32>,
      %swap3A_74 = vector.shape_cast %swap3A_73 : vector<1x16xf32> to vector<16xf32>
      %swap3A_75 = vector.shape_cast %broadcast_in_dim3A_0 : vector<16xf32> to vector<1x16xf32>
      tpu.vector_store %arg9[%swap3A_71, %swap3A_72], %swap3A_75 {strides = array<i32>} : memref<128x128xf32, #tpu.memory_space<vmem>>, vector<1x16xf32>,
      %swap3A_76 = arith.index_cast %scan3A_50 : i32 to index
      %swap3A_77 = arith.constant 80 : index
      %swap3A_78 = tpu.vector_load %arg9[%swap3A_76, %swap3A_77] {strides = array<i32>} : memref<128x128xf32, #tpu.memory_space<vmem>>, vector<1x16xf32>,
      %swap3A_79 = vector.shape_cast %swap3A_78 : vector<1x16xf32> to vector<16xf32>
      %swap3A_80 = vector.shape_cast %broadcast_in_dim3A_0 : vector<16xf32> to vector<1x16xf32>
      tpu.vector_store %arg9[%swap3A_76, %swap3A_77], %swap3A_80 {strides = array<i32>} : memref<128x128xf32, #tpu.memory_space<vmem>>, vector<1x16xf32>,
      %swap3A_81 = arith.index_cast %scan3A_50 : i32 to index
      %swap3A_82 = arith.constant 96 : index
      %swap3A_83 = tpu.vector_load %arg9[%swap3A_81, %swap3A_82] {strides = array<i32>} : memref<128x128xf32, #tpu.memory_space<vmem>>, vector<1x16xf32>,
      %swap3A_84 = vector.shape_cast %swap3A_83 : vector<1x16xf32> to vector<16xf32>
      %swap3A_85 = vector.shape_cast %broadcast_in_dim3A_0 : vector<16xf32> to vector<1x16xf32>
      tpu.vector_store %arg9[%swap3A_81, %swap3A_82], %swap3A_85 {strides = array<i32>} : memref<128x128xf32, #tpu.memory_space<vmem>>, vector<1x16xf32>,
      %swap3A_86 = arith.index_cast %scan3A_50 : i32 to index
      %swap3A_87 = arith.constant 112 : index
      %swap3A_88 = tpu.vector_load %arg9[%swap3A_86, %swap3A_87] {strides = array<i32>} : memref<128x128xf32, #tpu.memory_space<vmem>>, vector<1x16xf32>,
      %swap3A_89 = vector.shape_cast %swap3A_88 : vector<1x16xf32> to vector<16xf32>
      %swap3A_90 = vector.shape_cast %broadcast_in_dim3A_0 : vector<16xf32> to vector<1x16xf32>
      tpu.vector_store %arg9[%swap3A_86, %swap3A_87], %swap3A_90 {strides = array<i32>} : memref<128x128xf32, #tpu.memory_space<vmem>>, vector<1x16xf32>,
      %scan3A_91 = arith.constant 0 : i32
      scf.yield %scan3A_91 : i32
    }
    %scan3A_6 = arith.constant 128 : i32
    %mul3A = arith.constant 640 : i32
    %mul3A_7 = arith.muli %arg1, %mul3A : i32
    %add3A = arith.constant 0 : i32
    %add3A_8 = arith.addi %mul3A_7, %add3A : i32
    "tpu.region"() ({
      %run_scoped3A = tpu.sem_alloc : memref<!tpu.dma_semaphore, #tpu.memory_space<semaphore_mem>>
      %dma_start3A = arith.constant 0 : i32
      %dma_start3A_50 = tpu.memref_slice %arg6[%add3A_8, %dma_start3A] : memref<10240x128xf32, #tpu.memory_space<vmem_shared>> -> memref<128x128xf32, #tpu.memory_space<vmem_shared>>
      %dma_start3A_51 = arith.constant 0 : i32
      %dma_start3A_52 = tpu.memref_slice %arg6[%add3A_8, %dma_start3A_51] : memref<10240x128xf32, #tpu.memory_space<vmem_shared>> -> memref<128x128xf32, #tpu.memory_space<vmem_shared>>
      tpu.enqueue_dma source(%arg9 : memref<128x128xf32, #tpu.memory_space<vmem>>) target(%dma_start3A_52 : memref<128x128xf32, #tpu.memory_space<vmem_shared>>) target_semaphore(%run_scoped3A : memref<!tpu.dma_semaphore, #tpu.memory_space<semaphore_mem>>)
      %dma_wait3A = arith.constant 0 : i32
      %dma_wait3A_53 = tpu.memref_slice %arg6[%add3A_8, %dma_wait3A] : memref<10240x128xf32, #tpu.memory_space<vmem_shared>> -> memref<128x128xf32, #tpu.memory_space<vmem_shared>>
      %dma_wait3A_54 = arith.constant 0 : i32
      %dma_wait3A_55 = tpu.memref_slice %arg6[%add3A_8, %dma_wait3A_54] : memref<10240x128xf32, #tpu.memory_space<vmem_shared>> -> memref<128x128xf32, #tpu.memory_space<vmem_shared>>
      tpu.wait_dma2 semaphore(%run_scoped3A : memref<!tpu.dma_semaphore, #tpu.memory_space<semaphore_mem>>) src(%arg9 : memref<128x128xf32, #tpu.memory_space<vmem>>) dst(%dma_wait3A_55 : memref<128x128xf32, #tpu.memory_space<vmem_shared>>)
      tpu.yield
    }) : () -> ()
    %mul3A_9 = arith.constant 640 : i32
    %mul3A_10 = arith.muli %arg1, %mul3A_9 : i32
    %add3A_11 = arith.constant 128 : i32
    %add3A_12 = arith.addi %mul3A_10, %add3A_11 : i32
    "tpu.region"() ({
      %run_scoped3A = tpu.sem_alloc : memref<!tpu.dma_semaphore, #tpu.memory_space<semaphore_mem>>
      %dma_start3A = arith.constant 0 : i32
      %dma_start3A_50 = tpu.memref_slice %arg6[%add3A_12, %dma_start3A] : memref<10240x128xf32, #tpu.memory_space<vmem_shared>> -> memref<128x128xf32, #tpu.memory_space<vmem_shared>>
      %dma_start3A_51 = arith.constant 0 : i32
      %dma_start3A_52 = tpu.memref_slice %arg6[%add3A_12, %dma_start3A_51] : memref<10240x128xf32, #tpu.memory_space<vmem_shared>> -> memref<128x128xf32, #tpu.memory_space<vmem_shared>>
      tpu.enqueue_dma source(%arg9 : memref<128x128xf32, #tpu.memory_space<vmem>>) target(%dma_start3A_52 : memref<128x128xf32, #tpu.memory_space<vmem_shared>>) target_semaphore(%run_scoped3A : memref<!tpu.dma_semaphore, #tpu.memory_space<semaphore_mem>>)
      %dma_wait3A = arith.constant 0 : i32
      %dma_wait3A_53 = tpu.memref_slice %arg6[%add3A_12, %dma_wait3A] : memref<10240x128xf32, #tpu.memory_space<vmem_shared>> -> memref<128x128xf32, #tpu.memory_space<vmem_shared>>
      %dma_wait3A_54 = arith.constant 0 : i32
      %dma_wait3A_55 = tpu.memref_slice %arg6[%add3A_12, %dma_wait3A_54] : memref<10240x128xf32, #tpu.memory_space<vmem_shared>> -> memref<128x128xf32, #tpu.memory_space<vmem_shared>>
      tpu.wait_dma2 semaphore(%run_scoped3A : memref<!tpu.dma_semaphore, #tpu.memory_space<semaphore_mem>>) src(%arg9 : memref<128x128xf32, #tpu.memory_space<vmem>>) dst(%dma_wait3A_55 : memref<128x128xf32, #tpu.memory_space<vmem_shared>>)
      tpu.yield
    }) : () -> ()
    %mul3A_13 = arith.constant 640 : i32
    %mul3A_14 = arith.muli %arg1, %mul3A_13 : i32
    %add3A_15 = arith.constant 256 : i32
    %add3A_16 = arith.addi %mul3A_14, %add3A_15 : i32
    "tpu.region"() ({
      %run_scoped3A = tpu.sem_alloc : memref<!tpu.dma_semaphore, #tpu.memory_space<semaphore_mem>>
      %dma_start3A = arith.constant 0 : i32
      %dma_start3A_50 = tpu.memref_slice %arg6[%add3A_16, %dma_start3A] : memref<10240x128xf32, #tpu.memory_space<vmem_shared>> -> memref<128x128xf32, #tpu.memory_space<vmem_shared>>
      %dma_start3A_51 = arith.constant 0 : i32
      %dma_start3A_52 = tpu.memref_slice %arg6[%add3A_16, %dma_start3A_51] : memref<10240x128xf32, #tpu.memory_space<vmem_shared>> -> memref<128x128xf32, #tpu.memory_space<vmem_shared>>
      tpu.enqueue_dma source(%arg9 : memref<128x128xf32, #tpu.memory_space<vmem>>) target(%dma_start3A_52 : memref<128x128xf32, #tpu.memory_space<vmem_shared>>) target_semaphore(%run_scoped3A : memref<!tpu.dma_semaphore, #tpu.memory_space<semaphore_mem>>)
      %dma_wait3A = arith.constant 0 : i32
      %dma_wait3A_53 = tpu.memref_slice %arg6[%add3A_16, %dma_wait3A] : memref<10240x128xf32, #tpu.memory_space<vmem_shared>> -> memref<128x128xf32, #tpu.memory_space<vmem_shared>>
      %dma_wait3A_54 = arith.constant 0 : i32
      %dma_wait3A_55 = tpu.memref_slice %arg6[%add3A_16, %dma_wait3A_54] : memref<10240x128xf32, #tpu.memory_space<vmem_shared>> -> memref<128x128xf32, #tpu.memory_space<vmem_shared>>
      tpu.wait_dma2 semaphore(%run_scoped3A : memref<!tpu.dma_semaphore, #tpu.memory_space<semaphore_mem>>) src(%arg9 : memref<128x128xf32, #tpu.memory_space<vmem>>) dst(%dma_wait3A_55 : memref<128x128xf32, #tpu.memory_space<vmem_shared>>)
      tpu.yield
    }) : () -> ()
    %mul3A_17 = arith.constant 640 : i32
    %mul3A_18 = arith.muli %arg1, %mul3A_17 : i32
    %add3A_19 = arith.constant 384 : i32
    %add3A_20 = arith.addi %mul3A_18, %add3A_19 : i32
    "tpu.region"() ({
      %run_scoped3A = tpu.sem_alloc : memref<!tpu.dma_semaphore, #tpu.memory_space<semaphore_mem>>
      %dma_start3A = arith.constant 0 : i32
      %dma_start3A_50 = tpu.memref_slice %arg6[%add3A_20, %dma_start3A] : memref<10240x128xf32, #tpu.memory_space<vmem_shared>> -> memref<128x128xf32, #tpu.memory_space<vmem_shared>>
      %dma_start3A_51 = arith.constant 0 : i32
      %dma_start3A_52 = tpu.memref_slice %arg6[%add3A_20, %dma_start3A_51] : memref<10240x128xf32, #tpu.memory_space<vmem_shared>> -> memref<128x128xf32, #tpu.memory_space<vmem_shared>>
      tpu.enqueue_dma source(%arg9 : memref<128x128xf32, #tpu.memory_space<vmem>>) target(%dma_start3A_52 : memref<128x128xf32, #tpu.memory_space<vmem_shared>>) target_semaphore(%run_scoped3A : memref<!tpu.dma_semaphore, #tpu.memory_space<semaphore_mem>>)
      %dma_wait3A = arith.constant 0 : i32
      %dma_wait3A_53 = tpu.memref_slice %arg6[%add3A_20, %dma_wait3A] : memref<10240x128xf32, #tpu.memory_space<vmem_shared>> -> memref<128x128xf32, #tpu.memory_space<vmem_shared>>
      %dma_wait3A_54 = arith.constant 0 : i32
      %dma_wait3A_55 = tpu.memref_slice %arg6[%add3A_20, %dma_wait3A_54] : memref<10240x128xf32, #tpu.memory_space<vmem_shared>> -> memref<128x128xf32, #tpu.memory_space<vmem_shared>>
      tpu.wait_dma2 semaphore(%run_scoped3A : memref<!tpu.dma_semaphore, #tpu.memory_space<semaphore_mem>>) src(%arg9 : memref<128x128xf32, #tpu.memory_space<vmem>>) dst(%dma_wait3A_55 : memref<128x128xf32, #tpu.memory_space<vmem_shared>>)
      tpu.yield
    }) : () -> ()
    %mul3A_21 = arith.constant 640 : i32
    %mul3A_22 = arith.muli %arg1, %mul3A_21 : i32
    %add3A_23 = arith.constant 512 : i32
    %add3A_24 = arith.addi %mul3A_22, %add3A_23 : i32
    "tpu.region"() ({
      %run_scoped3A = tpu.sem_alloc : memref<!tpu.dma_semaphore, #tpu.memory_space<semaphore_mem>>
      %dma_start3A = arith.constant 0 : i32
      %dma_start3A_50 = tpu.memref_slice %arg6[%add3A_24, %dma_start3A] : memref<10240x128xf32, #tpu.memory_space<vmem_shared>> -> memref<128x128xf32, #tpu.memory_space<vmem_shared>>
      %dma_start3A_51 = arith.constant 0 : i32
      %dma_start3A_52 = tpu.memref_slice %arg6[%add3A_24, %dma_start3A_51] : memref<10240x128xf32, #tpu.memory_space<vmem_shared>> -> memref<128x128xf32, #tpu.memory_space<vmem_shared>>
      tpu.enqueue_dma source(%arg9 : memref<128x128xf32, #tpu.memory_space<vmem>>) target(%dma_start3A_52 : memref<128x128xf32, #tpu.memory_space<vmem_shared>>) target_semaphore(%run_scoped3A : memref<!tpu.dma_semaphore, #tpu.memory_space<semaphore_mem>>)
      %dma_wait3A = arith.constant 0 : i32
      %dma_wait3A_53 = tpu.memref_slice %arg6[%add3A_24, %dma_wait3A] : memref<10240x128xf32, #tpu.memory_space<vmem_shared>> -> memref<128x128xf32, #tpu.memory_space<vmem_shared>>
      %dma_wait3A_54 = arith.constant 0 : i32
      %dma_wait3A_55 = tpu.memref_slice %arg6[%add3A_24, %dma_wait3A_54] : memref<10240x128xf32, #tpu.memory_space<vmem_shared>> -> memref<128x128xf32, #tpu.memory_space<vmem_shared>>
      tpu.wait_dma2 semaphore(%run_scoped3A : memref<!tpu.dma_semaphore, #tpu.memory_space<semaphore_mem>>) src(%arg9 : memref<128x128xf32, #tpu.memory_space<vmem>>) dst(%dma_wait3A_55 : memref<128x128xf32, #tpu.memory_space<vmem_shared>>)
      tpu.yield
    }) : () -> ()
    %barrier3A = arith.constant 0 : index
    tpu.barrier barrier_id(%barrier3A)
    %eq3A = arith.constant 0 : i32
    %eq3A_25 = arith.cmpi eq, %arg0, %eq3A : i32
    %mul3A_26 = arith.constant 80 : i32
    %mul3A_27 = arith.muli %arg1, %mul3A_26 : i32
    %mul3A_28 = arith.constant 80 : i32
    %mul3A_29 = arith.muli %arg1, %mul3A_28 : i32
    %add3A_30 = arith.constant 1280 : i32
    %add3A_31 = arith.addi %add3A_30, %mul3A_29 : i32
    %select_n3A = arith.select %eq3A_25, %mul3A_27, %add3A_31 : i32
    %eq3A_32 = arith.constant 0 : i32
    %eq3A_33 = arith.cmpi eq, %arg0, %eq3A_32 : i32
    %jit3A = arith.constant 10 : i32
    %jit3A_34 = arith.constant 10 : i32
    %select_n3A_35 = arith.select %eq3A_33, %jit3A, %jit3A_34 : i32
    %while3A = arith.constant 0 : i32
    %while3A_36 = arith.constant 0 : i32
    %while3A_37 = arith.subi %select_n3A_35, %while3A : i32
    %while3A_38 = arith.addi %while3A, %while3A_37 : i32
    %while3A_39 = arith.constant 1 : i32
    %while3A_40 = arith.divsi %while3A_37, %while3A_39 : i32
    %while3A_41 = arith.muli %while3A_40, %while3A_39 : i32
    %while3A_42 = arith.addi %while3A, %while3A_41 : i32
    %while3A_43 = arith.constant 1 : i32
    %while3A_44 = scf.for %while3A_50 = %while3A to %while3A_42 step %while3A_43 iter_args(%while3A_51 = %while3A_36) -> (i32)  : i32 {
      %mul3A_52 = arith.constant 8 : i32
      %mul3A_53 = arith.muli %while3A_50, %mul3A_52 : i32
      %add3A_54 = arith.addi %select_n3A, %mul3A_53 : i32
      "tpu.region"() ({
        %run_scoped3A = tpu.sem_alloc : memref<!tpu.dma_semaphore, #tpu.memory_space<semaphore_mem>>
        %dma_start3A_278 = arith.constant 0 : i32
        %dma_start3A_279 = tpu.memref_slice %arg2[%add3A_54, %dma_start3A_278] : memref<2560x128xi32, #tpu.memory_space<hbm>> -> memref<8x128xi32, #tpu.memory_space<hbm>>
        %dma_start3A_280 = arith.constant 0 : i32
        %dma_start3A_281 = tpu.memref_slice %arg2[%add3A_54, %dma_start3A_280] : memref<2560x128xi32, #tpu.memory_space<hbm>> -> memref<8x128xi32, #tpu.memory_space<hbm>>
        tpu.enqueue_dma source(%dma_start3A_281 : memref<8x128xi32, #tpu.memory_space<hbm>>) target(%arg7 : memref<8x128xi32, #tpu.memory_space<vmem>>) target_semaphore(%run_scoped3A : memref<!tpu.dma_semaphore, #tpu.memory_space<semaphore_mem>>)
        %dma_wait3A_282 = arith.constant 0 : i32
        %dma_wait3A_283 = tpu.memref_slice %arg2[%add3A_54, %dma_wait3A_282] : memref<2560x128xi32, #tpu.memory_space<hbm>> -> memref<8x128xi32, #tpu.memory_space<hbm>>
        %dma_wait3A_284 = arith.constant 0 : i32
        %dma_wait3A_285 = tpu.memref_slice %arg2[%add3A_54, %dma_wait3A_284] : memref<2560x128xi32, #tpu.memory_space<hbm>> -> memref<8x128xi32, #tpu.memory_space<hbm>>
        tpu.wait_dma2 semaphore(%run_scoped3A : memref<!tpu.dma_semaphore, #tpu.memory_space<semaphore_mem>>) src(%dma_wait3A_285 : memref<8x128xi32, #tpu.memory_space<hbm>>) dst(%arg7 : memref<8x128xi32, #tpu.memory_space<vmem>>)
        tpu.yield
      }) : () -> ()
      "tpu.region"() ({
        %run_scoped3A = tpu.sem_alloc : memref<!tpu.dma_semaphore, #tpu.memory_space<semaphore_mem>>
        %dma_start3A_278 = arith.constant 0 : i32
        %dma_start3A_279 = tpu.memref_slice %arg3[%add3A_54, %dma_start3A_278] : memref<2560x128xi32, #tpu.memory_space<hbm>> -> memref<8x128xi32, #tpu.memory_space<hbm>>
        %dma_start3A_280 = arith.constant 0 : i32
        %dma_start3A_281 = tpu.memref_slice %arg3[%add3A_54, %dma_start3A_280] : memref<2560x128xi32, #tpu.memory_space<hbm>> -> memref<8x128xi32, #tpu.memory_space<hbm>>
        tpu.enqueue_dma source(%dma_start3A_281 : memref<8x128xi32, #tpu.memory_space<hbm>>) target(%arg8 : memref<8x128xi32, #tpu.memory_space<vmem>>) target_semaphore(%run_scoped3A : memref<!tpu.dma_semaphore, #tpu.memory_space<semaphore_mem>>)
        %dma_wait3A_282 = arith.constant 0 : i32
        %dma_wait3A_283 = tpu.memref_slice %arg3[%add3A_54, %dma_wait3A_282] : memref<2560x128xi32, #tpu.memory_space<hbm>> -> memref<8x128xi32, #tpu.memory_space<hbm>>
        %dma_wait3A_284 = arith.constant 0 : i32
        %dma_wait3A_285 = tpu.memref_slice %arg3[%add3A_54, %dma_wait3A_284] : memref<2560x128xi32, #tpu.memory_space<hbm>> -> memref<8x128xi32, #tpu.memory_space<hbm>>
        tpu.wait_dma2 semaphore(%run_scoped3A : memref<!tpu.dma_semaphore, #tpu.memory_space<semaphore_mem>>) src(%dma_wait3A_285 : memref<8x128xi32, #tpu.memory_space<hbm>>) dst(%arg8 : memref<8x128xi32, #tpu.memory_space<vmem>>)
        tpu.yield
      }) : () -> ()
      %dma_start3A = arith.constant 0 : i32
      %dma_start3A_55 = arith.constant 0 : i32
      %dma_start3A_56 = tpu.memref_slice %arg7[%dma_start3A, %dma_start3A_55] : memref<8x128xi32, #tpu.memory_space<vmem>> -> memref<1x128xi32, #tpu.memory_space<vmem>>
      %dma_start3A_57 = tpu.memref_squeeze %dma_start3A_56 : memref<1x128xi32, #tpu.memory_space<vmem>> -> memref<128xi32, #tpu.memory_space<vmem>>
      %dma_start3A_58 = arith.constant 0 : i32
      %dma_start3A_59 = arith.constant 0 : i32
      %dma_start3A_60 = tpu.memref_slice %arg4[%dma_start3A_58, %dma_start3A_59] : memref<10000x128xf32, #tpu.memory_space<hbm>> -> memref<10000x128xf32, #tpu.memory_space<hbm>>
      tpu.enqueue_indirect_dma source(%dma_start3A_60 : memref<10000x128xf32, #tpu.memory_space<hbm>>) target(%arg9 : memref<128x128xf32, #tpu.memory_space<vmem>>) offsets(%dma_start3A_57 : memref<128xi32, #tpu.memory_space<vmem>>) semaphore(%arg11 : memref<!tpu.dma_semaphore, #tpu.memory_space<semaphore_mem>>)
      %dma_start3A_61 = arith.constant 1 : i32
      %dma_start3A_62 = arith.constant 0 : i32
      %dma_start3A_63 = tpu.memref_slice %arg7[%dma_start3A_61, %dma_start3A_62] : memref<8x128xi32, #tpu.memory_space<vmem>> -> memref<1x128xi32, #tpu.memory_space<vmem>>
      %dma_start3A_64 = tpu.memref_squeeze %dma_start3A_63 : memref<1x128xi32, #tpu.memory_space<vmem>> -> memref<128xi32, #tpu.memory_space<vmem>>
      %dma_start3A_65 = arith.constant 0 : i32
      %dma_start3A_66 = arith.constant 0 : i32
      %dma_start3A_67 = tpu.memref_slice %arg4[%dma_start3A_65, %dma_start3A_66] : memref<10000x128xf32, #tpu.memory_space<hbm>> -> memref<10000x128xf32, #tpu.memory_space<hbm>>
      tpu.enqueue_indirect_dma source(%dma_start3A_67 : memref<10000x128xf32, #tpu.memory_space<hbm>>) target(%arg10 : memref<128x128xf32, #tpu.memory_space<vmem>>) offsets(%dma_start3A_64 : memref<128xi32, #tpu.memory_space<vmem>>) semaphore(%arg12 : memref<!tpu.dma_semaphore, #tpu.memory_space<semaphore_mem>>)
      %dma_wait3A = arith.constant 0 : i32
      %dma_wait3A_68 = arith.constant 0 : i32
      %dma_wait3A_69 = tpu.memref_slice %arg7[%dma_wait3A, %dma_wait3A_68] : memref<8x128xi32, #tpu.memory_space<vmem>> -> memref<1x128xi32, #tpu.memory_space<vmem>>
      %dma_wait3A_70 = tpu.memref_squeeze %dma_wait3A_69 : memref<1x128xi32, #tpu.memory_space<vmem>> -> memref<128xi32, #tpu.memory_space<vmem>>
      %dma_wait3A_71 = arith.constant 0 : i32
      %dma_wait3A_72 = arith.constant 0 : i32
      %dma_wait3A_73 = tpu.memref_slice %arg4[%dma_wait3A_71, %dma_wait3A_72] : memref<10000x128xf32, #tpu.memory_space<hbm>> -> memref<10000x128xf32, #tpu.memory_space<hbm>>
      tpu.wait_indirect_dma semaphore(%arg11 : memref<!tpu.dma_semaphore, #tpu.memory_space<semaphore_mem>>) src(%dma_wait3A_73 : memref<10000x128xf32, #tpu.memory_space<hbm>>) dst(%arg9 : memref<128x128xf32, #tpu.memory_space<vmem>>)
      %dma_start3A_74 = arith.constant 0 : i32
      %dma_start3A_75 = arith.constant 0 : i32
      %dma_start3A_76 = tpu.memref_slice %arg8[%dma_start3A_74, %dma_start3A_75] : memref<8x128xi32, #tpu.memory_space<vmem>> -> memref<1x128xi32, #tpu.memory_space<vmem>>
      %dma_start3A_77 = tpu.memref_squeeze %dma_start3A_76 : memref<1x128xi32, #tpu.memory_space<vmem>> -> memref<128xi32, #tpu.memory_space<vmem>>
      %dma_start3A_78 = arith.constant 0 : i32
      %dma_start3A_79 = arith.constant 0 : i32
      %dma_start3A_80 = tpu.memref_slice %arg6[%dma_start3A_78, %dma_start3A_79] : memref<10240x128xf32, #tpu.memory_space<vmem_shared>> -> memref<10240x128xf32, #tpu.memory_space<vmem_shared>>
      tpu.enqueue_indirect_dma source(%arg9 : memref<128x128xf32, #tpu.memory_space<vmem>>) target(%dma_start3A_80 : memref<10240x128xf32, #tpu.memory_space<vmem_shared>>) offsets(%dma_start3A_77 : memref<128xi32, #tpu.memory_space<vmem>>) semaphore(%arg13 : memref<!tpu.dma_semaphore, #tpu.memory_space<semaphore_mem>>) {add = true}
      %dma_wait3A_81 = arith.constant 0 : i32
      %dma_wait3A_82 = arith.constant 0 : i32
      %dma_wait3A_83 = tpu.memref_slice %arg8[%dma_wait3A_81, %dma_wait3A_82] : memref<8x128xi32, #tpu.memory_space<vmem>> -> memref<1x128xi32, #tpu.memory_space<vmem>>
      %dma_wait3A_84 = tpu.memref_squeeze %dma_wait3A_83 : memref<1x128xi32, #tpu.memory_space<vmem>> -> memref<128xi32, #tpu.memory_space<vmem>>
      %dma_wait3A_85 = arith.constant 0 : i32
      %dma_wait3A_86 = arith.constant 0 : i32
      %dma_wait3A_87 = tpu.memref_slice %arg6[%dma_wait3A_85, %dma_wait3A_86] : memref<10240x128xf32, #tpu.memory_space<vmem_shared>> -> memref<10240x128xf32, #tpu.memory_space<vmem_shared>>
      tpu.wait_indirect_dma semaphore(%arg13 : memref<!tpu.dma_semaphore, #tpu.memory_space<semaphore_mem>>) src(%arg9 : memref<128x128xf32, #tpu.memory_space<vmem>>) dst(%dma_wait3A_87 : memref<10240x128xf32, #tpu.memory_space<vmem_shared>>)
      %dma_start3A_88 = arith.constant 2 : i32
      %dma_start3A_89 = arith.constant 0 : i32
      %dma_start3A_90 = tpu.memref_slice %arg7[%dma_start3A_88, %dma_start3A_89] : memref<8x128xi32, #tpu.memory_space<vmem>> -> memref<1x128xi32, #tpu.memory_space<vmem>>
      %dma_start3A_91 = tpu.memref_squeeze %dma_start3A_90 : memref<1x128xi32, #tpu.memory_space<vmem>> -> memref<128xi32, #tpu.memory_space<vmem>>
      %dma_start3A_92 = arith.constant 0 : i32
      %dma_start3A_93 = arith.constant 0 : i32
      %dma_start3A_94 = tpu.memref_slice %arg4[%dma_start3A_92, %dma_start3A_93] : memref<10000x128xf32, #tpu.memory_space<hbm>> -> memref<10000x128xf32, #tpu.memory_space<hbm>>
      tpu.enqueue_indirect_dma source(%dma_start3A_94 : memref<10000x128xf32, #tpu.memory_space<hbm>>) target(%arg9 : memref<128x128xf32, #tpu.memory_space<vmem>>) offsets(%dma_start3A_91 : memref<128xi32, #tpu.memory_space<vmem>>) semaphore(%arg11 : memref<!tpu.dma_semaphore, #tpu.memory_space<semaphore_mem>>)
      %dma_wait3A_95 = arith.constant 1 : i32
      %dma_wait3A_96 = arith.constant 0 : i32
      %dma_wait3A_97 = tpu.memref_slice %arg7[%dma_wait3A_95, %dma_wait3A_96] : memref<8x128xi32, #tpu.memory_space<vmem>> -> memref<1x128xi32, #tpu.memory_space<vmem>>
      %dma_wait3A_98 = tpu.memref_squeeze %dma_wait3A_97 : memref<1x128xi32, #tpu.memory_space<vmem>> -> memref<128xi32, #tpu.memory_space<vmem>>
      %dma_wait3A_99 = arith.constant 0 : i32
      %dma_wait3A_100 = arith.constant 0 : i32
      %dma_wait3A_101 = tpu.memref_slice %arg4[%dma_wait3A_99, %dma_wait3A_100] : memref<10000x128xf32, #tpu.memory_space<hbm>> -> memref<10000x128xf32, #tpu.memory_space<hbm>>
      tpu.wait_indirect_dma semaphore(%arg12 : memref<!tpu.dma_semaphore, #tpu.memory_space<semaphore_mem>>) src(%dma_wait3A_101 : memref<10000x128xf32, #tpu.memory_space<hbm>>) dst(%arg10 : memref<128x128xf32, #tpu.memory_space<vmem>>)
      %dma_start3A_102 = arith.constant 1 : i32
      %dma_start3A_103 = arith.constant 0 : i32
      %dma_start3A_104 = tpu.memref_slice %arg8[%dma_start3A_102, %dma_start3A_103] : memref<8x128xi32, #tpu.memory_space<vmem>> -> memref<1x128xi32, #tpu.memory_space<vmem>>
      %dma_start3A_105 = tpu.memref_squeeze %dma_start3A_104 : memref<1x128xi32, #tpu.memory_space<vmem>> -> memref<128xi32, #tpu.memory_space<vmem>>
      %dma_start3A_106 = arith.constant 0 : i32
      %dma_start3A_107 = arith.constant 0 : i32
      %dma_start3A_108 = tpu.memref_slice %arg6[%dma_start3A_106, %dma_start3A_107] : memref<10240x128xf32, #tpu.memory_space<vmem_shared>> -> memref<10240x128xf32, #tpu.memory_space<vmem_shared>>
      tpu.enqueue_indirect_dma source(%arg10 : memref<128x128xf32, #tpu.memory_space<vmem>>) target(%dma_start3A_108 : memref<10240x128xf32, #tpu.memory_space<vmem_shared>>) offsets(%dma_start3A_105 : memref<128xi32, #tpu.memory_space<vmem>>) semaphore(%arg14 : memref<!tpu.dma_semaphore, #tpu.memory_space<semaphore_mem>>) {add = true}
      %dma_wait3A_109 = arith.constant 1 : i32
      %dma_wait3A_110 = arith.constant 0 : i32
      %dma_wait3A_111 = tpu.memref_slice %arg8[%dma_wait3A_109, %dma_wait3A_110] : memref<8x128xi32, #tpu.memory_space<vmem>> -> memref<1x128xi32, #tpu.memory_space<vmem>>
      %dma_wait3A_112 = tpu.memref_squeeze %dma_wait3A_111 : memref<1x128xi32, #tpu.memory_space<vmem>> -> memref<128xi32, #tpu.memory_space<vmem>>
      %dma_wait3A_113 = arith.constant 0 : i32
      %dma_wait3A_114 = arith.constant 0 : i32
      %dma_wait3A_115 = tpu.memref_slice %arg6[%dma_wait3A_113, %dma_wait3A_114] : memref<10240x128xf32, #tpu.memory_space<vmem_shared>> -> memref<10240x128xf32, #tpu.memory_space<vmem_shared>>
      tpu.wait_indirect_dma semaphore(%arg14 : memref<!tpu.dma_semaphore, #tpu.memory_space<semaphore_mem>>) src(%arg10 : memref<128x128xf32, #tpu.memory_space<vmem>>) dst(%dma_wait3A_115 : memref<10240x128xf32, #tpu.memory_space<vmem_shared>>)
      %dma_start3A_116 = arith.constant 3 : i32
      %dma_start3A_117 = arith.constant 0 : i32
      %dma_start3A_118 = tpu.memref_slice %arg7[%dma_start3A_116, %dma_start3A_117] : memref<8x128xi32, #tpu.memory_space<vmem>> -> memref<1x128xi32, #tpu.memory_space<vmem>>
      %dma_start3A_119 = tpu.memref_squeeze %dma_start3A_118 : memref<1x128xi32, #tpu.memory_space<vmem>> -> memref<128xi32, #tpu.memory_space<vmem>>
      %dma_start3A_120 = arith.constant 0 : i32
      %dma_start3A_121 = arith.constant 0 : i32
      %dma_start3A_122 = tpu.memref_slice %arg4[%dma_start3A_120, %dma_start3A_121] : memref<10000x128xf32, #tpu.memory_space<hbm>> -> memref<10000x128xf32, #tpu.memory_space<hbm>>
      tpu.enqueue_indirect_dma source(%dma_start3A_122 : memref<10000x128xf32, #tpu.memory_space<hbm>>) target(%arg10 : memref<128x128xf32, #tpu.memory_space<vmem>>) offsets(%dma_start3A_119 : memref<128xi32, #tpu.memory_space<vmem>>) semaphore(%arg12 : memref<!tpu.dma_semaphore, #tpu.memory_space<semaphore_mem>>)
      %dma_wait3A_123 = arith.constant 2 : i32
      %dma_wait3A_124 = arith.constant 0 : i32
      %dma_wait3A_125 = tpu.memref_slice %arg7[%dma_wait3A_123, %dma_wait3A_124] : memref<8x128xi32, #tpu.memory_space<vmem>> -> memref<1x128xi32, #tpu.memory_space<vmem>>
      %dma_wait3A_126 = tpu.memref_squeeze %dma_wait3A_125 : memref<1x128xi32, #tpu.memory_space<vmem>> -> memref<128xi32, #tpu.memory_space<vmem>>
      %dma_wait3A_127 = arith.constant 0 : i32
      %dma_wait3A_128 = arith.constant 0 : i32
      %dma_wait3A_129 = tpu.memref_slice %arg4[%dma_wait3A_127, %dma_wait3A_128] : memref<10000x128xf32, #tpu.memory_space<hbm>> -> memref<10000x128xf32, #tpu.memory_space<hbm>>
      tpu.wait_indirect_dma semaphore(%arg11 : memref<!tpu.dma_semaphore, #tpu.memory_space<semaphore_mem>>) src(%dma_wait3A_129 : memref<10000x128xf32, #tpu.memory_space<hbm>>) dst(%arg9 : memref<128x128xf32, #tpu.memory_space<vmem>>)
      %dma_start3A_130 = arith.constant 2 : i32
      %dma_start3A_131 = arith.constant 0 : i32
      %dma_start3A_132 = tpu.memref_slice %arg8[%dma_start3A_130, %dma_start3A_131] : memref<8x128xi32, #tpu.memory_space<vmem>> -> memref<1x128xi32, #tpu.memory_space<vmem>>
      %dma_start3A_133 = tpu.memref_squeeze %dma_start3A_132 : memref<1x128xi32, #tpu.memory_space<vmem>> -> memref<128xi32, #tpu.memory_space<vmem>>
      %dma_start3A_134 = arith.constant 0 : i32
      %dma_start3A_135 = arith.constant 0 : i32
      %dma_start3A_136 = tpu.memref_slice %arg6[%dma_start3A_134, %dma_start3A_135] : memref<10240x128xf32, #tpu.memory_space<vmem_shared>> -> memref<10240x128xf32, #tpu.memory_space<vmem_shared>>
      tpu.enqueue_indirect_dma source(%arg9 : memref<128x128xf32, #tpu.memory_space<vmem>>) target(%dma_start3A_136 : memref<10240x128xf32, #tpu.memory_space<vmem_shared>>) offsets(%dma_start3A_133 : memref<128xi32, #tpu.memory_space<vmem>>) semaphore(%arg13 : memref<!tpu.dma_semaphore, #tpu.memory_space<semaphore_mem>>) {add = true}
      %dma_wait3A_137 = arith.constant 2 : i32
      %dma_wait3A_138 = arith.constant 0 : i32
      %dma_wait3A_139 = tpu.memref_slice %arg8[%dma_wait3A_137, %dma_wait3A_138] : memref<8x128xi32, #tpu.memory_space<vmem>> -> memref<1x128xi32, #tpu.memory_space<vmem>>
      %dma_wait3A_140 = tpu.memref_squeeze %dma_wait3A_139 : memref<1x128xi32, #tpu.memory_space<vmem>> -> memref<128xi32, #tpu.memory_space<vmem>>
      %dma_wait3A_141 = arith.constant 0 : i32
      %dma_wait3A_142 = arith.constant 0 : i32
      %dma_wait3A_143 = tpu.memref_slice %arg6[%dma_wait3A_141, %dma_wait3A_142] : memref<10240x128xf32, #tpu.memory_space<vmem_shared>> -> memref<10240x128xf32, #tpu.memory_space<vmem_shared>>
      tpu.wait_indirect_dma semaphore(%arg13 : memref<!tpu.dma_semaphore, #tpu.memory_space<semaphore_mem>>) src(%arg9 : memref<128x128xf32, #tpu.memory_space<vmem>>) dst(%dma_wait3A_143 : memref<10240x128xf32, #tpu.memory_space<vmem_shared>>)
      %dma_start3A_144 = arith.constant 4 : i32
      %dma_start3A_145 = arith.constant 0 : i32
      %dma_start3A_146 = tpu.memref_slice %arg7[%dma_start3A_144, %dma_start3A_145] : memref<8x128xi32, #tpu.memory_space<vmem>> -> memref<1x128xi32, #tpu.memory_space<vmem>>
      %dma_start3A_147 = tpu.memref_squeeze %dma_start3A_146 : memref<1x128xi32, #tpu.memory_space<vmem>> -> memref<128xi32, #tpu.memory_space<vmem>>
      %dma_start3A_148 = arith.constant 0 : i32
      %dma_start3A_149 = arith.constant 0 : i32
      %dma_start3A_150 = tpu.memref_slice %arg4[%dma_start3A_148, %dma_start3A_149] : memref<10000x128xf32, #tpu.memory_space<hbm>> -> memref<10000x128xf32, #tpu.memory_space<hbm>>
      tpu.enqueue_indirect_dma source(%dma_start3A_150 : memref<10000x128xf32, #tpu.memory_space<hbm>>) target(%arg9 : memref<128x128xf32, #tpu.memory_space<vmem>>) offsets(%dma_start3A_147 : memref<128xi32, #tpu.memory_space<vmem>>) semaphore(%arg11 : memref<!tpu.dma_semaphore, #tpu.memory_space<semaphore_mem>>)
      %dma_wait3A_151 = arith.constant 3 : i32
      %dma_wait3A_152 = arith.constant 0 : i32
      %dma_wait3A_153 = tpu.memref_slice %arg7[%dma_wait3A_151, %dma_wait3A_152] : memref<8x128xi32, #tpu.memory_space<vmem>> -> memref<1x128xi32, #tpu.memory_space<vmem>>
      %dma_wait3A_154 = tpu.memref_squeeze %dma_wait3A_153 : memref<1x128xi32, #tpu.memory_space<vmem>> -> memref<128xi32, #tpu.memory_space<vmem>>
      %dma_wait3A_155 = arith.constant 0 : i32
      %dma_wait3A_156 = arith.constant 0 : i32
      %dma_wait3A_157 = tpu.memref_slice %arg4[%dma_wait3A_155, %dma_wait3A_156] : memref<10000x128xf32, #tpu.memory_space<hbm>> -> memref<10000x128xf32, #tpu.memory_space<hbm>>
      tpu.wait_indirect_dma semaphore(%arg12 : memref<!tpu.dma_semaphore, #tpu.memory_space<semaphore_mem>>) src(%dma_wait3A_157 : memref<10000x128xf32, #tpu.memory_space<hbm>>) dst(%arg10 : memref<128x128xf32, #tpu.memory_space<vmem>>)
      %dma_start3A_158 = arith.constant 3 : i32
      %dma_start3A_159 = arith.constant 0 : i32
      %dma_start3A_160 = tpu.memref_slice %arg8[%dma_start3A_158, %dma_start3A_159] : memref<8x128xi32, #tpu.memory_space<vmem>> -> memref<1x128xi32, #tpu.memory_space<vmem>>
      %dma_start3A_161 = tpu.memref_squeeze %dma_start3A_160 : memref<1x128xi32, #tpu.memory_space<vmem>> -> memref<128xi32, #tpu.memory_space<vmem>>
      %dma_start3A_162 = arith.constant 0 : i32
      %dma_start3A_163 = arith.constant 0 : i32
      %dma_start3A_164 = tpu.memref_slice %arg6[%dma_start3A_162, %dma_start3A_163] : memref<10240x128xf32, #tpu.memory_space<vmem_shared>> -> memref<10240x128xf32, #tpu.memory_space<vmem_shared>>
      tpu.enqueue_indirect_dma source(%arg10 : memref<128x128xf32, #tpu.memory_space<vmem>>) target(%dma_start3A_164 : memref<10240x128xf32, #tpu.memory_space<vmem_shared>>) offsets(%dma_start3A_161 : memref<128xi32, #tpu.memory_space<vmem>>) semaphore(%arg14 : memref<!tpu.dma_semaphore, #tpu.memory_space<semaphore_mem>>) {add = true}
      %dma_wait3A_165 = arith.constant 3 : i32
      %dma_wait3A_166 = arith.constant 0 : i32
      %dma_wait3A_167 = tpu.memref_slice %arg8[%dma_wait3A_165, %dma_wait3A_166] : memref<8x128xi32, #tpu.memory_space<vmem>> -> memref<1x128xi32, #tpu.memory_space<vmem>>
      %dma_wait3A_168 = tpu.memref_squeeze %dma_wait3A_167 : memref<1x128xi32, #tpu.memory_space<vmem>> -> memref<128xi32, #tpu.memory_space<vmem>>
      %dma_wait3A_169 = arith.constant 0 : i32
      %dma_wait3A_170 = arith.constant 0 : i32
      %dma_wait3A_171 = tpu.memref_slice %arg6[%dma_wait3A_169, %dma_wait3A_170] : memref<10240x128xf32, #tpu.memory_space<vmem_shared>> -> memref<10240x128xf32, #tpu.memory_space<vmem_shared>>
      tpu.wait_indirect_dma semaphore(%arg14 : memref<!tpu.dma_semaphore, #tpu.memory_space<semaphore_mem>>) src(%arg10 : memref<128x128xf32, #tpu.memory_space<vmem>>) dst(%dma_wait3A_171 : memref<10240x128xf32, #tpu.memory_space<vmem_shared>>)
      %dma_start3A_172 = arith.constant 5 : i32
      %dma_start3A_173 = arith.constant 0 : i32
      %dma_start3A_174 = tpu.memref_slice %arg7[%dma_start3A_172, %dma_start3A_173] : memref<8x128xi32, #tpu.memory_space<vmem>> -> memref<1x128xi32, #tpu.memory_space<vmem>>
      %dma_start3A_175 = tpu.memref_squeeze %dma_start3A_174 : memref<1x128xi32, #tpu.memory_space<vmem>> -> memref<128xi32, #tpu.memory_space<vmem>>
      %dma_start3A_176 = arith.constant 0 : i32
      %dma_start3A_177 = arith.constant 0 : i32
      %dma_start3A_178 = tpu.memref_slice %arg4[%dma_start3A_176, %dma_start3A_177] : memref<10000x128xf32, #tpu.memory_space<hbm>> -> memref<10000x128xf32, #tpu.memory_space<hbm>>
      tpu.enqueue_indirect_dma source(%dma_start3A_178 : memref<10000x128xf32, #tpu.memory_space<hbm>>) target(%arg10 : memref<128x128xf32, #tpu.memory_space<vmem>>) offsets(%dma_start3A_175 : memref<128xi32, #tpu.memory_space<vmem>>) semaphore(%arg12 : memref<!tpu.dma_semaphore, #tpu.memory_space<semaphore_mem>>)
      %dma_wait3A_179 = arith.constant 4 : i32
      %dma_wait3A_180 = arith.constant 0 : i32
      %dma_wait3A_181 = tpu.memref_slice %arg7[%dma_wait3A_179, %dma_wait3A_180] : memref<8x128xi32, #tpu.memory_space<vmem>> -> memref<1x128xi32, #tpu.memory_space<vmem>>
      %dma_wait3A_182 = tpu.memref_squeeze %dma_wait3A_181 : memref<1x128xi32, #tpu.memory_space<vmem>> -> memref<128xi32, #tpu.memory_space<vmem>>
      %dma_wait3A_183 = arith.constant 0 : i32
      %dma_wait3A_184 = arith.constant 0 : i32
      %dma_wait3A_185 = tpu.memref_slice %arg4[%dma_wait3A_183, %dma_wait3A_184] : memref<10000x128xf32, #tpu.memory_space<hbm>> -> memref<10000x128xf32, #tpu.memory_space<hbm>>
      tpu.wait_indirect_dma semaphore(%arg11 : memref<!tpu.dma_semaphore, #tpu.memory_space<semaphore_mem>>) src(%dma_wait3A_185 : memref<10000x128xf32, #tpu.memory_space<hbm>>) dst(%arg9 : memref<128x128xf32, #tpu.memory_space<vmem>>)
      %dma_start3A_186 = arith.constant 4 : i32
      %dma_start3A_187 = arith.constant 0 : i32
      %dma_start3A_188 = tpu.memref_slice %arg8[%dma_start3A_186, %dma_start3A_187] : memref<8x128xi32, #tpu.memory_space<vmem>> -> memref<1x128xi32, #tpu.memory_space<vmem>>
      %dma_start3A_189 = tpu.memref_squeeze %dma_start3A_188 : memref<1x128xi32, #tpu.memory_space<vmem>> -> memref<128xi32, #tpu.memory_space<vmem>>
      %dma_start3A_190 = arith.constant 0 : i32
      %dma_start3A_191 = arith.constant 0 : i32
      %dma_start3A_192 = tpu.memref_slice %arg6[%dma_start3A_190, %dma_start3A_191] : memref<10240x128xf32, #tpu.memory_space<vmem_shared>> -> memref<10240x128xf32, #tpu.memory_space<vmem_shared>>
      tpu.enqueue_indirect_dma source(%arg9 : memref<128x128xf32, #tpu.memory_space<vmem>>) target(%dma_start3A_192 : memref<10240x128xf32, #tpu.memory_space<vmem_shared>>) offsets(%dma_start3A_189 : memref<128xi32, #tpu.memory_space<vmem>>) semaphore(%arg13 : memref<!tpu.dma_semaphore, #tpu.memory_space<semaphore_mem>>) {add = true}
      %dma_wait3A_193 = arith.constant 4 : i32
      %dma_wait3A_194 = arith.constant 0 : i32
      %dma_wait3A_195 = tpu.memref_slice %arg8[%dma_wait3A_193, %dma_wait3A_194] : memref<8x128xi32, #tpu.memory_space<vmem>> -> memref<1x128xi32, #tpu.memory_space<vmem>>
      %dma_wait3A_196 = tpu.memref_squeeze %dma_wait3A_195 : memref<1x128xi32, #tpu.memory_space<vmem>> -> memref<128xi32, #tpu.memory_space<vmem>>
      %dma_wait3A_197 = arith.constant 0 : i32
      %dma_wait3A_198 = arith.constant 0 : i32
      %dma_wait3A_199 = tpu.memref_slice %arg6[%dma_wait3A_197, %dma_wait3A_198] : memref<10240x128xf32, #tpu.memory_space<vmem_shared>> -> memref<10240x128xf32, #tpu.memory_space<vmem_shared>>
      tpu.wait_indirect_dma semaphore(%arg13 : memref<!tpu.dma_semaphore, #tpu.memory_space<semaphore_mem>>) src(%arg9 : memref<128x128xf32, #tpu.memory_space<vmem>>) dst(%dma_wait3A_199 : memref<10240x128xf32, #tpu.memory_space<vmem_shared>>)
      %dma_start3A_200 = arith.constant 6 : i32
      %dma_start3A_201 = arith.constant 0 : i32
      %dma_start3A_202 = tpu.memref_slice %arg7[%dma_start3A_200, %dma_start3A_201] : memref<8x128xi32, #tpu.memory_space<vmem>> -> memref<1x128xi32, #tpu.memory_space<vmem>>
      %dma_start3A_203 = tpu.memref_squeeze %dma_start3A_202 : memref<1x128xi32, #tpu.memory_space<vmem>> -> memref<128xi32, #tpu.memory_space<vmem>>
      %dma_start3A_204 = arith.constant 0 : i32
      %dma_start3A_205 = arith.constant 0 : i32
      %dma_start3A_206 = tpu.memref_slice %arg4[%dma_start3A_204, %dma_start3A_205] : memref<10000x128xf32, #tpu.memory_space<hbm>> -> memref<10000x128xf32, #tpu.memory_space<hbm>>
      tpu.enqueue_indirect_dma source(%dma_start3A_206 : memref<10000x128xf32, #tpu.memory_space<hbm>>) target(%arg9 : memref<128x128xf32, #tpu.memory_space<vmem>>) offsets(%dma_start3A_203 : memref<128xi32, #tpu.memory_space<vmem>>) semaphore(%arg11 : memref<!tpu.dma_semaphore, #tpu.memory_space<semaphore_mem>>)
      %dma_wait3A_207 = arith.constant 5 : i32
      %dma_wait3A_208 = arith.constant 0 : i32
      %dma_wait3A_209 = tpu.memref_slice %arg7[%dma_wait3A_207, %dma_wait3A_208] : memref<8x128xi32, #tpu.memory_space<vmem>> -> memref<1x128xi32, #tpu.memory_space<vmem>>
      %dma_wait3A_210 = tpu.memref_squeeze %dma_wait3A_209 : memref<1x128xi32, #tpu.memory_space<vmem>> -> memref<128xi32, #tpu.memory_space<vmem>>
      %dma_wait3A_211 = arith.constant 0 : i32
      %dma_wait3A_212 = arith.constant 0 : i32
      %dma_wait3A_213 = tpu.memref_slice %arg4[%dma_wait3A_211, %dma_wait3A_212] : memref<10000x128xf32, #tpu.memory_space<hbm>> -> memref<10000x128xf32, #tpu.memory_space<hbm>>
      tpu.wait_indirect_dma semaphore(%arg12 : memref<!tpu.dma_semaphore, #tpu.memory_space<semaphore_mem>>) src(%dma_wait3A_213 : memref<10000x128xf32, #tpu.memory_space<hbm>>) dst(%arg10 : memref<128x128xf32, #tpu.memory_space<vmem>>)
      %dma_start3A_214 = arith.constant 5 : i32
      %dma_start3A_215 = arith.constant 0 : i32
      %dma_start3A_216 = tpu.memref_slice %arg8[%dma_start3A_214, %dma_start3A_215] : memref<8x128xi32, #tpu.memory_space<vmem>> -> memref<1x128xi32, #tpu.memory_space<vmem>>
      %dma_start3A_217 = tpu.memref_squeeze %dma_start3A_216 : memref<1x128xi32, #tpu.memory_space<vmem>> -> memref<128xi32, #tpu.memory_space<vmem>>
      %dma_start3A_218 = arith.constant 0 : i32
      %dma_start3A_219 = arith.constant 0 : i32
      %dma_start3A_220 = tpu.memref_slice %arg6[%dma_start3A_218, %dma_start3A_219] : memref<10240x128xf32, #tpu.memory_space<vmem_shared>> -> memref<10240x128xf32, #tpu.memory_space<vmem_shared>>
      tpu.enqueue_indirect_dma source(%arg10 : memref<128x128xf32, #tpu.memory_space<vmem>>) target(%dma_start3A_220 : memref<10240x128xf32, #tpu.memory_space<vmem_shared>>) offsets(%dma_start3A_217 : memref<128xi32, #tpu.memory_space<vmem>>) semaphore(%arg14 : memref<!tpu.dma_semaphore, #tpu.memory_space<semaphore_mem>>) {add = true}
      %dma_wait3A_221 = arith.constant 5 : i32
      %dma_wait3A_222 = arith.constant 0 : i32
      %dma_wait3A_223 = tpu.memref_slice %arg8[%dma_wait3A_221, %dma_wait3A_222] : memref<8x128xi32, #tpu.memory_space<vmem>> -> memref<1x128xi32, #tpu.memory_space<vmem>>
      %dma_wait3A_224 = tpu.memref_squeeze %dma_wait3A_223 : memref<1x128xi32, #tpu.memory_space<vmem>> -> memref<128xi32, #tpu.memory_space<vmem>>
      %dma_wait3A_225 = arith.constant 0 : i32
      %dma_wait3A_226 = arith.constant 0 : i32
      %dma_wait3A_227 = tpu.memref_slice %arg6[%dma_wait3A_225, %dma_wait3A_226] : memref<10240x128xf32, #tpu.memory_space<vmem_shared>> -> memref<10240x128xf32, #tpu.memory_space<vmem_shared>>
      tpu.wait_indirect_dma semaphore(%arg14 : memref<!tpu.dma_semaphore, #tpu.memory_space<semaphore_mem>>) src(%arg10 : memref<128x128xf32, #tpu.memory_space<vmem>>) dst(%dma_wait3A_227 : memref<10240x128xf32, #tpu.memory_space<vmem_shared>>)
      %dma_start3A_228 = arith.constant 7 : i32
      %dma_start3A_229 = arith.constant 0 : i32
      %dma_start3A_230 = tpu.memref_slice %arg7[%dma_start3A_228, %dma_start3A_229] : memref<8x128xi32, #tpu.memory_space<vmem>> -> memref<1x128xi32, #tpu.memory_space<vmem>>
      %dma_start3A_231 = tpu.memref_squeeze %dma_start3A_230 : memref<1x128xi32, #tpu.memory_space<vmem>> -> memref<128xi32, #tpu.memory_space<vmem>>
      %dma_start3A_232 = arith.constant 0 : i32
      %dma_start3A_233 = arith.constant 0 : i32
      %dma_start3A_234 = tpu.memref_slice %arg4[%dma_start3A_232, %dma_start3A_233] : memref<10000x128xf32, #tpu.memory_space<hbm>> -> memref<10000x128xf32, #tpu.memory_space<hbm>>
      tpu.enqueue_indirect_dma source(%dma_start3A_234 : memref<10000x128xf32, #tpu.memory_space<hbm>>) target(%arg10 : memref<128x128xf32, #tpu.memory_space<vmem>>) offsets(%dma_start3A_231 : memref<128xi32, #tpu.memory_space<vmem>>) semaphore(%arg12 : memref<!tpu.dma_semaphore, #tpu.memory_space<semaphore_mem>>)
      %dma_wait3A_235 = arith.constant 6 : i32
      %dma_wait3A_236 = arith.constant 0 : i32
      %dma_wait3A_237 = tpu.memref_slice %arg7[%dma_wait3A_235, %dma_wait3A_236] : memref<8x128xi32, #tpu.memory_space<vmem>> -> memref<1x128xi32, #tpu.memory_space<vmem>>
      %dma_wait3A_238 = tpu.memref_squeeze %dma_wait3A_237 : memref<1x128xi32, #tpu.memory_space<vmem>> -> memref<128xi32, #tpu.memory_space<vmem>>
      %dma_wait3A_239 = arith.constant 0 : i32
      %dma_wait3A_240 = arith.constant 0 : i32
      %dma_wait3A_241 = tpu.memref_slice %arg4[%dma_wait3A_239, %dma_wait3A_240] : memref<10000x128xf32, #tpu.memory_space<hbm>> -> memref<10000x128xf32, #tpu.memory_space<hbm>>
      tpu.wait_indirect_dma semaphore(%arg11 : memref<!tpu.dma_semaphore, #tpu.memory_space<semaphore_mem>>) src(%dma_wait3A_241 : memref<10000x128xf32, #tpu.memory_space<hbm>>) dst(%arg9 : memref<128x128xf32, #tpu.memory_space<vmem>>)
      %dma_start3A_242 = arith.constant 6 : i32
      %dma_start3A_243 = arith.constant 0 : i32
      %dma_start3A_244 = tpu.memref_slice %arg8[%dma_start3A_242, %dma_start3A_243] : memref<8x128xi32, #tpu.memory_space<vmem>> -> memref<1x128xi32, #tpu.memory_space<vmem>>
      %dma_start3A_245 = tpu.memref_squeeze %dma_start3A_244 : memref<1x128xi32, #tpu.memory_space<vmem>> -> memref<128xi32, #tpu.memory_space<vmem>>
      %dma_start3A_246 = arith.constant 0 : i32
      %dma_start3A_247 = arith.constant 0 : i32
      %dma_start3A_248 = tpu.memref_slice %arg6[%dma_start3A_246, %dma_start3A_247] : memref<10240x128xf32, #tpu.memory_space<vmem_shared>> -> memref<10240x128xf32, #tpu.memory_space<vmem_shared>>
      tpu.enqueue_indirect_dma source(%arg9 : memref<128x128xf32, #tpu.memory_space<vmem>>) target(%dma_start3A_248 : memref<10240x128xf32, #tpu.memory_space<vmem_shared>>) offsets(%dma_start3A_245 : memref<128xi32, #tpu.memory_space<vmem>>) semaphore(%arg13 : memref<!tpu.dma_semaphore, #tpu.memory_space<semaphore_mem>>) {add = true}
      %dma_wait3A_249 = arith.constant 7 : i32
      %dma_wait3A_250 = arith.constant 0 : i32
      %dma_wait3A_251 = tpu.memref_slice %arg7[%dma_wait3A_249, %dma_wait3A_250] : memref<8x128xi32, #tpu.memory_space<vmem>> -> memref<1x128xi32, #tpu.memory_space<vmem>>
      %dma_wait3A_252 = tpu.memref_squeeze %dma_wait3A_251 : memref<1x128xi32, #tpu.memory_space<vmem>> -> memref<128xi32, #tpu.memory_space<vmem>>
      %dma_wait3A_253 = arith.constant 0 : i32
      %dma_wait3A_254 = arith.constant 0 : i32
      %dma_wait3A_255 = tpu.memref_slice %arg4[%dma_wait3A_253, %dma_wait3A_254] : memref<10000x128xf32, #tpu.memory_space<hbm>> -> memref<10000x128xf32, #tpu.memory_space<hbm>>
      tpu.wait_indirect_dma semaphore(%arg12 : memref<!tpu.dma_semaphore, #tpu.memory_space<semaphore_mem>>) src(%dma_wait3A_255 : memref<10000x128xf32, #tpu.memory_space<hbm>>) dst(%arg10 : memref<128x128xf32, #tpu.memory_space<vmem>>)
      %dma_start3A_256 = arith.constant 7 : i32
      %dma_start3A_257 = arith.constant 0 : i32
      %dma_start3A_258 = tpu.memref_slice %arg8[%dma_start3A_256, %dma_start3A_257] : memref<8x128xi32, #tpu.memory_space<vmem>> -> memref<1x128xi32, #tpu.memory_space<vmem>>
      %dma_start3A_259 = tpu.memref_squeeze %dma_start3A_258 : memref<1x128xi32, #tpu.memory_space<vmem>> -> memref<128xi32, #tpu.memory_space<vmem>>
      %dma_start3A_260 = arith.constant 0 : i32
      %dma_start3A_261 = arith.constant 0 : i32
      %dma_start3A_262 = tpu.memref_slice %arg6[%dma_start3A_260, %dma_start3A_261] : memref<10240x128xf32, #tpu.memory_space<vmem_shared>> -> memref<10240x128xf32, #tpu.memory_space<vmem_shared>>
      tpu.enqueue_indirect_dma source(%arg10 : memref<128x128xf32, #tpu.memory_space<vmem>>) target(%dma_start3A_262 : memref<10240x128xf32, #tpu.memory_space<vmem_shared>>) offsets(%dma_start3A_259 : memref<128xi32, #tpu.memory_space<vmem>>) semaphore(%arg14 : memref<!tpu.dma_semaphore, #tpu.memory_space<semaphore_mem>>) {add = true}
      %dma_wait3A_263 = arith.constant 6 : i32
      %dma_wait3A_264 = arith.constant 0 : i32
      %dma_wait3A_265 = tpu.memref_slice %arg8[%dma_wait3A_263, %dma_wait3A_264] : memref<8x128xi32, #tpu.memory_space<vmem>> -> memref<1x128xi32, #tpu.memory_space<vmem>>
      %dma_wait3A_266 = tpu.memref_squeeze %dma_wait3A_265 : memref<1x128xi32, #tpu.memory_space<vmem>> -> memref<128xi32, #tpu.memory_space<vmem>>
      %dma_wait3A_267 = arith.constant 0 : i32
      %dma_wait3A_268 = arith.constant 0 : i32
      %dma_wait3A_269 = tpu.memref_slice %arg6[%dma_wait3A_267, %dma_wait3A_268] : memref<10240x128xf32, #tpu.memory_space<vmem_shared>> -> memref<10240x128xf32, #tpu.memory_space<vmem_shared>>
      tpu.wait_indirect_dma semaphore(%arg13 : memref<!tpu.dma_semaphore, #tpu.memory_space<semaphore_mem>>) src(%arg9 : memref<128x128xf32, #tpu.memory_space<vmem>>) dst(%dma_wait3A_269 : memref<10240x128xf32, #tpu.memory_space<vmem_shared>>)
      %dma_wait3A_270 = arith.constant 7 : i32
      %dma_wait3A_271 = arith.constant 0 : i32
      %dma_wait3A_272 = tpu.memref_slice %arg8[%dma_wait3A_270, %dma_wait3A_271] : memref<8x128xi32, #tpu.memory_space<vmem>> -> memref<1x128xi32, #tpu.memory_space<vmem>>
      %dma_wait3A_273 = tpu.memref_squeeze %dma_wait3A_272 : memref<1x128xi32, #tpu.memory_space<vmem>> -> memref<128xi32, #tpu.memory_space<vmem>>
      %dma_wait3A_274 = arith.constant 0 : i32
      %dma_wait3A_275 = arith.constant 0 : i32
      %dma_wait3A_276 = tpu.memref_slice %arg6[%dma_wait3A_274, %dma_wait3A_275] : memref<10240x128xf32, #tpu.memory_space<vmem_shared>> -> memref<10240x128xf32, #tpu.memory_space<vmem_shared>>
      tpu.wait_indirect_dma semaphore(%arg14 : memref<!tpu.dma_semaphore, #tpu.memory_space<semaphore_mem>>) src(%arg10 : memref<128x128xf32, #tpu.memory_space<vmem>>) dst(%dma_wait3A_276 : memref<10240x128xf32, #tpu.memory_space<vmem_shared>>)
      %while3A_277 = arith.constant 0 : i32
      scf.yield %while3A_277 : i32
    }
    %while3A_45 = arith.constant 1 : i32
    %while3A_46 = scf.for %while3A_50 = %while3A_42 to %while3A_38 step %while3A_45 iter_args(%while3A_51 = %while3A_44) -> (i32)  : i32 {
      %mul3A_52 = arith.constant 8 : i32
      %mul3A_53 = arith.muli %while3A_50, %mul3A_52 : i32
      %add3A_54 = arith.addi %select_n3A, %mul3A_53 : i32
      "tpu.region"() ({
        %run_scoped3A = tpu.sem_alloc : memref<!tpu.dma_semaphore, #tpu.memory_space<semaphore_mem>>
        %dma_start3A_278 = arith.constant 0 : i32
        %dma_start3A_279 = tpu.memref_slice %arg2[%add3A_54, %dma_start3A_278] : memref<2560x128xi32, #tpu.memory_space<hbm>> -> memref<8x128xi32, #tpu.memory_space<hbm>>
        %dma_start3A_280 = arith.constant 0 : i32
        %dma_start3A_281 = tpu.memref_slice %arg2[%add3A_54, %dma_start3A_280] : memref<2560x128xi32, #tpu.memory_space<hbm>> -> memref<8x128xi32, #tpu.memory_space<hbm>>
        tpu.enqueue_dma source(%dma_start3A_281 : memref<8x128xi32, #tpu.memory_space<hbm>>) target(%arg7 : memref<8x128xi32, #tpu.memory_space<vmem>>) target_semaphore(%run_scoped3A : memref<!tpu.dma_semaphore, #tpu.memory_space<semaphore_mem>>)
        %dma_wait3A_282 = arith.constant 0 : i32
        %dma_wait3A_283 = tpu.memref_slice %arg2[%add3A_54, %dma_wait3A_282] : memref<2560x128xi32, #tpu.memory_space<hbm>> -> memref<8x128xi32, #tpu.memory_space<hbm>>
        %dma_wait3A_284 = arith.constant 0 : i32
        %dma_wait3A_285 = tpu.memref_slice %arg2[%add3A_54, %dma_wait3A_284] : memref<2560x128xi32, #tpu.memory_space<hbm>> -> memref<8x128xi32, #tpu.memory_space<hbm>>
        tpu.wait_dma2 semaphore(%run_scoped3A : memref<!tpu.dma_semaphore, #tpu.memory_space<semaphore_mem>>) src(%dma_wait3A_285 : memref<8x128xi32, #tpu.memory_space<hbm>>) dst(%arg7 : memref<8x128xi32, #tpu.memory_space<vmem>>)
        tpu.yield
      }) : () -> ()
      "tpu.region"() ({
        %run_scoped3A = tpu.sem_alloc : memref<!tpu.dma_semaphore, #tpu.memory_space<semaphore_mem>>
        %dma_start3A_278 = arith.constant 0 : i32
        %dma_start3A_279 = tpu.memref_slice %arg3[%add3A_54, %dma_start3A_278] : memref<2560x128xi32, #tpu.memory_space<hbm>> -> memref<8x128xi32, #tpu.memory_space<hbm>>
        %dma_start3A_280 = arith.constant 0 : i32
        %dma_start3A_281 = tpu.memref_slice %arg3[%add3A_54, %dma_start3A_280] : memref<2560x128xi32, #tpu.memory_space<hbm>> -> memref<8x128xi32, #tpu.memory_space<hbm>>
        tpu.enqueue_dma source(%dma_start3A_281 : memref<8x128xi32, #tpu.memory_space<hbm>>) target(%arg8 : memref<8x128xi32, #tpu.memory_space<vmem>>) target_semaphore(%run_scoped3A : memref<!tpu.dma_semaphore, #tpu.memory_space<semaphore_mem>>)
        %dma_wait3A_282 = arith.constant 0 : i32
        %dma_wait3A_283 = tpu.memref_slice %arg3[%add3A_54, %dma_wait3A_282] : memref<2560x128xi32, #tpu.memory_space<hbm>> -> memref<8x128xi32, #tpu.memory_space<hbm>>
        %dma_wait3A_284 = arith.constant 0 : i32
        %dma_wait3A_285 = tpu.memref_slice %arg3[%add3A_54, %dma_wait3A_284] : memref<2560x128xi32, #tpu.memory_space<hbm>> -> memref<8x128xi32, #tpu.memory_space<hbm>>
        tpu.wait_dma2 semaphore(%run_scoped3A : memref<!tpu.dma_semaphore, #tpu.memory_space<semaphore_mem>>) src(%dma_wait3A_285 : memref<8x128xi32, #tpu.memory_space<hbm>>) dst(%arg8 : memref<8x128xi32, #tpu.memory_space<vmem>>)
        tpu.yield
      }) : () -> ()
      %dma_start3A = arith.constant 0 : i32
      %dma_start3A_55 = arith.constant 0 : i32
      %dma_start3A_56 = tpu.memref_slice %arg7[%dma_start3A, %dma_start3A_55] : memref<8x128xi32, #tpu.memory_space<vmem>> -> memref<1x128xi32, #tpu.memory_space<vmem>>
      %dma_start3A_57 = tpu.memref_squeeze %dma_start3A_56 : memref<1x128xi32, #tpu.memory_space<vmem>> -> memref<128xi32, #tpu.memory_space<vmem>>
      %dma_start3A_58 = arith.constant 0 : i32
      %dma_start3A_59 = arith.constant 0 : i32
      %dma_start3A_60 = tpu.memref_slice %arg4[%dma_start3A_58, %dma_start3A_59] : memref<10000x128xf32, #tpu.memory_space<hbm>> -> memref<10000x128xf32, #tpu.memory_space<hbm>>
      tpu.enqueue_indirect_dma source(%dma_start3A_60 : memref<10000x128xf32, #tpu.memory_space<hbm>>) target(%arg9 : memref<128x128xf32, #tpu.memory_space<vmem>>) offsets(%dma_start3A_57 : memref<128xi32, #tpu.memory_space<vmem>>) semaphore(%arg11 : memref<!tpu.dma_semaphore, #tpu.memory_space<semaphore_mem>>)
      %dma_start3A_61 = arith.constant 1 : i32
      %dma_start3A_62 = arith.constant 0 : i32
      %dma_start3A_63 = tpu.memref_slice %arg7[%dma_start3A_61, %dma_start3A_62] : memref<8x128xi32, #tpu.memory_space<vmem>> -> memref<1x128xi32, #tpu.memory_space<vmem>>
      %dma_start3A_64 = tpu.memref_squeeze %dma_start3A_63 : memref<1x128xi32, #tpu.memory_space<vmem>> -> memref<128xi32, #tpu.memory_space<vmem>>
      %dma_start3A_65 = arith.constant 0 : i32
      %dma_start3A_66 = arith.constant 0 : i32
      %dma_start3A_67 = tpu.memref_slice %arg4[%dma_start3A_65, %dma_start3A_66] : memref<10000x128xf32, #tpu.memory_space<hbm>> -> memref<10000x128xf32, #tpu.memory_space<hbm>>
      tpu.enqueue_indirect_dma source(%dma_start3A_67 : memref<10000x128xf32, #tpu.memory_space<hbm>>) target(%arg10 : memref<128x128xf32, #tpu.memory_space<vmem>>) offsets(%dma_start3A_64 : memref<128xi32, #tpu.memory_space<vmem>>) semaphore(%arg12 : memref<!tpu.dma_semaphore, #tpu.memory_space<semaphore_mem>>)
      %dma_wait3A = arith.constant 0 : i32
      %dma_wait3A_68 = arith.constant 0 : i32
      %dma_wait3A_69 = tpu.memref_slice %arg7[%dma_wait3A, %dma_wait3A_68] : memref<8x128xi32, #tpu.memory_space<vmem>> -> memref<1x128xi32, #tpu.memory_space<vmem>>
      %dma_wait3A_70 = tpu.memref_squeeze %dma_wait3A_69 : memref<1x128xi32, #tpu.memory_space<vmem>> -> memref<128xi32, #tpu.memory_space<vmem>>
      %dma_wait3A_71 = arith.constant 0 : i32
      %dma_wait3A_72 = arith.constant 0 : i32
      %dma_wait3A_73 = tpu.memref_slice %arg4[%dma_wait3A_71, %dma_wait3A_72] : memref<10000x128xf32, #tpu.memory_space<hbm>> -> memref<10000x128xf32, #tpu.memory_space<hbm>>
      tpu.wait_indirect_dma semaphore(%arg11 : memref<!tpu.dma_semaphore, #tpu.memory_space<semaphore_mem>>) src(%dma_wait3A_73 : memref<10000x128xf32, #tpu.memory_space<hbm>>) dst(%arg9 : memref<128x128xf32, #tpu.memory_space<vmem>>)
      %dma_start3A_74 = arith.constant 0 : i32
      %dma_start3A_75 = arith.constant 0 : i32
      %dma_start3A_76 = tpu.memref_slice %arg8[%dma_start3A_74, %dma_start3A_75] : memref<8x128xi32, #tpu.memory_space<vmem>> -> memref<1x128xi32, #tpu.memory_space<vmem>>
      %dma_start3A_77 = tpu.memref_squeeze %dma_start3A_76 : memref<1x128xi32, #tpu.memory_space<vmem>> -> memref<128xi32, #tpu.memory_space<vmem>>
      %dma_start3A_78 = arith.constant 0 : i32
      %dma_start3A_79 = arith.constant 0 : i32
      %dma_start3A_80 = tpu.memref_slice %arg6[%dma_start3A_78, %dma_start3A_79] : memref<10240x128xf32, #tpu.memory_space<vmem_shared>> -> memref<10240x128xf32, #tpu.memory_space<vmem_shared>>
      tpu.enqueue_indirect_dma source(%arg9 : memref<128x128xf32, #tpu.memory_space<vmem>>) target(%dma_start3A_80 : memref<10240x128xf32, #tpu.memory_space<vmem_shared>>) offsets(%dma_start3A_77 : memref<128xi32, #tpu.memory_space<vmem>>) semaphore(%arg13 : memref<!tpu.dma_semaphore, #tpu.memory_space<semaphore_mem>>) {add = true}
      %dma_wait3A_81 = arith.constant 0 : i32
      %dma_wait3A_82 = arith.constant 0 : i32
      %dma_wait3A_83 = tpu.memref_slice %arg8[%dma_wait3A_81, %dma_wait3A_82] : memref<8x128xi32, #tpu.memory_space<vmem>> -> memref<1x128xi32, #tpu.memory_space<vmem>>
      %dma_wait3A_84 = tpu.memref_squeeze %dma_wait3A_83 : memref<1x128xi32, #tpu.memory_space<vmem>> -> memref<128xi32, #tpu.memory_space<vmem>>
      %dma_wait3A_85 = arith.constant 0 : i32
      %dma_wait3A_86 = arith.constant 0 : i32
      %dma_wait3A_87 = tpu.memref_slice %arg6[%dma_wait3A_85, %dma_wait3A_86] : memref<10240x128xf32, #tpu.memory_space<vmem_shared>> -> memref<10240x128xf32, #tpu.memory_space<vmem_shared>>
      tpu.wait_indirect_dma semaphore(%arg13 : memref<!tpu.dma_semaphore, #tpu.memory_space<semaphore_mem>>) src(%arg9 : memref<128x128xf32, #tpu.memory_space<vmem>>) dst(%dma_wait3A_87 : memref<10240x128xf32, #tpu.memory_space<vmem_shared>>)
      %dma_start3A_88 = arith.constant 2 : i32
      %dma_start3A_89 = arith.constant 0 : i32
      %dma_start3A_90 = tpu.memref_slice %arg7[%dma_start3A_88, %dma_start3A_89] : memref<8x128xi32, #tpu.memory_space<vmem>> -> memref<1x128xi32, #tpu.memory_space<vmem>>
      %dma_start3A_91 = tpu.memref_squeeze %dma_start3A_90 : memref<1x128xi32, #tpu.memory_space<vmem>> -> memref<128xi32, #tpu.memory_space<vmem>>
      %dma_start3A_92 = arith.constant 0 : i32
      %dma_start3A_93 = arith.constant 0 : i32
      %dma_start3A_94 = tpu.memref_slice %arg4[%dma_start3A_92, %dma_start3A_93] : memref<10000x128xf32, #tpu.memory_space<hbm>> -> memref<10000x128xf32, #tpu.memory_space<hbm>>
      tpu.enqueue_indirect_dma source(%dma_start3A_94 : memref<10000x128xf32, #tpu.memory_space<hbm>>) target(%arg9 : memref<128x128xf32, #tpu.memory_space<vmem>>) offsets(%dma_start3A_91 : memref<128xi32, #tpu.memory_space<vmem>>) semaphore(%arg11 : memref<!tpu.dma_semaphore, #tpu.memory_space<semaphore_mem>>)
      %dma_wait3A_95 = arith.constant 1 : i32
      %dma_wait3A_96 = arith.constant 0 : i32
      %dma_wait3A_97 = tpu.memref_slice %arg7[%dma_wait3A_95, %dma_wait3A_96] : memref<8x128xi32, #tpu.memory_space<vmem>> -> memref<1x128xi32, #tpu.memory_space<vmem>>
      %dma_wait3A_98 = tpu.memref_squeeze %dma_wait3A_97 : memref<1x128xi32, #tpu.memory_space<vmem>> -> memref<128xi32, #tpu.memory_space<vmem>>
      %dma_wait3A_99 = arith.constant 0 : i32
      %dma_wait3A_100 = arith.constant 0 : i32
      %dma_wait3A_101 = tpu.memref_slice %arg4[%dma_wait3A_99, %dma_wait3A_100] : memref<10000x128xf32, #tpu.memory_space<hbm>> -> memref<10000x128xf32, #tpu.memory_space<hbm>>
      tpu.wait_indirect_dma semaphore(%arg12 : memref<!tpu.dma_semaphore, #tpu.memory_space<semaphore_mem>>) src(%dma_wait3A_101 : memref<10000x128xf32, #tpu.memory_space<hbm>>) dst(%arg10 : memref<128x128xf32, #tpu.memory_space<vmem>>)
      %dma_start3A_102 = arith.constant 1 : i32
      %dma_start3A_103 = arith.constant 0 : i32
      %dma_start3A_104 = tpu.memref_slice %arg8[%dma_start3A_102, %dma_start3A_103] : memref<8x128xi32, #tpu.memory_space<vmem>> -> memref<1x128xi32, #tpu.memory_space<vmem>>
      %dma_start3A_105 = tpu.memref_squeeze %dma_start3A_104 : memref<1x128xi32, #tpu.memory_space<vmem>> -> memref<128xi32, #tpu.memory_space<vmem>>
      %dma_start3A_106 = arith.constant 0 : i32
      %dma_start3A_107 = arith.constant 0 : i32
      %dma_start3A_108 = tpu.memref_slice %arg6[%dma_start3A_106, %dma_start3A_107] : memref<10240x128xf32, #tpu.memory_space<vmem_shared>> -> memref<10240x128xf32, #tpu.memory_space<vmem_shared>>
      tpu.enqueue_indirect_dma source(%arg10 : memref<128x128xf32, #tpu.memory_space<vmem>>) target(%dma_start3A_108 : memref<10240x128xf32, #tpu.memory_space<vmem_shared>>) offsets(%dma_start3A_105 : memref<128xi32, #tpu.memory_space<vmem>>) semaphore(%arg14 : memref<!tpu.dma_semaphore, #tpu.memory_space<semaphore_mem>>) {add = true}
      %dma_wait3A_109 = arith.constant 1 : i32
      %dma_wait3A_110 = arith.constant 0 : i32
      %dma_wait3A_111 = tpu.memref_slice %arg8[%dma_wait3A_109, %dma_wait3A_110] : memref<8x128xi32, #tpu.memory_space<vmem>> -> memref<1x128xi32, #tpu.memory_space<vmem>>
      %dma_wait3A_112 = tpu.memref_squeeze %dma_wait3A_111 : memref<1x128xi32, #tpu.memory_space<vmem>> -> memref<128xi32, #tpu.memory_space<vmem>>
      %dma_wait3A_113 = arith.constant 0 : i32
      %dma_wait3A_114 = arith.constant 0 : i32
      %dma_wait3A_115 = tpu.memref_slice %arg6[%dma_wait3A_113, %dma_wait3A_114] : memref<10240x128xf32, #tpu.memory_space<vmem_shared>> -> memref<10240x128xf32, #tpu.memory_space<vmem_shared>>
      tpu.wait_indirect_dma semaphore(%arg14 : memref<!tpu.dma_semaphore, #tpu.memory_space<semaphore_mem>>) src(%arg10 : memref<128x128xf32, #tpu.memory_space<vmem>>) dst(%dma_wait3A_115 : memref<10240x128xf32, #tpu.memory_space<vmem_shared>>)
      %dma_start3A_116 = arith.constant 3 : i32
      %dma_start3A_117 = arith.constant 0 : i32
      %dma_start3A_118 = tpu.memref_slice %arg7[%dma_start3A_116, %dma_start3A_117] : memref<8x128xi32, #tpu.memory_space<vmem>> -> memref<1x128xi32, #tpu.memory_space<vmem>>
      %dma_start3A_119 = tpu.memref_squeeze %dma_start3A_118 : memref<1x128xi32, #tpu.memory_space<vmem>> -> memref<128xi32, #tpu.memory_space<vmem>>
      %dma_start3A_120 = arith.constant 0 : i32
      %dma_start3A_121 = arith.constant 0 : i32
      %dma_start3A_122 = tpu.memref_slice %arg4[%dma_start3A_120, %dma_start3A_121] : memref<10000x128xf32, #tpu.memory_space<hbm>> -> memref<10000x128xf32, #tpu.memory_space<hbm>>
      tpu.enqueue_indirect_dma source(%dma_start3A_122 : memref<10000x128xf32, #tpu.memory_space<hbm>>) target(%arg10 : memref<128x128xf32, #tpu.memory_space<vmem>>) offsets(%dma_start3A_119 : memref<128xi32, #tpu.memory_space<vmem>>) semaphore(%arg12 : memref<!tpu.dma_semaphore, #tpu.memory_space<semaphore_mem>>)
      %dma_wait3A_123 = arith.constant 2 : i32
      %dma_wait3A_124 = arith.constant 0 : i32
      %dma_wait3A_125 = tpu.memref_slice %arg7[%dma_wait3A_123, %dma_wait3A_124] : memref<8x128xi32, #tpu.memory_space<vmem>> -> memref<1x128xi32, #tpu.memory_space<vmem>>
      %dma_wait3A_126 = tpu.memref_squeeze %dma_wait3A_125 : memref<1x128xi32, #tpu.memory_space<vmem>> -> memref<128xi32, #tpu.memory_space<vmem>>
      %dma_wait3A_127 = arith.constant 0 : i32
      %dma_wait3A_128 = arith.constant 0 : i32
      %dma_wait3A_129 = tpu.memref_slice %arg4[%dma_wait3A_127, %dma_wait3A_128] : memref<10000x128xf32, #tpu.memory_space<hbm>> -> memref<10000x128xf32, #tpu.memory_space<hbm>>
      tpu.wait_indirect_dma semaphore(%arg11 : memref<!tpu.dma_semaphore, #tpu.memory_space<semaphore_mem>>) src(%dma_wait3A_129 : memref<10000x128xf32, #tpu.memory_space<hbm>>) dst(%arg9 : memref<128x128xf32, #tpu.memory_space<vmem>>)
      %dma_start3A_130 = arith.constant 2 : i32
      %dma_start3A_131 = arith.constant 0 : i32
      %dma_start3A_132 = tpu.memref_slice %arg8[%dma_start3A_130, %dma_start3A_131] : memref<8x128xi32, #tpu.memory_space<vmem>> -> memref<1x128xi32, #tpu.memory_space<vmem>>
      %dma_start3A_133 = tpu.memref_squeeze %dma_start3A_132 : memref<1x128xi32, #tpu.memory_space<vmem>> -> memref<128xi32, #tpu.memory_space<vmem>>
      %dma_start3A_134 = arith.constant 0 : i32
      %dma_start3A_135 = arith.constant 0 : i32
      %dma_start3A_136 = tpu.memref_slice %arg6[%dma_start3A_134, %dma_start3A_135] : memref<10240x128xf32, #tpu.memory_space<vmem_shared>> -> memref<10240x128xf32, #tpu.memory_space<vmem_shared>>
      tpu.enqueue_indirect_dma source(%arg9 : memref<128x128xf32, #tpu.memory_space<vmem>>) target(%dma_start3A_136 : memref<10240x128xf32, #tpu.memory_space<vmem_shared>>) offsets(%dma_start3A_133 : memref<128xi32, #tpu.memory_space<vmem>>) semaphore(%arg13 : memref<!tpu.dma_semaphore, #tpu.memory_space<semaphore_mem>>) {add = true}
      %dma_wait3A_137 = arith.constant 2 : i32
      %dma_wait3A_138 = arith.constant 0 : i32
      %dma_wait3A_139 = tpu.memref_slice %arg8[%dma_wait3A_137, %dma_wait3A_138] : memref<8x128xi32, #tpu.memory_space<vmem>> -> memref<1x128xi32, #tpu.memory_space<vmem>>
      %dma_wait3A_140 = tpu.memref_squeeze %dma_wait3A_139 : memref<1x128xi32, #tpu.memory_space<vmem>> -> memref<128xi32, #tpu.memory_space<vmem>>
      %dma_wait3A_141 = arith.constant 0 : i32
      %dma_wait3A_142 = arith.constant 0 : i32
      %dma_wait3A_143 = tpu.memref_slice %arg6[%dma_wait3A_141, %dma_wait3A_142] : memref<10240x128xf32, #tpu.memory_space<vmem_shared>> -> memref<10240x128xf32, #tpu.memory_space<vmem_shared>>
      tpu.wait_indirect_dma semaphore(%arg13 : memref<!tpu.dma_semaphore, #tpu.memory_space<semaphore_mem>>) src(%arg9 : memref<128x128xf32, #tpu.memory_space<vmem>>) dst(%dma_wait3A_143 : memref<10240x128xf32, #tpu.memory_space<vmem_shared>>)
      %dma_start3A_144 = arith.constant 4 : i32
      %dma_start3A_145 = arith.constant 0 : i32
      %dma_start3A_146 = tpu.memref_slice %arg7[%dma_start3A_144, %dma_start3A_145] : memref<8x128xi32, #tpu.memory_space<vmem>> -> memref<1x128xi32, #tpu.memory_space<vmem>>
      %dma_start3A_147 = tpu.memref_squeeze %dma_start3A_146 : memref<1x128xi32, #tpu.memory_space<vmem>> -> memref<128xi32, #tpu.memory_space<vmem>>
      %dma_start3A_148 = arith.constant 0 : i32
      %dma_start3A_149 = arith.constant 0 : i32
      %dma_start3A_150 = tpu.memref_slice %arg4[%dma_start3A_148, %dma_start3A_149] : memref<10000x128xf32, #tpu.memory_space<hbm>> -> memref<10000x128xf32, #tpu.memory_space<hbm>>
      tpu.enqueue_indirect_dma source(%dma_start3A_150 : memref<10000x128xf32, #tpu.memory_space<hbm>>) target(%arg9 : memref<128x128xf32, #tpu.memory_space<vmem>>) offsets(%dma_start3A_147 : memref<128xi32, #tpu.memory_space<vmem>>) semaphore(%arg11 : memref<!tpu.dma_semaphore, #tpu.memory_space<semaphore_mem>>)
      %dma_wait3A_151 = arith.constant 3 : i32
      %dma_wait3A_152 = arith.constant 0 : i32
      %dma_wait3A_153 = tpu.memref_slice %arg7[%dma_wait3A_151, %dma_wait3A_152] : memref<8x128xi32, #tpu.memory_space<vmem>> -> memref<1x128xi32, #tpu.memory_space<vmem>>
      %dma_wait3A_154 = tpu.memref_squeeze %dma_wait3A_153 : memref<1x128xi32, #tpu.memory_space<vmem>> -> memref<128xi32, #tpu.memory_space<vmem>>
      %dma_wait3A_155 = arith.constant 0 : i32
      %dma_wait3A_156 = arith.constant 0 : i32
      %dma_wait3A_157 = tpu.memref_slice %arg4[%dma_wait3A_155, %dma_wait3A_156] : memref<10000x128xf32, #tpu.memory_space<hbm>> -> memref<10000x128xf32, #tpu.memory_space<hbm>>
      tpu.wait_indirect_dma semaphore(%arg12 : memref<!tpu.dma_semaphore, #tpu.memory_space<semaphore_mem>>) src(%dma_wait3A_157 : memref<10000x128xf32, #tpu.memory_space<hbm>>) dst(%arg10 : memref<128x128xf32, #tpu.memory_space<vmem>>)
      %dma_start3A_158 = arith.constant 3 : i32
      %dma_start3A_159 = arith.constant 0 : i32
      %dma_start3A_160 = tpu.memref_slice %arg8[%dma_start3A_158, %dma_start3A_159] : memref<8x128xi32, #tpu.memory_space<vmem>> -> memref<1x128xi32, #tpu.memory_space<vmem>>
      %dma_start3A_161 = tpu.memref_squeeze %dma_start3A_160 : memref<1x128xi32, #tpu.memory_space<vmem>> -> memref<128xi32, #tpu.memory_space<vmem>>
      %dma_start3A_162 = arith.constant 0 : i32
      %dma_start3A_163 = arith.constant 0 : i32
      %dma_start3A_164 = tpu.memref_slice %arg6[%dma_start3A_162, %dma_start3A_163] : memref<10240x128xf32, #tpu.memory_space<vmem_shared>> -> memref<10240x128xf32, #tpu.memory_space<vmem_shared>>
      tpu.enqueue_indirect_dma source(%arg10 : memref<128x128xf32, #tpu.memory_space<vmem>>) target(%dma_start3A_164 : memref<10240x128xf32, #tpu.memory_space<vmem_shared>>) offsets(%dma_start3A_161 : memref<128xi32, #tpu.memory_space<vmem>>) semaphore(%arg14 : memref<!tpu.dma_semaphore, #tpu.memory_space<semaphore_mem>>) {add = true}
      %dma_wait3A_165 = arith.constant 3 : i32
      %dma_wait3A_166 = arith.constant 0 : i32
      %dma_wait3A_167 = tpu.memref_slice %arg8[%dma_wait3A_165, %dma_wait3A_166] : memref<8x128xi32, #tpu.memory_space<vmem>> -> memref<1x128xi32, #tpu.memory_space<vmem>>
      %dma_wait3A_168 = tpu.memref_squeeze %dma_wait3A_167 : memref<1x128xi32, #tpu.memory_space<vmem>> -> memref<128xi32, #tpu.memory_space<vmem>>
      %dma_wait3A_169 = arith.constant 0 : i32
      %dma_wait3A_170 = arith.constant 0 : i32
      %dma_wait3A_171 = tpu.memref_slice %arg6[%dma_wait3A_169, %dma_wait3A_170] : memref<10240x128xf32, #tpu.memory_space<vmem_shared>> -> memref<10240x128xf32, #tpu.memory_space<vmem_shared>>
      tpu.wait_indirect_dma semaphore(%arg14 : memref<!tpu.dma_semaphore, #tpu.memory_space<semaphore_mem>>) src(%arg10 : memref<128x128xf32, #tpu.memory_space<vmem>>) dst(%dma_wait3A_171 : memref<10240x128xf32, #tpu.memory_space<vmem_shared>>)
      %dma_start3A_172 = arith.constant 5 : i32
      %dma_start3A_173 = arith.constant 0 : i32
      %dma_start3A_174 = tpu.memref_slice %arg7[%dma_start3A_172, %dma_start3A_173] : memref<8x128xi32, #tpu.memory_space<vmem>> -> memref<1x128xi32, #tpu.memory_space<vmem>>
      %dma_start3A_175 = tpu.memref_squeeze %dma_start3A_174 : memref<1x128xi32, #tpu.memory_space<vmem>> -> memref<128xi32, #tpu.memory_space<vmem>>
      %dma_start3A_176 = arith.constant 0 : i32
      %dma_start3A_177 = arith.constant 0 : i32
      %dma_start3A_178 = tpu.memref_slice %arg4[%dma_start3A_176, %dma_start3A_177] : memref<10000x128xf32, #tpu.memory_space<hbm>> -> memref<10000x128xf32, #tpu.memory_space<hbm>>
      tpu.enqueue_indirect_dma source(%dma_start3A_178 : memref<10000x128xf32, #tpu.memory_space<hbm>>) target(%arg10 : memref<128x128xf32, #tpu.memory_space<vmem>>) offsets(%dma_start3A_175 : memref<128xi32, #tpu.memory_space<vmem>>) semaphore(%arg12 : memref<!tpu.dma_semaphore, #tpu.memory_space<semaphore_mem>>)
      %dma_wait3A_179 = arith.constant 4 : i32
      %dma_wait3A_180 = arith.constant 0 : i32
      %dma_wait3A_181 = tpu.memref_slice %arg7[%dma_wait3A_179, %dma_wait3A_180] : memref<8x128xi32, #tpu.memory_space<vmem>> -> memref<1x128xi32, #tpu.memory_space<vmem>>
      %dma_wait3A_182 = tpu.memref_squeeze %dma_wait3A_181 : memref<1x128xi32, #tpu.memory_space<vmem>> -> memref<128xi32, #tpu.memory_space<vmem>>
      %dma_wait3A_183 = arith.constant 0 : i32
      %dma_wait3A_184 = arith.constant 0 : i32
      %dma_wait3A_185 = tpu.memref_slice %arg4[%dma_wait3A_183, %dma_wait3A_184] : memref<10000x128xf32, #tpu.memory_space<hbm>> -> memref<10000x128xf32, #tpu.memory_space<hbm>>
      tpu.wait_indirect_dma semaphore(%arg11 : memref<!tpu.dma_semaphore, #tpu.memory_space<semaphore_mem>>) src(%dma_wait3A_185 : memref<10000x128xf32, #tpu.memory_space<hbm>>) dst(%arg9 : memref<128x128xf32, #tpu.memory_space<vmem>>)
      %dma_start3A_186 = arith.constant 4 : i32
      %dma_start3A_187 = arith.constant 0 : i32
      %dma_start3A_188 = tpu.memref_slice %arg8[%dma_start3A_186, %dma_start3A_187] : memref<8x128xi32, #tpu.memory_space<vmem>> -> memref<1x128xi32, #tpu.memory_space<vmem>>
      %dma_start3A_189 = tpu.memref_squeeze %dma_start3A_188 : memref<1x128xi32, #tpu.memory_space<vmem>> -> memref<128xi32, #tpu.memory_space<vmem>>
      %dma_start3A_190 = arith.constant 0 : i32
      %dma_start3A_191 = arith.constant 0 : i32
      %dma_start3A_192 = tpu.memref_slice %arg6[%dma_start3A_190, %dma_start3A_191] : memref<10240x128xf32, #tpu.memory_space<vmem_shared>> -> memref<10240x128xf32, #tpu.memory_space<vmem_shared>>
      tpu.enqueue_indirect_dma source(%arg9 : memref<128x128xf32, #tpu.memory_space<vmem>>) target(%dma_start3A_192 : memref<10240x128xf32, #tpu.memory_space<vmem_shared>>) offsets(%dma_start3A_189 : memref<128xi32, #tpu.memory_space<vmem>>) semaphore(%arg13 : memref<!tpu.dma_semaphore, #tpu.memory_space<semaphore_mem>>) {add = true}
      %dma_wait3A_193 = arith.constant 4 : i32
      %dma_wait3A_194 = arith.constant 0 : i32
      %dma_wait3A_195 = tpu.memref_slice %arg8[%dma_wait3A_193, %dma_wait3A_194] : memref<8x128xi32, #tpu.memory_space<vmem>> -> memref<1x128xi32, #tpu.memory_space<vmem>>
      %dma_wait3A_196 = tpu.memref_squeeze %dma_wait3A_195 : memref<1x128xi32, #tpu.memory_space<vmem>> -> memref<128xi32, #tpu.memory_space<vmem>>
      %dma_wait3A_197 = arith.constant 0 : i32
      %dma_wait3A_198 = arith.constant 0 : i32
      %dma_wait3A_199 = tpu.memref_slice %arg6[%dma_wait3A_197, %dma_wait3A_198] : memref<10240x128xf32, #tpu.memory_space<vmem_shared>> -> memref<10240x128xf32, #tpu.memory_space<vmem_shared>>
      tpu.wait_indirect_dma semaphore(%arg13 : memref<!tpu.dma_semaphore, #tpu.memory_space<semaphore_mem>>) src(%arg9 : memref<128x128xf32, #tpu.memory_space<vmem>>) dst(%dma_wait3A_199 : memref<10240x128xf32, #tpu.memory_space<vmem_shared>>)
      %dma_start3A_200 = arith.constant 6 : i32
      %dma_start3A_201 = arith.constant 0 : i32
      %dma_start3A_202 = tpu.memref_slice %arg7[%dma_start3A_200, %dma_start3A_201] : memref<8x128xi32, #tpu.memory_space<vmem>> -> memref<1x128xi32, #tpu.memory_space<vmem>>
      %dma_start3A_203 = tpu.memref_squeeze %dma_start3A_202 : memref<1x128xi32, #tpu.memory_space<vmem>> -> memref<128xi32, #tpu.memory_space<vmem>>
      %dma_start3A_204 = arith.constant 0 : i32
      %dma_start3A_205 = arith.constant 0 : i32
      %dma_start3A_206 = tpu.memref_slice %arg4[%dma_start3A_204, %dma_start3A_205] : memref<10000x128xf32, #tpu.memory_space<hbm>> -> memref<10000x128xf32, #tpu.memory_space<hbm>>
      tpu.enqueue_indirect_dma source(%dma_start3A_206 : memref<10000x128xf32, #tpu.memory_space<hbm>>) target(%arg9 : memref<128x128xf32, #tpu.memory_space<vmem>>) offsets(%dma_start3A_203 : memref<128xi32, #tpu.memory_space<vmem>>) semaphore(%arg11 : memref<!tpu.dma_semaphore, #tpu.memory_space<semaphore_mem>>)
      %dma_wait3A_207 = arith.constant 5 : i32
      %dma_wait3A_208 = arith.constant 0 : i32
      %dma_wait3A_209 = tpu.memref_slice %arg7[%dma_wait3A_207, %dma_wait3A_208] : memref<8x128xi32, #tpu.memory_space<vmem>> -> memref<1x128xi32, #tpu.memory_space<vmem>>
      %dma_wait3A_210 = tpu.memref_squeeze %dma_wait3A_209 : memref<1x128xi32, #tpu.memory_space<vmem>> -> memref<128xi32, #tpu.memory_space<vmem>>
      %dma_wait3A_211 = arith.constant 0 : i32
      %dma_wait3A_212 = arith.constant 0 : i32
      %dma_wait3A_213 = tpu.memref_slice %arg4[%dma_wait3A_211, %dma_wait3A_212] : memref<10000x128xf32, #tpu.memory_space<hbm>> -> memref<10000x128xf32, #tpu.memory_space<hbm>>
      tpu.wait_indirect_dma semaphore(%arg12 : memref<!tpu.dma_semaphore, #tpu.memory_space<semaphore_mem>>) src(%dma_wait3A_213 : memref<10000x128xf32, #tpu.memory_space<hbm>>) dst(%arg10 : memref<128x128xf32, #tpu.memory_space<vmem>>)
      %dma_start3A_214 = arith.constant 5 : i32
      %dma_start3A_215 = arith.constant 0 : i32
      %dma_start3A_216 = tpu.memref_slice %arg8[%dma_start3A_214, %dma_start3A_215] : memref<8x128xi32, #tpu.memory_space<vmem>> -> memref<1x128xi32, #tpu.memory_space<vmem>>
      %dma_start3A_217 = tpu.memref_squeeze %dma_start3A_216 : memref<1x128xi32, #tpu.memory_space<vmem>> -> memref<128xi32, #tpu.memory_space<vmem>>
      %dma_start3A_218 = arith.constant 0 : i32
      %dma_start3A_219 = arith.constant 0 : i32
      %dma_start3A_220 = tpu.memref_slice %arg6[%dma_start3A_218, %dma_start3A_219] : memref<10240x128xf32, #tpu.memory_space<vmem_shared>> -> memref<10240x128xf32, #tpu.memory_space<vmem_shared>>
      tpu.enqueue_indirect_dma source(%arg10 : memref<128x128xf32, #tpu.memory_space<vmem>>) target(%dma_start3A_220 : memref<10240x128xf32, #tpu.memory_space<vmem_shared>>) offsets(%dma_start3A_217 : memref<128xi32, #tpu.memory_space<vmem>>) semaphore(%arg14 : memref<!tpu.dma_semaphore, #tpu.memory_space<semaphore_mem>>) {add = true}
      %dma_wait3A_221 = arith.constant 5 : i32
      %dma_wait3A_222 = arith.constant 0 : i32
      %dma_wait3A_223 = tpu.memref_slice %arg8[%dma_wait3A_221, %dma_wait3A_222] : memref<8x128xi32, #tpu.memory_space<vmem>> -> memref<1x128xi32, #tpu.memory_space<vmem>>
      %dma_wait3A_224 = tpu.memref_squeeze %dma_wait3A_223 : memref<1x128xi32, #tpu.memory_space<vmem>> -> memref<128xi32, #tpu.memory_space<vmem>>
      %dma_wait3A_225 = arith.constant 0 : i32
      %dma_wait3A_226 = arith.constant 0 : i32
      %dma_wait3A_227 = tpu.memref_slice %arg6[%dma_wait3A_225, %dma_wait3A_226] : memref<10240x128xf32, #tpu.memory_space<vmem_shared>> -> memref<10240x128xf32, #tpu.memory_space<vmem_shared>>
      tpu.wait_indirect_dma semaphore(%arg14 : memref<!tpu.dma_semaphore, #tpu.memory_space<semaphore_mem>>) src(%arg10 : memref<128x128xf32, #tpu.memory_space<vmem>>) dst(%dma_wait3A_227 : memref<10240x128xf32, #tpu.memory_space<vmem_shared>>)
      %dma_start3A_228 = arith.constant 7 : i32
      %dma_start3A_229 = arith.constant 0 : i32
      %dma_start3A_230 = tpu.memref_slice %arg7[%dma_start3A_228, %dma_start3A_229] : memref<8x128xi32, #tpu.memory_space<vmem>> -> memref<1x128xi32, #tpu.memory_space<vmem>>
      %dma_start3A_231 = tpu.memref_squeeze %dma_start3A_230 : memref<1x128xi32, #tpu.memory_space<vmem>> -> memref<128xi32, #tpu.memory_space<vmem>>
      %dma_start3A_232 = arith.constant 0 : i32
      %dma_start3A_233 = arith.constant 0 : i32
      %dma_start3A_234 = tpu.memref_slice %arg4[%dma_start3A_232, %dma_start3A_233] : memref<10000x128xf32, #tpu.memory_space<hbm>> -> memref<10000x128xf32, #tpu.memory_space<hbm>>
      tpu.enqueue_indirect_dma source(%dma_start3A_234 : memref<10000x128xf32, #tpu.memory_space<hbm>>) target(%arg10 : memref<128x128xf32, #tpu.memory_space<vmem>>) offsets(%dma_start3A_231 : memref<128xi32, #tpu.memory_space<vmem>>) semaphore(%arg12 : memref<!tpu.dma_semaphore, #tpu.memory_space<semaphore_mem>>)
      %dma_wait3A_235 = arith.constant 6 : i32
      %dma_wait3A_236 = arith.constant 0 : i32
      %dma_wait3A_237 = tpu.memref_slice %arg7[%dma_wait3A_235, %dma_wait3A_236] : memref<8x128xi32, #tpu.memory_space<vmem>> -> memref<1x128xi32, #tpu.memory_space<vmem>>
      %dma_wait3A_238 = tpu.memref_squeeze %dma_wait3A_237 : memref<1x128xi32, #tpu.memory_space<vmem>> -> memref<128xi32, #tpu.memory_space<vmem>>
      %dma_wait3A_239 = arith.constant 0 : i32
      %dma_wait3A_240 = arith.constant 0 : i32
      %dma_wait3A_241 = tpu.memref_slice %arg4[%dma_wait3A_239, %dma_wait3A_240] : memref<10000x128xf32, #tpu.memory_space<hbm>> -> memref<10000x128xf32, #tpu.memory_space<hbm>>
      tpu.wait_indirect_dma semaphore(%arg11 : memref<!tpu.dma_semaphore, #tpu.memory_space<semaphore_mem>>) src(%dma_wait3A_241 : memref<10000x128xf32, #tpu.memory_space<hbm>>) dst(%arg9 : memref<128x128xf32, #tpu.memory_space<vmem>>)
      %dma_start3A_242 = arith.constant 6 : i32
      %dma_start3A_243 = arith.constant 0 : i32
      %dma_start3A_244 = tpu.memref_slice %arg8[%dma_start3A_242, %dma_start3A_243] : memref<8x128xi32, #tpu.memory_space<vmem>> -> memref<1x128xi32, #tpu.memory_space<vmem>>
      %dma_start3A_245 = tpu.memref_squeeze %dma_start3A_244 : memref<1x128xi32, #tpu.memory_space<vmem>> -> memref<128xi32, #tpu.memory_space<vmem>>
      %dma_start3A_246 = arith.constant 0 : i32
      %dma_start3A_247 = arith.constant 0 : i32
      %dma_start3A_248 = tpu.memref_slice %arg6[%dma_start3A_246, %dma_start3A_247] : memref<10240x128xf32, #tpu.memory_space<vmem_shared>> -> memref<10240x128xf32, #tpu.memory_space<vmem_shared>>
      tpu.enqueue_indirect_dma source(%arg9 : memref<128x128xf32, #tpu.memory_space<vmem>>) target(%dma_start3A_248 : memref<10240x128xf32, #tpu.memory_space<vmem_shared>>) offsets(%dma_start3A_245 : memref<128xi32, #tpu.memory_space<vmem>>) semaphore(%arg13 : memref<!tpu.dma_semaphore, #tpu.memory_space<semaphore_mem>>) {add = true}
      %dma_wait3A_249 = arith.constant 7 : i32
      %dma_wait3A_250 = arith.constant 0 : i32
      %dma_wait3A_251 = tpu.memref_slice %arg7[%dma_wait3A_249, %dma_wait3A_250] : memref<8x128xi32, #tpu.memory_space<vmem>> -> memref<1x128xi32, #tpu.memory_space<vmem>>
      %dma_wait3A_252 = tpu.memref_squeeze %dma_wait3A_251 : memref<1x128xi32, #tpu.memory_space<vmem>> -> memref<128xi32, #tpu.memory_space<vmem>>
      %dma_wait3A_253 = arith.constant 0 : i32
      %dma_wait3A_254 = arith.constant 0 : i32
      %dma_wait3A_255 = tpu.memref_slice %arg4[%dma_wait3A_253, %dma_wait3A_254] : memref<10000x128xf32, #tpu.memory_space<hbm>> -> memref<10000x128xf32, #tpu.memory_space<hbm>>
      tpu.wait_indirect_dma semaphore(%arg12 : memref<!tpu.dma_semaphore, #tpu.memory_space<semaphore_mem>>) src(%dma_wait3A_255 : memref<10000x128xf32, #tpu.memory_space<hbm>>) dst(%arg10 : memref<128x128xf32, #tpu.memory_space<vmem>>)
      %dma_start3A_256 = arith.constant 7 : i32
      %dma_start3A_257 = arith.constant 0 : i32
      %dma_start3A_258 = tpu.memref_slice %arg8[%dma_start3A_256, %dma_start3A_257] : memref<8x128xi32, #tpu.memory_space<vmem>> -> memref<1x128xi32, #tpu.memory_space<vmem>>
      %dma_start3A_259 = tpu.memref_squeeze %dma_start3A_258 : memref<1x128xi32, #tpu.memory_space<vmem>> -> memref<128xi32, #tpu.memory_space<vmem>>
      %dma_start3A_260 = arith.constant 0 : i32
      %dma_start3A_261 = arith.constant 0 : i32
      %dma_start3A_262 = tpu.memref_slice %arg6[%dma_start3A_260, %dma_start3A_261] : memref<10240x128xf32, #tpu.memory_space<vmem_shared>> -> memref<10240x128xf32, #tpu.memory_space<vmem_shared>>
      tpu.enqueue_indirect_dma source(%arg10 : memref<128x128xf32, #tpu.memory_space<vmem>>) target(%dma_start3A_262 : memref<10240x128xf32, #tpu.memory_space<vmem_shared>>) offsets(%dma_start3A_259 : memref<128xi32, #tpu.memory_space<vmem>>) semaphore(%arg14 : memref<!tpu.dma_semaphore, #tpu.memory_space<semaphore_mem>>) {add = true}
      %dma_wait3A_263 = arith.constant 6 : i32
      %dma_wait3A_264 = arith.constant 0 : i32
      %dma_wait3A_265 = tpu.memref_slice %arg8[%dma_wait3A_263, %dma_wait3A_264] : memref<8x128xi32, #tpu.memory_space<vmem>> -> memref<1x128xi32, #tpu.memory_space<vmem>>
      %dma_wait3A_266 = tpu.memref_squeeze %dma_wait3A_265 : memref<1x128xi32, #tpu.memory_space<vmem>> -> memref<128xi32, #tpu.memory_space<vmem>>
      %dma_wait3A_267 = arith.constant 0 : i32
      %dma_wait3A_268 = arith.constant 0 : i32
      %dma_wait3A_269 = tpu.memref_slice %arg6[%dma_wait3A_267, %dma_wait3A_268] : memref<10240x128xf32, #tpu.memory_space<vmem_shared>> -> memref<10240x128xf32, #tpu.memory_space<vmem_shared>>
      tpu.wait_indirect_dma semaphore(%arg13 : memref<!tpu.dma_semaphore, #tpu.memory_space<semaphore_mem>>) src(%arg9 : memref<128x128xf32, #tpu.memory_space<vmem>>) dst(%dma_wait3A_269 : memref<10240x128xf32, #tpu.memory_space<vmem_shared>>)
      %dma_wait3A_270 = arith.constant 7 : i32
      %dma_wait3A_271 = arith.constant 0 : i32
      %dma_wait3A_272 = tpu.memref_slice %arg8[%dma_wait3A_270, %dma_wait3A_271] : memref<8x128xi32, #tpu.memory_space<vmem>> -> memref<1x128xi32, #tpu.memory_space<vmem>>
      %dma_wait3A_273 = tpu.memref_squeeze %dma_wait3A_272 : memref<1x128xi32, #tpu.memory_space<vmem>> -> memref<128xi32, #tpu.memory_space<vmem>>
      %dma_wait3A_274 = arith.constant 0 : i32
      %dma_wait3A_275 = arith.constant 0 : i32
      %dma_wait3A_276 = tpu.memref_slice %arg6[%dma_wait3A_274, %dma_wait3A_275] : memref<10240x128xf32, #tpu.memory_space<vmem_shared>> -> memref<10240x128xf32, #tpu.memory_space<vmem_shared>>
      tpu.wait_indirect_dma semaphore(%arg14 : memref<!tpu.dma_semaphore, #tpu.memory_space<semaphore_mem>>) src(%arg10 : memref<128x128xf32, #tpu.memory_space<vmem>>) dst(%dma_wait3A_276 : memref<10240x128xf32, #tpu.memory_space<vmem_shared>>)
      %while3A_277 = arith.constant 0 : i32
      scf.yield %while3A_277 : i32
    }
    %barrier3A_47 = arith.constant 0 : index
    tpu.barrier barrier_id(%barrier3A_47)
    %mul3A_48 = arith.constant 640 : i32
    %mul3A_49 = arith.muli %arg1, %mul3A_48 : i32
    "tpu.region"() ({
      %run_scoped3A = tpu.sem_alloc : memref<!tpu.dma_semaphore, #tpu.memory_space<semaphore_mem>>
      %dma_start3A = arith.constant 0 : i32
      %dma_start3A_50 = tpu.memref_slice %arg5[%arg0, %mul3A_49, %dma_start3A] : memref<2x10240x128xf32, #tpu.memory_space<hbm>> -> memref<1x640x128xf32, #tpu.memory_space<hbm>>
      %dma_start3A_51 = tpu.memref_squeeze %dma_start3A_50 : memref<1x640x128xf32, #tpu.memory_space<hbm>> -> memref<640x128xf32, #tpu.memory_space<hbm>>
      %dma_start3A_52 = arith.constant 0 : i32
      %dma_start3A_53 = tpu.memref_slice %arg6[%mul3A_49, %dma_start3A_52] : memref<10240x128xf32, #tpu.memory_space<vmem_shared>> -> memref<640x128xf32, #tpu.memory_space<vmem_shared>>
      tpu.enqueue_dma source(%dma_start3A_53 : memref<640x128xf32, #tpu.memory_space<vmem_shared>>) target(%dma_start3A_51 : memref<640x128xf32, #tpu.memory_space<hbm>>) target_semaphore(%run_scoped3A : memref<!tpu.dma_semaphore, #tpu.memory_space<semaphore_mem>>)
      %dma_wait3A = arith.constant 0 : i32
      %dma_wait3A_54 = tpu.memref_slice %arg5[%arg0, %mul3A_49, %dma_wait3A] : memref<2x10240x128xf32, #tpu.memory_space<hbm>> -> memref<1x640x128xf32, #tpu.memory_space<hbm>>
      %dma_wait3A_55 = tpu.memref_squeeze %dma_wait3A_54 : memref<1x640x128xf32, #tpu.memory_space<hbm>> -> memref<640x128xf32, #tpu.memory_space<hbm>>
      %dma_wait3A_56 = arith.constant 0 : i32
      %dma_wait3A_57 = tpu.memref_slice %arg6[%mul3A_49, %dma_wait3A_56] : memref<10240x128xf32, #tpu.memory_space<vmem_shared>> -> memref<640x128xf32, #tpu.memory_space<vmem_shared>>
      tpu.wait_dma2 semaphore(%run_scoped3A : memref<!tpu.dma_semaphore, #tpu.memory_space<semaphore_mem>>) src(%dma_wait3A_57 : memref<640x128xf32, #tpu.memory_space<vmem_shared>>) dst(%dma_wait3A_55 : memref<640x128xf32, #tpu.memory_space<hbm>>)
      tpu.yield
    }) : () -> ()
    return
  }
}

#map = affine_map<(d0, d1) -> (0, 0)>
#map1 = affine_map<(d0, d1) -> (0, 0, 0)>
module attributes {stable_mosaic.version = 14 : i64} {
  func.func @_deg_kernel(%arg0: i32, %arg1: i32, %arg2: memref<2560x128xi32, #tpu.memory_space<hbm>>, %arg3: memref<2x10240x16xf32, #tpu.memory_space<hbm>>, %arg4: memref<10240x16xf32, #tpu.memory_space<vmem_shared>>, %arg5: memref<8x128xi32, #tpu.memory_space<vmem>>, %arg6: memref<128x16xf32, #tpu.memory_space<vmem>>, %arg7: memref<!tpu.dma_semaphore, #tpu.memory_space<semaphore_mem>>) attributes {dimension_semantics = [#tpu.dimension_semantics<core_parallel>, #tpu.dimension_semantics<subcore_parallel>], iteration_bounds = array<i64: 2, 16>, scalar_prefetch = 0 : i64, scratch_operands = 4 : i64, tpu.core_type = #tpu.core_type<sc_vector_subcore>, window_params = [{transform_indices = #map}, {transform_indices = #map1}]} {
    %mul3A = arith.constant 16 : i32
    %mul3A_0 = arith.muli %arg0, %mul3A : i32
    %add3A = arith.addi %mul3A_0, %arg1 : i32
    %broadcast_in_dim3A = arith.constant 1.000000e+00 : f32
    %broadcast_in_dim3A_1 = vector.broadcast %broadcast_in_dim3A : f32 to vector<16xf32>
    %broadcast_in_dim3A_2 = arith.constant 0.000000e+00 : f32
    %broadcast_in_dim3A_3 = vector.broadcast %broadcast_in_dim3A_2 : f32 to vector<16xf32>
    %scan3A = arith.constant 0 : i32
    %scan3A_4 = arith.constant 0 : i32
    %scan3A_5 = arith.constant 128 : i32
    %scan3A_6 = arith.addi %scan3A_4, %scan3A_5 : i32
    %scan3A_7 = arith.constant 1 : i32
    %scan3A_8 = scf.for %scan3A_47 = %scan3A_4 to %scan3A_6 step %scan3A_7 iter_args(%scan3A_48 = %scan3A) -> (i32)  : i32 {
      %swap3A = arith.index_cast %scan3A_47 : i32 to index
      %swap3A_49 = arith.constant 0 : index
      %swap3A_50 = tpu.vector_load %arg6[%swap3A, %swap3A_49] {strides = array<i32>} : memref<128x16xf32, #tpu.memory_space<vmem>>, vector<1x16xf32>,
      %swap3A_51 = vector.shape_cast %swap3A_50 : vector<1x16xf32> to vector<16xf32>
      %swap3A_52 = vector.shape_cast %broadcast_in_dim3A_3 : vector<16xf32> to vector<1x16xf32>
      tpu.vector_store %arg6[%swap3A, %swap3A_49], %swap3A_52 {strides = array<i32>} : memref<128x16xf32, #tpu.memory_space<vmem>>, vector<1x16xf32>,
      %scan3A_53 = arith.constant 0 : i32
      scf.yield %scan3A_53 : i32
    }
    %scan3A_9 = arith.constant 128 : i32
    %mul3A_10 = arith.constant 640 : i32
    %mul3A_11 = arith.muli %arg1, %mul3A_10 : i32
    %add3A_12 = arith.constant 0 : i32
    %add3A_13 = arith.addi %mul3A_11, %add3A_12 : i32
    "tpu.region"() ({
      %run_scoped3A = tpu.sem_alloc : memref<!tpu.dma_semaphore, #tpu.memory_space<semaphore_mem>>
      %dma_start3A = arith.constant 0 : i32
      %dma_start3A_47 = tpu.memref_slice %arg4[%add3A_13, %dma_start3A] : memref<10240x16xf32, #tpu.memory_space<vmem_shared>> -> memref<128x16xf32, #tpu.memory_space<vmem_shared>>
      %dma_start3A_48 = arith.constant 0 : i32
      %dma_start3A_49 = tpu.memref_slice %arg4[%add3A_13, %dma_start3A_48] : memref<10240x16xf32, #tpu.memory_space<vmem_shared>> -> memref<128x16xf32, #tpu.memory_space<vmem_shared>>
      tpu.enqueue_dma source(%arg6 : memref<128x16xf32, #tpu.memory_space<vmem>>) target(%dma_start3A_49 : memref<128x16xf32, #tpu.memory_space<vmem_shared>>) target_semaphore(%run_scoped3A : memref<!tpu.dma_semaphore, #tpu.memory_space<semaphore_mem>>)
      %dma_wait3A = arith.constant 0 : i32
      %dma_wait3A_50 = tpu.memref_slice %arg4[%add3A_13, %dma_wait3A] : memref<10240x16xf32, #tpu.memory_space<vmem_shared>> -> memref<128x16xf32, #tpu.memory_space<vmem_shared>>
      %dma_wait3A_51 = arith.constant 0 : i32
      %dma_wait3A_52 = tpu.memref_slice %arg4[%add3A_13, %dma_wait3A_51] : memref<10240x16xf32, #tpu.memory_space<vmem_shared>> -> memref<128x16xf32, #tpu.memory_space<vmem_shared>>
      tpu.wait_dma2 semaphore(%run_scoped3A : memref<!tpu.dma_semaphore, #tpu.memory_space<semaphore_mem>>) src(%arg6 : memref<128x16xf32, #tpu.memory_space<vmem>>) dst(%dma_wait3A_52 : memref<128x16xf32, #tpu.memory_space<vmem_shared>>)
      tpu.yield
    }) : () -> ()
    %mul3A_14 = arith.constant 640 : i32
    %mul3A_15 = arith.muli %arg1, %mul3A_14 : i32
    %add3A_16 = arith.constant 128 : i32
    %add3A_17 = arith.addi %mul3A_15, %add3A_16 : i32
    "tpu.region"() ({
      %run_scoped3A = tpu.sem_alloc : memref<!tpu.dma_semaphore, #tpu.memory_space<semaphore_mem>>
      %dma_start3A = arith.constant 0 : i32
      %dma_start3A_47 = tpu.memref_slice %arg4[%add3A_17, %dma_start3A] : memref<10240x16xf32, #tpu.memory_space<vmem_shared>> -> memref<128x16xf32, #tpu.memory_space<vmem_shared>>
      %dma_start3A_48 = arith.constant 0 : i32
      %dma_start3A_49 = tpu.memref_slice %arg4[%add3A_17, %dma_start3A_48] : memref<10240x16xf32, #tpu.memory_space<vmem_shared>> -> memref<128x16xf32, #tpu.memory_space<vmem_shared>>
      tpu.enqueue_dma source(%arg6 : memref<128x16xf32, #tpu.memory_space<vmem>>) target(%dma_start3A_49 : memref<128x16xf32, #tpu.memory_space<vmem_shared>>) target_semaphore(%run_scoped3A : memref<!tpu.dma_semaphore, #tpu.memory_space<semaphore_mem>>)
      %dma_wait3A = arith.constant 0 : i32
      %dma_wait3A_50 = tpu.memref_slice %arg4[%add3A_17, %dma_wait3A] : memref<10240x16xf32, #tpu.memory_space<vmem_shared>> -> memref<128x16xf32, #tpu.memory_space<vmem_shared>>
      %dma_wait3A_51 = arith.constant 0 : i32
      %dma_wait3A_52 = tpu.memref_slice %arg4[%add3A_17, %dma_wait3A_51] : memref<10240x16xf32, #tpu.memory_space<vmem_shared>> -> memref<128x16xf32, #tpu.memory_space<vmem_shared>>
      tpu.wait_dma2 semaphore(%run_scoped3A : memref<!tpu.dma_semaphore, #tpu.memory_space<semaphore_mem>>) src(%arg6 : memref<128x16xf32, #tpu.memory_space<vmem>>) dst(%dma_wait3A_52 : memref<128x16xf32, #tpu.memory_space<vmem_shared>>)
      tpu.yield
    }) : () -> ()
    %mul3A_18 = arith.constant 640 : i32
    %mul3A_19 = arith.muli %arg1, %mul3A_18 : i32
    %add3A_20 = arith.constant 256 : i32
    %add3A_21 = arith.addi %mul3A_19, %add3A_20 : i32
    "tpu.region"() ({
      %run_scoped3A = tpu.sem_alloc : memref<!tpu.dma_semaphore, #tpu.memory_space<semaphore_mem>>
      %dma_start3A = arith.constant 0 : i32
      %dma_start3A_47 = tpu.memref_slice %arg4[%add3A_21, %dma_start3A] : memref<10240x16xf32, #tpu.memory_space<vmem_shared>> -> memref<128x16xf32, #tpu.memory_space<vmem_shared>>
      %dma_start3A_48 = arith.constant 0 : i32
      %dma_start3A_49 = tpu.memref_slice %arg4[%add3A_21, %dma_start3A_48] : memref<10240x16xf32, #tpu.memory_space<vmem_shared>> -> memref<128x16xf32, #tpu.memory_space<vmem_shared>>
      tpu.enqueue_dma source(%arg6 : memref<128x16xf32, #tpu.memory_space<vmem>>) target(%dma_start3A_49 : memref<128x16xf32, #tpu.memory_space<vmem_shared>>) target_semaphore(%run_scoped3A : memref<!tpu.dma_semaphore, #tpu.memory_space<semaphore_mem>>)
      %dma_wait3A = arith.constant 0 : i32
      %dma_wait3A_50 = tpu.memref_slice %arg4[%add3A_21, %dma_wait3A] : memref<10240x16xf32, #tpu.memory_space<vmem_shared>> -> memref<128x16xf32, #tpu.memory_space<vmem_shared>>
      %dma_wait3A_51 = arith.constant 0 : i32
      %dma_wait3A_52 = tpu.memref_slice %arg4[%add3A_21, %dma_wait3A_51] : memref<10240x16xf32, #tpu.memory_space<vmem_shared>> -> memref<128x16xf32, #tpu.memory_space<vmem_shared>>
      tpu.wait_dma2 semaphore(%run_scoped3A : memref<!tpu.dma_semaphore, #tpu.memory_space<semaphore_mem>>) src(%arg6 : memref<128x16xf32, #tpu.memory_space<vmem>>) dst(%dma_wait3A_52 : memref<128x16xf32, #tpu.memory_space<vmem_shared>>)
      tpu.yield
    }) : () -> ()
    %mul3A_22 = arith.constant 640 : i32
    %mul3A_23 = arith.muli %arg1, %mul3A_22 : i32
    %add3A_24 = arith.constant 384 : i32
    %add3A_25 = arith.addi %mul3A_23, %add3A_24 : i32
    "tpu.region"() ({
      %run_scoped3A = tpu.sem_alloc : memref<!tpu.dma_semaphore, #tpu.memory_space<semaphore_mem>>
      %dma_start3A = arith.constant 0 : i32
      %dma_start3A_47 = tpu.memref_slice %arg4[%add3A_25, %dma_start3A] : memref<10240x16xf32, #tpu.memory_space<vmem_shared>> -> memref<128x16xf32, #tpu.memory_space<vmem_shared>>
      %dma_start3A_48 = arith.constant 0 : i32
      %dma_start3A_49 = tpu.memref_slice %arg4[%add3A_25, %dma_start3A_48] : memref<10240x16xf32, #tpu.memory_space<vmem_shared>> -> memref<128x16xf32, #tpu.memory_space<vmem_shared>>
      tpu.enqueue_dma source(%arg6 : memref<128x16xf32, #tpu.memory_space<vmem>>) target(%dma_start3A_49 : memref<128x16xf32, #tpu.memory_space<vmem_shared>>) target_semaphore(%run_scoped3A : memref<!tpu.dma_semaphore, #tpu.memory_space<semaphore_mem>>)
      %dma_wait3A = arith.constant 0 : i32
      %dma_wait3A_50 = tpu.memref_slice %arg4[%add3A_25, %dma_wait3A] : memref<10240x16xf32, #tpu.memory_space<vmem_shared>> -> memref<128x16xf32, #tpu.memory_space<vmem_shared>>
      %dma_wait3A_51 = arith.constant 0 : i32
      %dma_wait3A_52 = tpu.memref_slice %arg4[%add3A_25, %dma_wait3A_51] : memref<10240x16xf32, #tpu.memory_space<vmem_shared>> -> memref<128x16xf32, #tpu.memory_space<vmem_shared>>
      tpu.wait_dma2 semaphore(%run_scoped3A : memref<!tpu.dma_semaphore, #tpu.memory_space<semaphore_mem>>) src(%arg6 : memref<128x16xf32, #tpu.memory_space<vmem>>) dst(%dma_wait3A_52 : memref<128x16xf32, #tpu.memory_space<vmem_shared>>)
      tpu.yield
    }) : () -> ()
    %mul3A_26 = arith.constant 640 : i32
    %mul3A_27 = arith.muli %arg1, %mul3A_26 : i32
    %add3A_28 = arith.constant 512 : i32
    %add3A_29 = arith.addi %mul3A_27, %add3A_28 : i32
    "tpu.region"() ({
      %run_scoped3A = tpu.sem_alloc : memref<!tpu.dma_semaphore, #tpu.memory_space<semaphore_mem>>
      %dma_start3A = arith.constant 0 : i32
      %dma_start3A_47 = tpu.memref_slice %arg4[%add3A_29, %dma_start3A] : memref<10240x16xf32, #tpu.memory_space<vmem_shared>> -> memref<128x16xf32, #tpu.memory_space<vmem_shared>>
      %dma_start3A_48 = arith.constant 0 : i32
      %dma_start3A_49 = tpu.memref_slice %arg4[%add3A_29, %dma_start3A_48] : memref<10240x16xf32, #tpu.memory_space<vmem_shared>> -> memref<128x16xf32, #tpu.memory_space<vmem_shared>>
      tpu.enqueue_dma source(%arg6 : memref<128x16xf32, #tpu.memory_space<vmem>>) target(%dma_start3A_49 : memref<128x16xf32, #tpu.memory_space<vmem_shared>>) target_semaphore(%run_scoped3A : memref<!tpu.dma_semaphore, #tpu.memory_space<semaphore_mem>>)
      %dma_wait3A = arith.constant 0 : i32
      %dma_wait3A_50 = tpu.memref_slice %arg4[%add3A_29, %dma_wait3A] : memref<10240x16xf32, #tpu.memory_space<vmem_shared>> -> memref<128x16xf32, #tpu.memory_space<vmem_shared>>
      %dma_wait3A_51 = arith.constant 0 : i32
      %dma_wait3A_52 = tpu.memref_slice %arg4[%add3A_29, %dma_wait3A_51] : memref<10240x16xf32, #tpu.memory_space<vmem_shared>> -> memref<128x16xf32, #tpu.memory_space<vmem_shared>>
      tpu.wait_dma2 semaphore(%run_scoped3A : memref<!tpu.dma_semaphore, #tpu.memory_space<semaphore_mem>>) src(%arg6 : memref<128x16xf32, #tpu.memory_space<vmem>>) dst(%dma_wait3A_52 : memref<128x16xf32, #tpu.memory_space<vmem_shared>>)
      tpu.yield
    }) : () -> ()
    %scan3A_30 = arith.constant 0 : i32
    %scan3A_31 = arith.constant 0 : i32
    %scan3A_32 = arith.constant 128 : i32
    %scan3A_33 = arith.addi %scan3A_31, %scan3A_32 : i32
    %scan3A_34 = arith.constant 1 : i32
    %scan3A_35 = scf.for %scan3A_47 = %scan3A_31 to %scan3A_33 step %scan3A_34 iter_args(%scan3A_48 = %scan3A_30) -> (i32)  : i32 {
      %swap3A = arith.index_cast %scan3A_47 : i32 to index
      %swap3A_49 = arith.constant 0 : index
      %swap3A_50 = tpu.vector_load %arg6[%swap3A, %swap3A_49] {strides = array<i32>} : memref<128x16xf32, #tpu.memory_space<vmem>>, vector<1x16xf32>,
      %swap3A_51 = vector.shape_cast %swap3A_50 : vector<1x16xf32> to vector<16xf32>
      %swap3A_52 = vector.shape_cast %broadcast_in_dim3A_1 : vector<16xf32> to vector<1x16xf32>
      tpu.vector_store %arg6[%swap3A, %swap3A_49], %swap3A_52 {strides = array<i32>} : memref<128x16xf32, #tpu.memory_space<vmem>>, vector<1x16xf32>,
      %scan3A_53 = arith.constant 0 : i32
      scf.yield %scan3A_53 : i32
    }
    %scan3A_36 = arith.constant 128 : i32
    %barrier3A = arith.constant 0 : index
    tpu.barrier barrier_id(%barrier3A)
    %scan3A_37 = arith.constant 0 : i32
    %scan3A_38 = arith.constant 0 : i32
    %scan3A_39 = arith.constant 10 : i32
    %scan3A_40 = arith.addi %scan3A_38, %scan3A_39 : i32
    %scan3A_41 = arith.constant 1 : i32
    %scan3A_42 = scf.for %scan3A_47 = %scan3A_38 to %scan3A_40 step %scan3A_41 iter_args(%scan3A_48 = %scan3A_37) -> (i32)  : i32 {
      %mul3A_49 = arith.constant 80 : i32
      %mul3A_50 = arith.muli %add3A, %mul3A_49 : i32
      %mul3A_51 = arith.constant 8 : i32
      %mul3A_52 = arith.muli %scan3A_47, %mul3A_51 : i32
      %add3A_53 = arith.addi %mul3A_50, %mul3A_52 : i32
      "tpu.region"() ({
        %run_scoped3A = tpu.sem_alloc : memref<!tpu.dma_semaphore, #tpu.memory_space<semaphore_mem>>
        %dma_start3A_165 = arith.constant 0 : i32
        %dma_start3A_166 = tpu.memref_slice %arg2[%add3A_53, %dma_start3A_165] : memref<2560x128xi32, #tpu.memory_space<hbm>> -> memref<8x128xi32, #tpu.memory_space<hbm>>
        %dma_start3A_167 = arith.constant 0 : i32
        %dma_start3A_168 = tpu.memref_slice %arg2[%add3A_53, %dma_start3A_167] : memref<2560x128xi32, #tpu.memory_space<hbm>> -> memref<8x128xi32, #tpu.memory_space<hbm>>
        tpu.enqueue_dma source(%dma_start3A_168 : memref<8x128xi32, #tpu.memory_space<hbm>>) target(%arg5 : memref<8x128xi32, #tpu.memory_space<vmem>>) target_semaphore(%run_scoped3A : memref<!tpu.dma_semaphore, #tpu.memory_space<semaphore_mem>>)
        %dma_wait3A_169 = arith.constant 0 : i32
        %dma_wait3A_170 = tpu.memref_slice %arg2[%add3A_53, %dma_wait3A_169] : memref<2560x128xi32, #tpu.memory_space<hbm>> -> memref<8x128xi32, #tpu.memory_space<hbm>>
        %dma_wait3A_171 = arith.constant 0 : i32
        %dma_wait3A_172 = tpu.memref_slice %arg2[%add3A_53, %dma_wait3A_171] : memref<2560x128xi32, #tpu.memory_space<hbm>> -> memref<8x128xi32, #tpu.memory_space<hbm>>
        tpu.wait_dma2 semaphore(%run_scoped3A : memref<!tpu.dma_semaphore, #tpu.memory_space<semaphore_mem>>) src(%dma_wait3A_172 : memref<8x128xi32, #tpu.memory_space<hbm>>) dst(%arg5 : memref<8x128xi32, #tpu.memory_space<vmem>>)
        tpu.yield
      }) : () -> ()
      %dma_start3A = arith.constant 0 : i32
      %dma_start3A_54 = arith.constant 0 : i32
      %dma_start3A_55 = tpu.memref_slice %arg5[%dma_start3A, %dma_start3A_54] : memref<8x128xi32, #tpu.memory_space<vmem>> -> memref<1x128xi32, #tpu.memory_space<vmem>>
      %dma_start3A_56 = tpu.memref_squeeze %dma_start3A_55 : memref<1x128xi32, #tpu.memory_space<vmem>> -> memref<128xi32, #tpu.memory_space<vmem>>
      %dma_start3A_57 = arith.constant 0 : i32
      %dma_start3A_58 = arith.constant 0 : i32
      %dma_start3A_59 = tpu.memref_slice %arg4[%dma_start3A_57, %dma_start3A_58] : memref<10240x16xf32, #tpu.memory_space<vmem_shared>> -> memref<10240x16xf32, #tpu.memory_space<vmem_shared>>
      tpu.enqueue_indirect_dma source(%arg6 : memref<128x16xf32, #tpu.memory_space<vmem>>) target(%dma_start3A_59 : memref<10240x16xf32, #tpu.memory_space<vmem_shared>>) offsets(%dma_start3A_56 : memref<128xi32, #tpu.memory_space<vmem>>) semaphore(%arg7 : memref<!tpu.dma_semaphore, #tpu.memory_space<semaphore_mem>>) {add = true}
      %dma_start3A_60 = arith.constant 1 : i32
      %dma_start3A_61 = arith.constant 0 : i32
      %dma_start3A_62 = tpu.memref_slice %arg5[%dma_start3A_60, %dma_start3A_61] : memref<8x128xi32, #tpu.memory_space<vmem>> -> memref<1x128xi32, #tpu.memory_space<vmem>>
      %dma_start3A_63 = tpu.memref_squeeze %dma_start3A_62 : memref<1x128xi32, #tpu.memory_space<vmem>> -> memref<128xi32, #tpu.memory_space<vmem>>
      %dma_start3A_64 = arith.constant 0 : i32
      %dma_start3A_65 = arith.constant 0 : i32
      %dma_start3A_66 = tpu.memref_slice %arg4[%dma_start3A_64, %dma_start3A_65] : memref<10240x16xf32, #tpu.memory_space<vmem_shared>> -> memref<10240x16xf32, #tpu.memory_space<vmem_shared>>
      tpu.enqueue_indirect_dma source(%arg6 : memref<128x16xf32, #tpu.memory_space<vmem>>) target(%dma_start3A_66 : memref<10240x16xf32, #tpu.memory_space<vmem_shared>>) offsets(%dma_start3A_63 : memref<128xi32, #tpu.memory_space<vmem>>) semaphore(%arg7 : memref<!tpu.dma_semaphore, #tpu.memory_space<semaphore_mem>>) {add = true}
      %dma_start3A_67 = arith.constant 2 : i32
      %dma_start3A_68 = arith.constant 0 : i32
      %dma_start3A_69 = tpu.memref_slice %arg5[%dma_start3A_67, %dma_start3A_68] : memref<8x128xi32, #tpu.memory_space<vmem>> -> memref<1x128xi32, #tpu.memory_space<vmem>>
      %dma_start3A_70 = tpu.memref_squeeze %dma_start3A_69 : memref<1x128xi32, #tpu.memory_space<vmem>> -> memref<128xi32, #tpu.memory_space<vmem>>
      %dma_start3A_71 = arith.constant 0 : i32
      %dma_start3A_72 = arith.constant 0 : i32
      %dma_start3A_73 = tpu.memref_slice %arg4[%dma_start3A_71, %dma_start3A_72] : memref<10240x16xf32, #tpu.memory_space<vmem_shared>> -> memref<10240x16xf32, #tpu.memory_space<vmem_shared>>
      tpu.enqueue_indirect_dma source(%arg6 : memref<128x16xf32, #tpu.memory_space<vmem>>) target(%dma_start3A_73 : memref<10240x16xf32, #tpu.memory_space<vmem_shared>>) offsets(%dma_start3A_70 : memref<128xi32, #tpu.memory_space<vmem>>) semaphore(%arg7 : memref<!tpu.dma_semaphore, #tpu.memory_space<semaphore_mem>>) {add = true}
      %dma_start3A_74 = arith.constant 3 : i32
      %dma_start3A_75 = arith.constant 0 : i32
      %dma_start3A_76 = tpu.memref_slice %arg5[%dma_start3A_74, %dma_start3A_75] : memref<8x128xi32, #tpu.memory_space<vmem>> -> memref<1x128xi32, #tpu.memory_space<vmem>>
      %dma_start3A_77 = tpu.memref_squeeze %dma_start3A_76 : memref<1x128xi32, #tpu.memory_space<vmem>> -> memref<128xi32, #tpu.memory_space<vmem>>
      %dma_start3A_78 = arith.constant 0 : i32
      %dma_start3A_79 = arith.constant 0 : i32
      %dma_start3A_80 = tpu.memref_slice %arg4[%dma_start3A_78, %dma_start3A_79] : memref<10240x16xf32, #tpu.memory_space<vmem_shared>> -> memref<10240x16xf32, #tpu.memory_space<vmem_shared>>
      tpu.enqueue_indirect_dma source(%arg6 : memref<128x16xf32, #tpu.memory_space<vmem>>) target(%dma_start3A_80 : memref<10240x16xf32, #tpu.memory_space<vmem_shared>>) offsets(%dma_start3A_77 : memref<128xi32, #tpu.memory_space<vmem>>) semaphore(%arg7 : memref<!tpu.dma_semaphore, #tpu.memory_space<semaphore_mem>>) {add = true}
      %dma_start3A_81 = arith.constant 4 : i32
      %dma_start3A_82 = arith.constant 0 : i32
      %dma_start3A_83 = tpu.memref_slice %arg5[%dma_start3A_81, %dma_start3A_82] : memref<8x128xi32, #tpu.memory_space<vmem>> -> memref<1x128xi32, #tpu.memory_space<vmem>>
      %dma_start3A_84 = tpu.memref_squeeze %dma_start3A_83 : memref<1x128xi32, #tpu.memory_space<vmem>> -> memref<128xi32, #tpu.memory_space<vmem>>
      %dma_start3A_85 = arith.constant 0 : i32
      %dma_start3A_86 = arith.constant 0 : i32
      %dma_start3A_87 = tpu.memref_slice %arg4[%dma_start3A_85, %dma_start3A_86] : memref<10240x16xf32, #tpu.memory_space<vmem_shared>> -> memref<10240x16xf32, #tpu.memory_space<vmem_shared>>
      tpu.enqueue_indirect_dma source(%arg6 : memref<128x16xf32, #tpu.memory_space<vmem>>) target(%dma_start3A_87 : memref<10240x16xf32, #tpu.memory_space<vmem_shared>>) offsets(%dma_start3A_84 : memref<128xi32, #tpu.memory_space<vmem>>) semaphore(%arg7 : memref<!tpu.dma_semaphore, #tpu.memory_space<semaphore_mem>>) {add = true}
      %dma_start3A_88 = arith.constant 5 : i32
      %dma_start3A_89 = arith.constant 0 : i32
      %dma_start3A_90 = tpu.memref_slice %arg5[%dma_start3A_88, %dma_start3A_89] : memref<8x128xi32, #tpu.memory_space<vmem>> -> memref<1x128xi32, #tpu.memory_space<vmem>>
      %dma_start3A_91 = tpu.memref_squeeze %dma_start3A_90 : memref<1x128xi32, #tpu.memory_space<vmem>> -> memref<128xi32, #tpu.memory_space<vmem>>
      %dma_start3A_92 = arith.constant 0 : i32
      %dma_start3A_93 = arith.constant 0 : i32
      %dma_start3A_94 = tpu.memref_slice %arg4[%dma_start3A_92, %dma_start3A_93] : memref<10240x16xf32, #tpu.memory_space<vmem_shared>> -> memref<10240x16xf32, #tpu.memory_space<vmem_shared>>
      tpu.enqueue_indirect_dma source(%arg6 : memref<128x16xf32, #tpu.memory_space<vmem>>) target(%dma_start3A_94 : memref<10240x16xf32, #tpu.memory_space<vmem_shared>>) offsets(%dma_start3A_91 : memref<128xi32, #tpu.memory_space<vmem>>) semaphore(%arg7 : memref<!tpu.dma_semaphore, #tpu.memory_space<semaphore_mem>>) {add = true}
      %dma_start3A_95 = arith.constant 6 : i32
      %dma_start3A_96 = arith.constant 0 : i32
      %dma_start3A_97 = tpu.memref_slice %arg5[%dma_start3A_95, %dma_start3A_96] : memref<8x128xi32, #tpu.memory_space<vmem>> -> memref<1x128xi32, #tpu.memory_space<vmem>>
      %dma_start3A_98 = tpu.memref_squeeze %dma_start3A_97 : memref<1x128xi32, #tpu.memory_space<vmem>> -> memref<128xi32, #tpu.memory_space<vmem>>
      %dma_start3A_99 = arith.constant 0 : i32
      %dma_start3A_100 = arith.constant 0 : i32
      %dma_start3A_101 = tpu.memref_slice %arg4[%dma_start3A_99, %dma_start3A_100] : memref<10240x16xf32, #tpu.memory_space<vmem_shared>> -> memref<10240x16xf32, #tpu.memory_space<vmem_shared>>
      tpu.enqueue_indirect_dma source(%arg6 : memref<128x16xf32, #tpu.memory_space<vmem>>) target(%dma_start3A_101 : memref<10240x16xf32, #tpu.memory_space<vmem_shared>>) offsets(%dma_start3A_98 : memref<128xi32, #tpu.memory_space<vmem>>) semaphore(%arg7 : memref<!tpu.dma_semaphore, #tpu.memory_space<semaphore_mem>>) {add = true}
      %dma_start3A_102 = arith.constant 7 : i32
      %dma_start3A_103 = arith.constant 0 : i32
      %dma_start3A_104 = tpu.memref_slice %arg5[%dma_start3A_102, %dma_start3A_103] : memref<8x128xi32, #tpu.memory_space<vmem>> -> memref<1x128xi32, #tpu.memory_space<vmem>>
      %dma_start3A_105 = tpu.memref_squeeze %dma_start3A_104 : memref<1x128xi32, #tpu.memory_space<vmem>> -> memref<128xi32, #tpu.memory_space<vmem>>
      %dma_start3A_106 = arith.constant 0 : i32
      %dma_start3A_107 = arith.constant 0 : i32
      %dma_start3A_108 = tpu.memref_slice %arg4[%dma_start3A_106, %dma_start3A_107] : memref<10240x16xf32, #tpu.memory_space<vmem_shared>> -> memref<10240x16xf32, #tpu.memory_space<vmem_shared>>
      tpu.enqueue_indirect_dma source(%arg6 : memref<128x16xf32, #tpu.memory_space<vmem>>) target(%dma_start3A_108 : memref<10240x16xf32, #tpu.memory_space<vmem_shared>>) offsets(%dma_start3A_105 : memref<128xi32, #tpu.memory_space<vmem>>) semaphore(%arg7 : memref<!tpu.dma_semaphore, #tpu.memory_space<semaphore_mem>>) {add = true}
      %dma_wait3A = arith.constant 0 : i32
      %dma_wait3A_109 = arith.constant 0 : i32
      %dma_wait3A_110 = tpu.memref_slice %arg5[%dma_wait3A, %dma_wait3A_109] : memref<8x128xi32, #tpu.memory_space<vmem>> -> memref<1x128xi32, #tpu.memory_space<vmem>>
      %dma_wait3A_111 = tpu.memref_squeeze %dma_wait3A_110 : memref<1x128xi32, #tpu.memory_space<vmem>> -> memref<128xi32, #tpu.memory_space<vmem>>
      %dma_wait3A_112 = arith.constant 0 : i32
      %dma_wait3A_113 = arith.constant 0 : i32
      %dma_wait3A_114 = tpu.memref_slice %arg4[%dma_wait3A_112, %dma_wait3A_113] : memref<10240x16xf32, #tpu.memory_space<vmem_shared>> -> memref<10240x16xf32, #tpu.memory_space<vmem_shared>>
      tpu.wait_indirect_dma semaphore(%arg7 : memref<!tpu.dma_semaphore, #tpu.memory_space<semaphore_mem>>) src(%arg6 : memref<128x16xf32, #tpu.memory_space<vmem>>) dst(%dma_wait3A_114 : memref<10240x16xf32, #tpu.memory_space<vmem_shared>>)
      %dma_wait3A_115 = arith.constant 1 : i32
      %dma_wait3A_116 = arith.constant 0 : i32
      %dma_wait3A_117 = tpu.memref_slice %arg5[%dma_wait3A_115, %dma_wait3A_116] : memref<8x128xi32, #tpu.memory_space<vmem>> -> memref<1x128xi32, #tpu.memory_space<vmem>>
      %dma_wait3A_118 = tpu.memref_squeeze %dma_wait3A_117 : memref<1x128xi32, #tpu.memory_space<vmem>> -> memref<128xi32, #tpu.memory_space<vmem>>
      %dma_wait3A_119 = arith.constant 0 : i32
      %dma_wait3A_120 = arith.constant 0 : i32
      %dma_wait3A_121 = tpu.memref_slice %arg4[%dma_wait3A_119, %dma_wait3A_120] : memref<10240x16xf32, #tpu.memory_space<vmem_shared>> -> memref<10240x16xf32, #tpu.memory_space<vmem_shared>>
      tpu.wait_indirect_dma semaphore(%arg7 : memref<!tpu.dma_semaphore, #tpu.memory_space<semaphore_mem>>) src(%arg6 : memref<128x16xf32, #tpu.memory_space<vmem>>) dst(%dma_wait3A_121 : memref<10240x16xf32, #tpu.memory_space<vmem_shared>>)
      %dma_wait3A_122 = arith.constant 2 : i32
      %dma_wait3A_123 = arith.constant 0 : i32
      %dma_wait3A_124 = tpu.memref_slice %arg5[%dma_wait3A_122, %dma_wait3A_123] : memref<8x128xi32, #tpu.memory_space<vmem>> -> memref<1x128xi32, #tpu.memory_space<vmem>>
      %dma_wait3A_125 = tpu.memref_squeeze %dma_wait3A_124 : memref<1x128xi32, #tpu.memory_space<vmem>> -> memref<128xi32, #tpu.memory_space<vmem>>
      %dma_wait3A_126 = arith.constant 0 : i32
      %dma_wait3A_127 = arith.constant 0 : i32
      %dma_wait3A_128 = tpu.memref_slice %arg4[%dma_wait3A_126, %dma_wait3A_127] : memref<10240x16xf32, #tpu.memory_space<vmem_shared>> -> memref<10240x16xf32, #tpu.memory_space<vmem_shared>>
      tpu.wait_indirect_dma semaphore(%arg7 : memref<!tpu.dma_semaphore, #tpu.memory_space<semaphore_mem>>) src(%arg6 : memref<128x16xf32, #tpu.memory_space<vmem>>) dst(%dma_wait3A_128 : memref<10240x16xf32, #tpu.memory_space<vmem_shared>>)
      %dma_wait3A_129 = arith.constant 3 : i32
      %dma_wait3A_130 = arith.constant 0 : i32
      %dma_wait3A_131 = tpu.memref_slice %arg5[%dma_wait3A_129, %dma_wait3A_130] : memref<8x128xi32, #tpu.memory_space<vmem>> -> memref<1x128xi32, #tpu.memory_space<vmem>>
      %dma_wait3A_132 = tpu.memref_squeeze %dma_wait3A_131 : memref<1x128xi32, #tpu.memory_space<vmem>> -> memref<128xi32, #tpu.memory_space<vmem>>
      %dma_wait3A_133 = arith.constant 0 : i32
      %dma_wait3A_134 = arith.constant 0 : i32
      %dma_wait3A_135 = tpu.memref_slice %arg4[%dma_wait3A_133, %dma_wait3A_134] : memref<10240x16xf32, #tpu.memory_space<vmem_shared>> -> memref<10240x16xf32, #tpu.memory_space<vmem_shared>>
      tpu.wait_indirect_dma semaphore(%arg7 : memref<!tpu.dma_semaphore, #tpu.memory_space<semaphore_mem>>) src(%arg6 : memref<128x16xf32, #tpu.memory_space<vmem>>) dst(%dma_wait3A_135 : memref<10240x16xf32, #tpu.memory_space<vmem_shared>>)
      %dma_wait3A_136 = arith.constant 4 : i32
      %dma_wait3A_137 = arith.constant 0 : i32
      %dma_wait3A_138 = tpu.memref_slice %arg5[%dma_wait3A_136, %dma_wait3A_137] : memref<8x128xi32, #tpu.memory_space<vmem>> -> memref<1x128xi32, #tpu.memory_space<vmem>>
      %dma_wait3A_139 = tpu.memref_squeeze %dma_wait3A_138 : memref<1x128xi32, #tpu.memory_space<vmem>> -> memref<128xi32, #tpu.memory_space<vmem>>
      %dma_wait3A_140 = arith.constant 0 : i32
      %dma_wait3A_141 = arith.constant 0 : i32
      %dma_wait3A_142 = tpu.memref_slice %arg4[%dma_wait3A_140, %dma_wait3A_141] : memref<10240x16xf32, #tpu.memory_space<vmem_shared>> -> memref<10240x16xf32, #tpu.memory_space<vmem_shared>>
      tpu.wait_indirect_dma semaphore(%arg7 : memref<!tpu.dma_semaphore, #tpu.memory_space<semaphore_mem>>) src(%arg6 : memref<128x16xf32, #tpu.memory_space<vmem>>) dst(%dma_wait3A_142 : memref<10240x16xf32, #tpu.memory_space<vmem_shared>>)
      %dma_wait3A_143 = arith.constant 5 : i32
      %dma_wait3A_144 = arith.constant 0 : i32
      %dma_wait3A_145 = tpu.memref_slice %arg5[%dma_wait3A_143, %dma_wait3A_144] : memref<8x128xi32, #tpu.memory_space<vmem>> -> memref<1x128xi32, #tpu.memory_space<vmem>>
      %dma_wait3A_146 = tpu.memref_squeeze %dma_wait3A_145 : memref<1x128xi32, #tpu.memory_space<vmem>> -> memref<128xi32, #tpu.memory_space<vmem>>
      %dma_wait3A_147 = arith.constant 0 : i32
      %dma_wait3A_148 = arith.constant 0 : i32
      %dma_wait3A_149 = tpu.memref_slice %arg4[%dma_wait3A_147, %dma_wait3A_148] : memref<10240x16xf32, #tpu.memory_space<vmem_shared>> -> memref<10240x16xf32, #tpu.memory_space<vmem_shared>>
      tpu.wait_indirect_dma semaphore(%arg7 : memref<!tpu.dma_semaphore, #tpu.memory_space<semaphore_mem>>) src(%arg6 : memref<128x16xf32, #tpu.memory_space<vmem>>) dst(%dma_wait3A_149 : memref<10240x16xf32, #tpu.memory_space<vmem_shared>>)
      %dma_wait3A_150 = arith.constant 6 : i32
      %dma_wait3A_151 = arith.constant 0 : i32
      %dma_wait3A_152 = tpu.memref_slice %arg5[%dma_wait3A_150, %dma_wait3A_151] : memref<8x128xi32, #tpu.memory_space<vmem>> -> memref<1x128xi32, #tpu.memory_space<vmem>>
      %dma_wait3A_153 = tpu.memref_squeeze %dma_wait3A_152 : memref<1x128xi32, #tpu.memory_space<vmem>> -> memref<128xi32, #tpu.memory_space<vmem>>
      %dma_wait3A_154 = arith.constant 0 : i32
      %dma_wait3A_155 = arith.constant 0 : i32
      %dma_wait3A_156 = tpu.memref_slice %arg4[%dma_wait3A_154, %dma_wait3A_155] : memref<10240x16xf32, #tpu.memory_space<vmem_shared>> -> memref<10240x16xf32, #tpu.memory_space<vmem_shared>>
      tpu.wait_indirect_dma semaphore(%arg7 : memref<!tpu.dma_semaphore, #tpu.memory_space<semaphore_mem>>) src(%arg6 : memref<128x16xf32, #tpu.memory_space<vmem>>) dst(%dma_wait3A_156 : memref<10240x16xf32, #tpu.memory_space<vmem_shared>>)
      %dma_wait3A_157 = arith.constant 7 : i32
      %dma_wait3A_158 = arith.constant 0 : i32
      %dma_wait3A_159 = tpu.memref_slice %arg5[%dma_wait3A_157, %dma_wait3A_158] : memref<8x128xi32, #tpu.memory_space<vmem>> -> memref<1x128xi32, #tpu.memory_space<vmem>>
      %dma_wait3A_160 = tpu.memref_squeeze %dma_wait3A_159 : memref<1x128xi32, #tpu.memory_space<vmem>> -> memref<128xi32, #tpu.memory_space<vmem>>
      %dma_wait3A_161 = arith.constant 0 : i32
      %dma_wait3A_162 = arith.constant 0 : i32
      %dma_wait3A_163 = tpu.memref_slice %arg4[%dma_wait3A_161, %dma_wait3A_162] : memref<10240x16xf32, #tpu.memory_space<vmem_shared>> -> memref<10240x16xf32, #tpu.memory_space<vmem_shared>>
      tpu.wait_indirect_dma semaphore(%arg7 : memref<!tpu.dma_semaphore, #tpu.memory_space<semaphore_mem>>) src(%arg6 : memref<128x16xf32, #tpu.memory_space<vmem>>) dst(%dma_wait3A_163 : memref<10240x16xf32, #tpu.memory_space<vmem_shared>>)
      %scan3A_164 = arith.constant 0 : i32
      scf.yield %scan3A_164 : i32
    }
    %scan3A_43 = arith.constant 10 : i32
    %barrier3A_44 = arith.constant 0 : index
    tpu.barrier barrier_id(%barrier3A_44)
    %mul3A_45 = arith.constant 640 : i32
    %mul3A_46 = arith.muli %arg1, %mul3A_45 : i32
    "tpu.region"() ({
      %run_scoped3A = tpu.sem_alloc : memref<!tpu.dma_semaphore, #tpu.memory_space<semaphore_mem>>
      %dma_start3A = arith.constant 0 : i32
      %dma_start3A_47 = tpu.memref_slice %arg3[%arg0, %mul3A_46, %dma_start3A] : memref<2x10240x16xf32, #tpu.memory_space<hbm>> -> memref<1x640x16xf32, #tpu.memory_space<hbm>>
      %dma_start3A_48 = tpu.memref_squeeze %dma_start3A_47 : memref<1x640x16xf32, #tpu.memory_space<hbm>> -> memref<640x16xf32, #tpu.memory_space<hbm>>
      %dma_start3A_49 = arith.constant 0 : i32
      %dma_start3A_50 = tpu.memref_slice %arg4[%mul3A_46, %dma_start3A_49] : memref<10240x16xf32, #tpu.memory_space<vmem_shared>> -> memref<640x16xf32, #tpu.memory_space<vmem_shared>>
      tpu.enqueue_dma source(%dma_start3A_50 : memref<640x16xf32, #tpu.memory_space<vmem_shared>>) target(%dma_start3A_48 : memref<640x16xf32, #tpu.memory_space<hbm>>) target_semaphore(%run_scoped3A : memref<!tpu.dma_semaphore, #tpu.memory_space<semaphore_mem>>)
      %dma_wait3A = arith.constant 0 : i32
      %dma_wait3A_51 = tpu.memref_slice %arg3[%arg0, %mul3A_46, %dma_wait3A] : memref<2x10240x16xf32, #tpu.memory_space<hbm>> -> memref<1x640x16xf32, #tpu.memory_space<hbm>>
      %dma_wait3A_52 = tpu.memref_squeeze %dma_wait3A_51 : memref<1x640x16xf32, #tpu.memory_space<hbm>> -> memref<640x16xf32, #tpu.memory_space<hbm>>
      %dma_wait3A_53 = arith.constant 0 : i32
      %dma_wait3A_54 = tpu.memref_slice %arg4[%mul3A_46, %dma_wait3A_53] : memref<10240x16xf32, #tpu.memory_space<vmem_shared>> -> memref<640x16xf32, #tpu.memory_space<vmem_shared>>
      tpu.wait_dma2 semaphore(%run_scoped3A : memref<!tpu.dma_semaphore, #tpu.memory_space<semaphore_mem>>) src(%dma_wait3A_54 : memref<640x16xf32, #tpu.memory_space<vmem_shared>>) dst(%dma_wait3A_52 : memref<640x16xf32, #tpu.memory_space<hbm>>)
      tpu.yield
    }) : () -> ()
    return
  }
}

module attributes {stable_mosaic.version = 14 : i64} {
  func.func @_tc1_body(%arg0: i32, %arg1: memref<2000x128xf32, #tpu.memory_space<vmem>>, %arg2: memref<128x128xf32, #tpu.memory_space<vmem>>, %arg3: memref<2x2000x16xf32, #tpu.memory_space<vmem>>, %arg4: memref<2000x128xf32, #tpu.memory_space<vmem>>) attributes {dimension_semantics = [#tpu.dimension_semantics<arbitrary>], iteration_bounds = array<i64: 5>, scalar_prefetch = 0 : i64, scratch_operands = 0 : i64, tpu.core_type = #tpu.core_type<tc>, window_params = [{transform_indices = @transform_0, window_bounds = array<i64: 2000, 128>}, {pipeline_mode = #tpu.pipeline_mode<synchronous>, transform_indices = @transform_1, window_bounds = array<i64: 128, 128>}, {transform_indices = @transform_2, window_bounds = array<i64: 2, 2000, 16>}, {transform_indices = @transform_3, window_bounds = array<i64: 2000, 128>}]} {
    %get3A = arith.constant 0 : index
    %get3A_0 = arith.constant 0 : index
    %get3A_1 = arith.constant 0 : index
    %get3A_2 = vector.load %arg3[%get3A, %get3A_0, %get3A_1] : memref<2x2000x16xf32, #tpu.memory_space<vmem>>, vector<1x2000x1xf32>
    %get3A_3 = vector.shape_cast %get3A_2 : vector<1x2000x1xf32> to vector<2000xf32>
    %get3A_4 = arith.constant 1 : index
    %get3A_5 = arith.constant 0 : index
    %get3A_6 = arith.constant 0 : index
    %get3A_7 = vector.load %arg3[%get3A_4, %get3A_5, %get3A_6] : memref<2x2000x16xf32, #tpu.memory_space<vmem>>, vector<1x2000x1xf32>
    %get3A_8 = vector.shape_cast %get3A_7 : vector<1x2000x1xf32> to vector<2000xf32>
    %add3A = arith.addf %get3A_3, %get3A_8 : vector<2000xf32>
    %add3A_9 = arith.constant 1.000000e+00 : f32
    %add3A_10 = vector.broadcast %add3A_9 : f32 to vector<2000xf32>
    %add3A_11 = arith.addf %add3A, %add3A_10 : vector<2000xf32>
    %rsqrt3A = math.rsqrt %add3A_11 : vector<2000xf32>
    %get3A_12 = arith.constant 0 : index
    %get3A_13 = arith.constant 0 : index
    %get3A_14 = vector.load %arg1[%get3A_12, %get3A_13] : memref<2000x128xf32, #tpu.memory_space<vmem>>, vector<2000x128xf32>
    %get3A_15 = arith.constant 0 : index
    %get3A_16 = arith.constant 0 : index
    %get3A_17 = vector.load %arg2[%get3A_15, %get3A_16] : memref<128x128xf32, #tpu.memory_space<vmem>>, vector<128x128xf32>
    %dot_general3A = arith.constant dense<0.000000e+00> : vector<2000x128xf32>
    %dot_general3A_18 = tpu.matmul %get3A_14, %get3A_17, %dot_general3A {dimension_numbers = #tpu.dot_dimension_numbers<[1], [0], [0], [1], [0, 0, 1, 1], [], []>, transpose_lhs_hint = false} : vector<2000x128xf32>, vector<128x128xf32>, vector<2000x128xf32> -> vector<2000x128xf32>
    %broadcast_in_dim3A = vector.shape_cast %rsqrt3A : vector<2000xf32> to vector<2000x1xf32>
    %mul3A = vector.broadcast %broadcast_in_dim3A : vector<2000x1xf32> to vector<2000x128xf32>
    %mul3A_19 = arith.mulf %dot_general3A_18, %mul3A : vector<2000x128xf32>
    %swap3A = arith.constant 0 : index
    %swap3A_20 = arith.constant 0 : index
    %swap3A_21 = vector.load %arg4[%swap3A, %swap3A_20] : memref<2000x128xf32, #tpu.memory_space<vmem>>, vector<2000x128xf32>
    tpu.vector_store %arg4[%swap3A, %swap3A_20], %mul3A_19 {strides = array<i32>} : memref<2000x128xf32, #tpu.memory_space<vmem>>, vector<2000x128xf32>,
    return
  }
  func.func @transform_0(%arg0: i32) -> (i32, i32) {
    %c0_i32 = arith.constant 0 : i32
    %c0_i32_0 = arith.constant 0 : i32
    return %arg0, %c0_i32 : i32, i32
  }
  func.func @transform_1(%arg0: i32) -> (i32, i32) {
    %c0_i32 = arith.constant 0 : i32
    %c0_i32_0 = arith.constant 0 : i32
    %c0_i32_1 = arith.constant 0 : i32
    return %c0_i32, %c0_i32_0 : i32, i32
  }
  func.func @transform_2(%arg0: i32) -> (i32, i32, i32) {
    %c0_i32 = arith.constant 0 : i32
    %c0_i32_0 = arith.constant 0 : i32
    %c0_i32_1 = arith.constant 0 : i32
    return %c0_i32, %arg0, %c0_i32_0 : i32, i32, i32
  }
  func.func @transform_3(%arg0: i32) -> (i32, i32) {
    %c0_i32 = arith.constant 0 : i32
    %c0_i32_0 = arith.constant 0 : i32
    return %arg0, %c0_i32 : i32, i32
  }
}

module attributes {stable_mosaic.version = 14 : i64} {
  func.func @_tc2_body(%arg0: i32, %arg1: memref<2x2000x128xf32, #tpu.memory_space<vmem>>, %arg2: memref<2000x128xf32, #tpu.memory_space<vmem>>, %arg3: memref<2x2000x16xf32, #tpu.memory_space<vmem>>, %arg4: memref<128xf32, #tpu.memory_space<vmem>>, %arg5: memref<128x128xf32, #tpu.memory_space<vmem>>, %arg6: memref<2000x128xf32, #tpu.memory_space<vmem>>) attributes {dimension_semantics = [#tpu.dimension_semantics<arbitrary>], iteration_bounds = array<i64: 5>, scalar_prefetch = 0 : i64, scratch_operands = 0 : i64, tpu.core_type = #tpu.core_type<tc>, window_params = [{transform_indices = @transform_0, window_bounds = array<i64: 2, 2000, 128>}, {transform_indices = @transform_1, window_bounds = array<i64: 2000, 128>}, {transform_indices = @transform_2, window_bounds = array<i64: 2, 2000, 16>}, {pipeline_mode = #tpu.pipeline_mode<synchronous>, transform_indices = @transform_3, window_bounds = array<i64: 128>}, {pipeline_mode = #tpu.pipeline_mode<synchronous>, transform_indices = @transform_4, window_bounds = array<i64: 128, 128>}, {transform_indices = @transform_5, window_bounds = array<i64: 2000, 128>}]} {
    %get3A = arith.constant 0 : index
    %get3A_0 = arith.constant 0 : index
    %get3A_1 = arith.constant 0 : index
    %get3A_2 = vector.load %arg3[%get3A, %get3A_0, %get3A_1] : memref<2x2000x16xf32, #tpu.memory_space<vmem>>, vector<1x2000x1xf32>
    %get3A_3 = vector.shape_cast %get3A_2 : vector<1x2000x1xf32> to vector<2000xf32>
    %get3A_4 = arith.constant 1 : index
    %get3A_5 = arith.constant 0 : index
    %get3A_6 = arith.constant 0 : index
    %get3A_7 = vector.load %arg3[%get3A_4, %get3A_5, %get3A_6] : memref<2x2000x16xf32, #tpu.memory_space<vmem>>, vector<1x2000x1xf32>
    %get3A_8 = vector.shape_cast %get3A_7 : vector<1x2000x1xf32> to vector<2000xf32>
    %add3A = arith.addf %get3A_3, %get3A_8 : vector<2000xf32>
    %add3A_9 = arith.constant 1.000000e+00 : f32
    %add3A_10 = vector.broadcast %add3A_9 : f32 to vector<2000xf32>
    %add3A_11 = arith.addf %add3A, %add3A_10 : vector<2000xf32>
    %rsqrt3A = math.rsqrt %add3A_11 : vector<2000xf32>
    %get3A_12 = arith.constant 0 : index
    %get3A_13 = arith.constant 0 : index
    %get3A_14 = arith.constant 0 : index
    %get3A_15 = vector.load %arg1[%get3A_12, %get3A_13, %get3A_14] : memref<2x2000x128xf32, #tpu.memory_space<vmem>>, vector<1x2000x128xf32>
    %get3A_16 = vector.shape_cast %get3A_15 : vector<1x2000x128xf32> to vector<2000x128xf32>
    %get3A_17 = arith.constant 1 : index
    %get3A_18 = arith.constant 0 : index
    %get3A_19 = arith.constant 0 : index
    %get3A_20 = vector.load %arg1[%get3A_17, %get3A_18, %get3A_19] : memref<2x2000x128xf32, #tpu.memory_space<vmem>>, vector<1x2000x128xf32>
    %get3A_21 = vector.shape_cast %get3A_20 : vector<1x2000x128xf32> to vector<2000x128xf32>
    %add3A_22 = arith.addf %get3A_16, %get3A_21 : vector<2000x128xf32>
    %get3A_23 = arith.constant 0 : index
    %get3A_24 = arith.constant 0 : index
    %get3A_25 = vector.load %arg2[%get3A_23, %get3A_24] : memref<2000x128xf32, #tpu.memory_space<vmem>>, vector<2000x128xf32>
    %add3A_26 = arith.addf %add3A_22, %get3A_25 : vector<2000x128xf32>
    %broadcast_in_dim3A = vector.shape_cast %rsqrt3A : vector<2000xf32> to vector<2000x1xf32>
    %mul3A = vector.broadcast %broadcast_in_dim3A : vector<2000x1xf32> to vector<2000x128xf32>
    %mul3A_27 = arith.mulf %mul3A, %add3A_26 : vector<2000x128xf32>
    %get3A_28 = arith.constant 0 : index
    %get3A_29 = vector.load %arg4[%get3A_28] : memref<128xf32, #tpu.memory_space<vmem>>, vector<128xf32>
    %broadcast_in_dim3A_30 = vector.shape_cast %get3A_29 : vector<128xf32> to vector<1x128xf32>
    %add3A_31 = vector.broadcast %broadcast_in_dim3A_30 : vector<1x128xf32> to vector<2000x128xf32>
    %add3A_32 = arith.addf %mul3A_27, %add3A_31 : vector<2000x128xf32>
    %max3A = arith.constant 0.000000e+00 : f32
    %max3A_33 = vector.broadcast %max3A : f32 to vector<2000x128xf32>
    %max3A_34 = arith.maximumf %add3A_32, %max3A_33 : vector<2000x128xf32>
    %get3A_35 = arith.constant 0 : index
    %get3A_36 = arith.constant 0 : index
    %get3A_37 = vector.load %arg5[%get3A_35, %get3A_36] : memref<128x128xf32, #tpu.memory_space<vmem>>, vector<128x128xf32>
    %dot_general3A = arith.constant dense<0.000000e+00> : vector<2000x128xf32>
    %dot_general3A_38 = tpu.matmul %max3A_34, %get3A_37, %dot_general3A {dimension_numbers = #tpu.dot_dimension_numbers<[1], [0], [0], [1], [0, 0, 1, 1], [], []>, transpose_lhs_hint = false} : vector<2000x128xf32>, vector<128x128xf32>, vector<2000x128xf32> -> vector<2000x128xf32>
    %broadcast_in_dim3A_39 = vector.shape_cast %rsqrt3A : vector<2000xf32> to vector<2000x1xf32>
    %mul3A_40 = vector.broadcast %broadcast_in_dim3A_39 : vector<2000x1xf32> to vector<2000x128xf32>
    %mul3A_41 = arith.mulf %dot_general3A_38, %mul3A_40 : vector<2000x128xf32>
    %swap3A = arith.constant 0 : index
    %swap3A_42 = arith.constant 0 : index
    %swap3A_43 = vector.load %arg6[%swap3A, %swap3A_42] : memref<2000x128xf32, #tpu.memory_space<vmem>>, vector<2000x128xf32>
    tpu.vector_store %arg6[%swap3A, %swap3A_42], %mul3A_41 {strides = array<i32>} : memref<2000x128xf32, #tpu.memory_space<vmem>>, vector<2000x128xf32>,
    return
  }
  func.func @transform_0(%arg0: i32) -> (i32, i32, i32) {
    %c0_i32 = arith.constant 0 : i32
    %c0_i32_0 = arith.constant 0 : i32
    %c0_i32_1 = arith.constant 0 : i32
    return %c0_i32, %arg0, %c0_i32_0 : i32, i32, i32
  }
  func.func @transform_1(%arg0: i32) -> (i32, i32) {
    %c0_i32 = arith.constant 0 : i32
    %c0_i32_0 = arith.constant 0 : i32
    return %arg0, %c0_i32 : i32, i32
  }
  func.func @transform_2(%arg0: i32) -> (i32, i32, i32) {
    %c0_i32 = arith.constant 0 : i32
    %c0_i32_0 = arith.constant 0 : i32
    %c0_i32_1 = arith.constant 0 : i32
    return %c0_i32, %arg0, %c0_i32_0 : i32, i32, i32
  }
  func.func @transform_3(%arg0: i32) -> i32 {
    %c0_i32 = arith.constant 0 : i32
    %c0_i32_0 = arith.constant 0 : i32
    return %c0_i32 : i32
  }
  func.func @transform_4(%arg0: i32) -> (i32, i32) {
    %c0_i32 = arith.constant 0 : i32
    %c0_i32_0 = arith.constant 0 : i32
    %c0_i32_1 = arith.constant 0 : i32
    return %c0_i32, %c0_i32_0 : i32, i32
  }
  func.func @transform_5(%arg0: i32) -> (i32, i32) {
    %c0_i32 = arith.constant 0 : i32
    %c0_i32_0 = arith.constant 0 : i32
    return %arg0, %c0_i32 : i32, i32
  }
}

module attributes {stable_mosaic.version = 14 : i64} {
  func.func @_tc3_body(%arg0: i32, %arg1: memref<2x2000x128xf32, #tpu.memory_space<vmem>>, %arg2: memref<2000x128xf32, #tpu.memory_space<vmem>>, %arg3: memref<2x2000x16xf32, #tpu.memory_space<vmem>>, %arg4: memref<128xf32, #tpu.memory_space<vmem>>, %arg5: memref<2000x128xf32, #tpu.memory_space<vmem>>) attributes {dimension_semantics = [#tpu.dimension_semantics<arbitrary>], iteration_bounds = array<i64: 5>, scalar_prefetch = 0 : i64, scratch_operands = 0 : i64, tpu.core_type = #tpu.core_type<tc>, window_params = [{transform_indices = @transform_0, window_bounds = array<i64: 2, 2000, 128>}, {transform_indices = @transform_1, window_bounds = array<i64: 2000, 128>}, {transform_indices = @transform_2, window_bounds = array<i64: 2, 2000, 16>}, {pipeline_mode = #tpu.pipeline_mode<synchronous>, transform_indices = @transform_3, window_bounds = array<i64: 128>}, {transform_indices = @transform_4, window_bounds = array<i64: 2000, 128>}]} {
    %get3A = arith.constant 0 : index
    %get3A_0 = arith.constant 0 : index
    %get3A_1 = arith.constant 0 : index
    %get3A_2 = vector.load %arg3[%get3A, %get3A_0, %get3A_1] : memref<2x2000x16xf32, #tpu.memory_space<vmem>>, vector<1x2000x1xf32>
    %get3A_3 = vector.shape_cast %get3A_2 : vector<1x2000x1xf32> to vector<2000xf32>
    %get3A_4 = arith.constant 1 : index
    %get3A_5 = arith.constant 0 : index
    %get3A_6 = arith.constant 0 : index
    %get3A_7 = vector.load %arg3[%get3A_4, %get3A_5, %get3A_6] : memref<2x2000x16xf32, #tpu.memory_space<vmem>>, vector<1x2000x1xf32>
    %get3A_8 = vector.shape_cast %get3A_7 : vector<1x2000x1xf32> to vector<2000xf32>
    %add3A = arith.addf %get3A_3, %get3A_8 : vector<2000xf32>
    %add3A_9 = arith.constant 1.000000e+00 : f32
    %add3A_10 = vector.broadcast %add3A_9 : f32 to vector<2000xf32>
    %add3A_11 = arith.addf %add3A, %add3A_10 : vector<2000xf32>
    %rsqrt3A = math.rsqrt %add3A_11 : vector<2000xf32>
    %get3A_12 = arith.constant 0 : index
    %get3A_13 = arith.constant 0 : index
    %get3A_14 = arith.constant 0 : index
    %get3A_15 = vector.load %arg1[%get3A_12, %get3A_13, %get3A_14] : memref<2x2000x128xf32, #tpu.memory_space<vmem>>, vector<1x2000x128xf32>
    %get3A_16 = vector.shape_cast %get3A_15 : vector<1x2000x128xf32> to vector<2000x128xf32>
    %get3A_17 = arith.constant 1 : index
    %get3A_18 = arith.constant 0 : index
    %get3A_19 = arith.constant 0 : index
    %get3A_20 = vector.load %arg1[%get3A_17, %get3A_18, %get3A_19] : memref<2x2000x128xf32, #tpu.memory_space<vmem>>, vector<1x2000x128xf32>
    %get3A_21 = vector.shape_cast %get3A_20 : vector<1x2000x128xf32> to vector<2000x128xf32>
    %add3A_22 = arith.addf %get3A_16, %get3A_21 : vector<2000x128xf32>
    %get3A_23 = arith.constant 0 : index
    %get3A_24 = arith.constant 0 : index
    %get3A_25 = vector.load %arg2[%get3A_23, %get3A_24] : memref<2000x128xf32, #tpu.memory_space<vmem>>, vector<2000x128xf32>
    %add3A_26 = arith.addf %add3A_22, %get3A_25 : vector<2000x128xf32>
    %broadcast_in_dim3A = vector.shape_cast %rsqrt3A : vector<2000xf32> to vector<2000x1xf32>
    %mul3A = vector.broadcast %broadcast_in_dim3A : vector<2000x1xf32> to vector<2000x128xf32>
    %mul3A_27 = arith.mulf %mul3A, %add3A_26 : vector<2000x128xf32>
    %get3A_28 = arith.constant 0 : index
    %get3A_29 = vector.load %arg4[%get3A_28] : memref<128xf32, #tpu.memory_space<vmem>>, vector<128xf32>
    %broadcast_in_dim3A_30 = vector.shape_cast %get3A_29 : vector<128xf32> to vector<1x128xf32>
    %add3A_31 = vector.broadcast %broadcast_in_dim3A_30 : vector<1x128xf32> to vector<2000x128xf32>
    %add3A_32 = arith.addf %mul3A_27, %add3A_31 : vector<2000x128xf32>
    %max3A = arith.constant 0.000000e+00 : f32
    %max3A_33 = vector.broadcast %max3A : f32 to vector<2000x128xf32>
    %max3A_34 = arith.maximumf %add3A_32, %max3A_33 : vector<2000x128xf32>
    %swap3A = arith.constant 0 : index
    %swap3A_35 = arith.constant 0 : index
    %swap3A_36 = vector.load %arg5[%swap3A, %swap3A_35] : memref<2000x128xf32, #tpu.memory_space<vmem>>, vector<2000x128xf32>
    tpu.vector_store %arg5[%swap3A, %swap3A_35], %max3A_34 {strides = array<i32>} : memref<2000x128xf32, #tpu.memory_space<vmem>>, vector<2000x128xf32>,
    return
  }
  func.func @transform_0(%arg0: i32) -> (i32, i32, i32) {
    %c0_i32 = arith.constant 0 : i32
    %c0_i32_0 = arith.constant 0 : i32
    %c0_i32_1 = arith.constant 0 : i32
    return %c0_i32, %arg0, %c0_i32_0 : i32, i32, i32
  }
  func.func @transform_1(%arg0: i32) -> (i32, i32) {
    %c0_i32 = arith.constant 0 : i32
    %c0_i32_0 = arith.constant 0 : i32
    return %arg0, %c0_i32 : i32, i32
  }
  func.func @transform_2(%arg0: i32) -> (i32, i32, i32) {
    %c0_i32 = arith.constant 0 : i32
    %c0_i32_0 = arith.constant 0 : i32
    %c0_i32_1 = arith.constant 0 : i32
    return %c0_i32, %arg0, %c0_i32_0 : i32, i32, i32
  }
  func.func @transform_3(%arg0: i32) -> i32 {
    %c0_i32 = arith.constant 0 : i32
    %c0_i32_0 = arith.constant 0 : i32
    return %c0_i32 : i32
  }
  func.func @transform_4(%arg0: i32) -> (i32, i32) {
    %c0_i32 = arith.constant 0 : i32
    %c0_i32_0 = arith.constant 0 : i32
    return %arg0, %c0_i32 : i32, i32
  }
}

</mosaic_0001>

<sc_bundles>
// kernel: kernel.11.cloned.1.call-start
scs
__scs_entry_jumppad:
0x0: {  	(pc) =	sbr.rel $0x88, $3  }
0x1: {  	(tag) =	ssettag $0x0;
	lr =	simm.s32 $0x1  }
0x2: {  	[smem:$0x3F9B] =	sst lr;
	_ =	strace $0xD0000000  }
0x3: {  	_ = 	snop  }
0x4: {  	_ = 	snop  }
0x5: {  	_ = 	snop  }
0x6: {  	_ = 	snop  }
0x7: {  	_ = 	snop  }
__scs_overlays_trampoline_lowered:
0x8: {  	[smem:$0x3FAA] =	sst s0  }
0x9: {  	[smem:$0x3FAB] =	sst s1  }
0xa: {  	[smem:$0x3FAC] =	sst s2  }
0xb: {  	[smem:$0x3FAD] =	sst s3  }
0xc: {  	[smem:$0x3FAE] =	sst s4  }
0xd: {  	[smem:$0x3FAF] =	sst s5  }
0xe: {  	[smem:$0x3FB0] =	sst s6  }
0xf: {  	[smem:$0x3FB1] =	sst s7  }
0x10: {  	[smem:$0x3FB2] =	sst s8  }
0x11: {  	[smem:$0x3FB3] =	sst s9;
	s0 =	simm.s32 @!p0 $0x0  }
0x12: {  	s1 =	sld [smem:$0x3F99];
	s0 =	simm.s32 @p0 $0x1  }
0x13: {  	[smem:$0x3FB4] =	sst s0;
	s0 =	simm.s32 @!p1 $0x0  }
0x14: {  	s2 =	sld [smem:$0x3F98];
	s0 =	simm.s32 @p1 $0x1  }
0x15: {  	[smem:$0x3FB5] =	sst s0;
	s0 =	simm.s32 @!p2 $0x0  }
0x16: {  	s3 =	sld [smem:$0x3FDB];
	s0 =	simm.s32 @p2 $0x1  }
0x17: {  	s4 =	simm.s32 $0x1BF5;
	[smem:$0x3FB7] =	sst s0  }
0x18: {  	s0 =	sld [smem:$0x3F9A];
	_ =	swait.ge [sflag:s4], $0x0  }
0x19: {  	s7 =	sld [smem:$0x3F9B]  }
0x1a: {  	s8 =	sadd.s32 $0xFFFFE003, lr  }
0x1b: {  	s9 =	sadd.s32 $0xFFFFFEF7, lr;
	s5 =	simm.s32 $0xFFFFFFFF;
	p2 =	slt.u32 s8, $0xFFFFF086  }
0x1c: {  	p1 =	slt.u32 s9, $0xF7A;
	s5 =	simm.s32 @!p2 $0x0  }
0x1d: {  	s5 =	simm.s32 @p1 $0x1;
	p0 =	seq.s32 s7, s2  }
0x1e: {  	s7 =	smul.u32 @!p0 $0xF7A, s2;
	p2 =	seq.s32 @!p0 s5, $0x0  }
0x1f: {  	s9 =	smul.u32 $0xF7A, s1;
	s8 =	simm.s32 @!p0 $0x1BF5;
	p2 =	por !p2, p0  }
0x20: {  	[sflag:s8] =	ssyncset.s32 @!p0 $0xFFFFF086;
	s6 =	sadd.s32 @!p0 s3, s7;
	s7 =	simm.s32 @!p0 $0x108  }
0x21: {  	s3 =	sadd.s32 s3, s9;
	s6 =	sadd.s32 @!p0 $0x88, s6;
	s7 =	simm.s32 @p2 $0x1082  }
0x22: {  	[simem:s7], [sflag:s8] =	dma.local @!p0 [hbm:s6], $0xF7A  }
0x23: {  	s9 =	sor.u32 $0xD0000000, s2;
	s6 =	simm.s32 $0x108;
	_ =	swait.ge @!p0 [sflag:s8], $0x0  }
0x24: {  	s3 =	sadd.s32 $0x88, s3;
	s6 =	simm.s32 @!p1 $0x1082;
	[sflag:s4] =	ssyncset.s32 $0xFFFFF086  }
0x25: {  	[simem:s6], [sflag:s4] =	dma.local [hbm:s3], $0xF7A  }
0x26: {  	[smem:$0x3F9B] =	sst s1;
	(tag) =	ssettag s2;
	_ =	strace s9  }
0x27: {  	s1 =	sld [smem:$0x3FAB]  }
0x28: {  	s2 =	sld [smem:$0x3FAC]  }
0x29: {  	s4 =	sld [smem:$0x3FAE]  }
0x2a: {  	p0 =	seq.s32 s5, $0x0;
	s5 =	sld [smem:$0x3FAF]  }
0x2b: {  	s6 =	sld [smem:$0x3FB0]  }
0x2c: {  	s7 =	sld [smem:$0x3FB1]  }
0x2d: {  	s3 =	simm.s32 $0x108;
	s8 =	sld [smem:$0x3FB2]  }
0x2e: {  	s3 =	simm.s32 @!p0 $0x1082;
	s9 =	sld [smem:$0x3FB3]  }
0x2f: {  	lr =	sadd.s32 s0, s3;
	s0 =	sld [smem:$0x3FAA]  }
0x30: {  	s3 =	sld [smem:$0x3FAD]  }
0x31: {  	[smem:$0x3FB6] =	sst s10  }
0x32: {  	s10 =	sld [smem:$0x3FB4];
	_ =	sdelay $0x3  }
0x33: {  	p0 =	seq.s32 s10, $0x1;
	s10 =	sld [smem:$0x3FB6];
	_ =	sdelay $0x3  }
0x34: {  	[smem:$0x3FB6] =	sst s10  }
0x35: {  	s10 =	sld [smem:$0x3FB5];
	_ =	sdelay $0x3  }
0x36: {  	p1 =	seq.s32 s10, $0x1;
	s10 =	sld [smem:$0x3FB6];
	_ =	sdelay $0x3  }
0x37: {  	[smem:$0x3FB6] =	sst s10  }
0x38: {  	s10 =	sld [smem:$0x3FB7]  }
0x39: {  	_ = 	snop;
	(pc) =	sbr.ind lr, $3  }
0x3a: {  	_ = 	snop  }
0x3b: {  	_ = 	snop  }
0x3c: {  	p2 =	seq.s32 s10, $0x1;
	s10 =	sld [smem:$0x3FB6]  }
0x3d: {  	_ =	shalt  }
0x3e: {  	_ =	shalt  }
0x3f: {  	_ =	shalt  }
0x40: {  	_ =	shalt  }
0x41: {  	_ =	shalt  }
0x42: {  	_ =	shalt  }
0x43: {  	_ =	shalt  }
0x44: {  	_ =	shalt  }
0x45: {  	_ =	shalt  }
0x46: {  	_ =	shalt  }
0x47: {  	_ =	shalt  }
0x48: {  	_ =	shalt  }
0x49: {  	_ =	shalt  }
0x4a: {  	_ =	shalt  }
0x4b: {  	_ =	shalt  }
0x4c: {  	_ =	shalt  }
0x4d: {  	_ =	shalt  }
0x4e: {  	_ =	shalt  }
0x4f: {  	_ =	shalt  }
0x50: {  	_ =	shalt  }
0x51: {  	_ =	shalt  }
0x52: {  	_ =	shalt  }
0x53: {  	_ =	shalt  }
0x54: {  	_ =	shalt  }
0x55: {  	_ =	shalt  }
0x56: {  	_ =	shalt  }
0x57: {  	_ =	shalt  }
0x58: {  	_ =	shalt  }
0x59: {  	_ =	shalt  }
0x5a: {  	_ =	shalt  }
0x5b: {  	_ =	shalt  }
0x5c: {  	_ =	shalt  }
0x5d: {  	_ =	shalt  }
0x5e: {  	_ =	shalt  }
0x5f: {  	_ =	shalt  }
0x60: {  	_ =	shalt  }
0x61: {  	_ =	shalt  }
0x62: {  	_ =	shalt  }
0x63: {  	_ =	shalt  }
0x64: {  	_ =	shalt  }
0x65: {  	_ =	shalt  }
0x66: {  	_ =	shalt  }
0x67: {  	_ =	shalt  }
0x68: {  	_ =	shalt  }
0x69: {  	_ =	shalt  }
0x6a: {  	_ =	shalt  }
0x6b: {  	_ =	shalt  }
0x6c: {  	_ =	shalt  }
0x6d: {  	_ =	shalt  }
0x6e: {  	_ =	shalt  }
0x6f: {  	_ =	shalt  }
0x70: {  	_ =	shalt  }
0x71: {  	_ =	shalt  }
0x72: {  	_ =	shalt  }
0x73: {  	_ =	shalt  }
0x74: {  	_ =	shalt  }
0x75: {  	_ =	shalt  }
0x76: {  	_ =	shalt  }
0x77: {  	_ =	shalt  }
0x78: {  	_ =	shalt  }
0x79: {  	_ =	shalt  }
0x7a: {  	_ =	shalt  }
0x7b: {  	_ =	shalt  }
0x7c: {  	_ =	shalt  }
0x7d: {  	_ =	shalt  }
0x7e: {  	_ =	shalt  }
0x7f: {  	_ =	shalt  }
0x80: {  	_ =	shalt  }
0x81: {  	_ =	shalt  }
0x82: {  	_ =	shalt  }
0x83: {  	_ =	shalt  }
0x84: {  	_ =	shalt  }
0x85: {  	_ =	shalt  }
0x86: {  	_ =	shalt  }
0x87: {  	_ =	shalt  }
.Lfunc_end0:
.L_simem_size_0:
called_computation.1_lowered:
.L_overlay_start_0:
0x88: {  	s2 =	sld [smem:$0x3FD9]  }
0x89: {  	s3 =	sld [smem:$0x3FFE];
	_ =	sdelay $0x1  }
0x8a: {  	s1 =	srdreg.scid  }
0x8b: {  	s0 =	sand.u32 $0x1, s1  }
0x8c: {  	s17 =	sshll.u32 s0, $0xA;
	s2 =	sadd.s32 s3, s2  }
0x8d: {  	s2 =	sadd.s32 s2, s17  }
0x8e: {  	[smem:$0x3FC2] =	sst s2  }
0x8f: {  	_ = 	snop  }
0x90: {  	s2 =	sld [smem:$0x3FD0];
	(tm) =	ssettm $0x1  }
0x91: {  	s18 =	sld [smem:$0x3FFB];
	_ =	sdelay $0x3  }
0x92: {  	_ =	strace s18  }
0x93: {  	s3 =	sld [smem:$0x3FFC];
	_ =	sdelay $0x3  }
0x94: {  	_ =	strace s3  }
0x95: {  	s3 =	sld [smem:$0x3FFD];
	_ =	sdelay $0x3  }
0x96: {  	_ =	strace s3  }
0x97: {  	_ =	strace $0x8FFFFFFF  }
0x98: {  	s19 =	sld [smem:$0x3FDB];
	_ =	sdelay $0x1  }
0x99: {  	s4 =	simm.s32 $_scs_section_size  }
0x9a: {  	s5 =	simm.s32 $_size__tile_overlayer_lowered;
	s6 =	simm.s32 $_tile_overlayer_lowered  }
0x9b: {  	s22 =	simm.s32 $0x1BFF;
	s21 =	sshll.u32 s6, $0x1;
	s3 =	sadd.s32 s4, s19  }
0x9c: {  	s7 =	simm.s32 $0x0;
	s20 =	sshll.u32 s5, $0x1;
	s5 =	sadd.s32 s21, s3  }
0x9d: {  	[timem:s7], [sflag:s22] =	dma.local [hbm:s5], s20  }
0x9e: {  	_ =	swait.ge [sflag:s22], s20  }
0x9f: {  	s4 =	ssub.s32 $0x0, s20;
	[sflag:s22] =	ssyncset.done $0x0  }
0xa0: {  	[sflag:s22] =	ssyncadd.s32 s4;
	_ =	sdelay $0x1  }
0xa1: {  	s23 =	simm.s32 $0x1B8B  }
0xa2: {  	_ =	swait.ge [sflag:s23], $0x1  }
0xa3: {  	[sflag:s23] =	ssyncset.done $0x0  }
0xa4: {  	s25 =	simm.s32 $0x1B8E;
	s24 =	sld [smem:$0x3FFE];
	[sflag:s23] =	ssyncadd.s32 $0xFFFFFFFF  }
0xa5: {  	s26 =	simm.s32 $execute0_lowered;
	[smem:$0x3FD2] =	sst s25  }
0xa6: {  	s5 =	sshll.u32 s26, $0x1;
	_ =	strace $0x80000049;
	[dreg:$0x1] =	wrdreg $0xFFFFFFFF  }
0xa7: {  	s28 =	simm.s32 $_size_execute0_lowered;
	s3 =	sadd.s32 s3, s5;
	[dreg:$0x0] =	wrdreg $0x0  }
0xa8: {  	s5 =	sshll.u32 s28, $0x1;
	[dreg:$0x2] =	wrdreg s3  }
0xa9: {  	[dreg:$0x3] =	wrdreg s5  }
0xaa: {  	[dreg:$0x4] =	wrdreg $0xC0  }
0xab: {  	_ =	task [dreg:s7], $0x5FFFF  }
0xac: {  	[dreg:$0x1] =	wrdreg $0xFFFFFFFF  }
0xad: {  	[dreg:$0x0] =	wrdreg $0x60  }
0xae: {  	[dreg:$0x2] =	wrdreg s24  }
0xaf: {  	[dreg:$0x3] =	wrdreg s2  }
0xb0: {  	[dreg:$0x4] =	wrdreg $0x0  }
0xb1: {  	[dreg:$0x5] =	wrdreg $0x9  }
0xb2: {  	_ =	task.clear_ibuf [dreg:s7], $0x6FFFF;
	_ =	strace $0x90000049  }
0xb3: {  	s29 =	simm.s32 $0x9;
	_ =	strace $0x8000004B  }
0xb4: {  	_ =	swait.ge [sflag:s29], $0x1  }
0xb5: {  	[sflag:s29] =	ssyncadd.s32 $0xFFFFFFFF  }
0xb6: {  	_ =	strace $0x9000004B  }
0xb7: {  	_ =	sfence  }
0xb8: {  	s30 =	sld [smem:$0x0];
	_ =	sdelay $0x2  }
0xb9: {  	s31 =	sshll.u32 s1, $0xD;
	s1 =	sshrl.u32 s1, $0x2  }
0xba: {  	s3 =	sand.u32 $0x4000, s31;
	s1 =	sadd.s32 s1, s30  }
0xbb: {  	s0 =	sor.u32 s3, s0;
	s1 =	sshll.u32 s1, $0x11  }
0xbc: {  	s0 =	sor.u32 s1, s0  }
0xbd: {  	s0 =	sadd.s32 $0x8F2B, s0  }
0xbe: {  	[sflag:s0] =	ssyncadd.remote.s32 $0x1  }
0xbf: {  	_ =	sfence.sel $0xFFFF  }
0xc0: {  	[dreg:$0x0] =	wrdreg $0xFFFFFFFF;
	(pc) =	sbr.abs _section_cstart, $3  }
0xc1: {  	[dreg:$0x1] =	wrdreg $0xFFFFFFFF  }
0xc2: {  	_ =	task.clear_ibuf [dreg:s7], $0x2FFFF;
	_ =	strace $0x9FFFFFFF  }
0xc3: {  	(tm) =	ssettm $0x7FFFFFFF  }
tec
execute0_lowered:
.L_overlay_start_1:
0x0: {  	(tag) =	ssettag $0x1  }
0x1: {  	s0 =	rddreg [dreg:$0x0]  }
0x2: {  	s2 =	rddreg [dreg:$0x1]  }
0x3: {  	s3 =	rddreg [dreg:$0x2]  }
0x4: {  	s8 =	stileid.u32;
	s1 =	srdreg.scid  }
0x5: {  	s4 =	simm.s32 $0x0;
	s12 =	simm.s32 $0x14800;
	s13 =	simm.s32 $0x5  }
0x6: {  	s14 =	simm.s32 $0x14000;
	s15 =	simm.s32 $0x14400;
	s16 =	simm.s32 $0x80  }
0x7: {  	s17 =	simm.s32 $0x14080;
	s18 =	simm.s32 $0x18800;
	s28 =	simm.s32 $0x14200  }
0x8: {  	s29 =	simm.s32 $0x14580;
	s30 =	simm.s32 $0x14280;
	s5 =	smul.u32 $0x50, s8  }
0x9: {  	s31 =	simm.s32 $0x14600;
	s9 =	simm.s32 $0x0;
	s19 =	smul.u32 $0x14000, s8  }
0xa: {  	s1 =	sand.u32 $0x1, s1;
	[smem:$0x7FF] =	sst s4;
	s8 =	smul.u32 $0x50000, s8  }
0xb: {  	p0 =	seq.s32 s1, $0x0;
	s7 =	smul.u32 $0x140000, s1;
	_ =	strace $0x8000004A  }
0xc: {  	s1 =	ssub.s32 $0x2, s1;
	s6 =	sadd.s32 $0x500, s5;
	s20 =	sshrl.u32 s8, $0x2  }
0xd: {  	s21 =	sshrl.u32 s1, $0x1;
	s8 =	simm.s32 $0x14780;
	s6 =	smov.u32 @p0 s5  }
0xe: {  	s5 =	sadd.s32 s19, s7;
	s22 =	sadd.s32 s20, s3;
	s1 =	ssub.s32 s1, s21  }
0xf: {  	s19 =	simm.s32 $0x1;
	s20 =	simm.s32 $0x3;
	s21 =	simm.s32 $0x14100  }
0x10: {  	s6 =	sshll.u32 s6, $0x4;
	s7 =	sadd.s32 $0x4000, s22;
	[dreg:$0x6] =	wrdreg s22  }
0x11: {  	s5 =	sshrl.u32 s5, $0x3;
	s23 =	sadd.s32 $0x8000, s22;
	[dreg:$0x7] =	wrdreg s7  }
0x12: {  	s24 =	sadd.s32 $0xC000, s22;
	s1 =	smax.u32 s1, $0x1;
	[dreg:$0x8] =	wrdreg s23  }
0x13: {  	s6 =	sadd.s32 s6, s0;
	s0 =	sadd.s32 s5, s0;
	[dreg:$0x9] =	wrdreg s24  }
0x14: {  	s5 =	sadd.s32 $0x10000, s22;
	[dreg:$0xc] =	wrdreg s1;
	s22 =	simm.s32 $0x2  }
0x15: {  	s23 =	simm.s32 $0x14480;
	[dreg:$0xa] =	wrdreg s5;
	s0 =	sadd.s32 $0x66A00, s0  }
0x16: {  	s24 =	simm.s32 $0x4;
	s25 =	sadd.s32 $0xCA00, s6;
	[dreg:$0xb] =	wrdreg s0  }
0x17: {  	s1 =	simm.s32 $0x14300;
	s26 =	sadd.s32 $0x2A00, s6;
	[dreg:$0x4] =	wrdreg s25  }
0x18: {  	s7 =	simm.s32 $0x14700;
	s6 =	simm.s32 $0x14380;
	[dreg:$0x5] =	wrdreg s26  }
0x19: {  	v0 =	vimm.f32 $0.0e+00;
	s25 =	simm.s32 $0x14180;
	s26 =	simm.s32 $0x14500;
	s0 =	simm.s32 $0x14680  }
.LBB2_1:
0x1a: {  	s10 =	simm.s32 $0x0;
	s11 =	simm.s32 $0x200  }
.LBB2_2:
0x1b: {  	p0 =	sne.s32 s11, $0xFE00;
	[tilespmem:s10+$0x14870] =	vst v0  }
0x1c: {  	[tilespmem:s10+$0x14800] =	vst v0  }
0x1d: {  	[tilespmem:s10+$0x14810] =	vst v0  }
.Ltmp0:
0x1e: {  	[tilespmem:s10+$0x14820] =	vst v0;
	(pc) =	sbr.rel @p0 .LBB2_2-.Ltmp0, $4  }
0x1f: {  	[tilespmem:s10+$0x14830] =	vst v0  }
0x20: {  	[tilespmem:s10+$0x14840] =	vst v0  }
0x21: {  	[tilespmem:s10+$0x14850] =	vst v0  }
0x22: {  	[tilespmem:s10+$0x14860] =	vst v0;
	s10 =	sshra.s32 s11, $0x2;
	s11 =	sadd.s32 $0x200, s11  }
0x23: {  	[tilespmem:s10+$0x14870] =	vst v0  }
0x24: {  	[tilespmem:s10+$0x14800] =	vst v0  }
0x25: {  	[tilespmem:s10+$0x14810] =	vst v0  }
0x26: {  	[tilespmem:s10+$0x14820] =	vst v0  }
0x27: {  	[tilespmem:s10+$0x14830] =	vst v0  }
0x28: {  	[tilespmem:s10+$0x14840] =	vst v0  }
0x29: {  	[tilespmem:s10+$0x14850] =	vst v0  }
0x2a: {  	[tilespmem:s10+$0x14860] =	vst v0;
	s5 =	rddreg [dreg:$0x6]  }
0x2b: {  	[spmem:s5] =	stream.linear.scatter [tilespmem:s12], [sflag:$0x5], $0x4000, $0x38;
	[tilespmem:$0x1C800] =	vst v63  }
0x2c: {  	_ =	swait.ge [sflag:s13], $0x4000  }
0x2d: {  	[sflag:s13] =	ssyncset.done $0x0  }
0x2e: {  	s10 =	rddreg [dreg:$0x7];
	[sflag:s13] =	ssyncadd.s32 $0xFFFFC000  }
0x2f: {  	[spmem:s10] =	stream.linear.scatter [tilespmem:s12], [sflag:$0x5], $0x4000, $0x38;
	[tilespmem:$0x1C800] =	vst v63  }
0x30: {  	_ =	swait.ge [sflag:s13], $0x4000  }
0x31: {  	[sflag:s13] =	ssyncset.done $0x0  }
0x32: {  	s11 =	rddreg [dreg:$0x8];
	[sflag:s13] =	ssyncadd.s32 $0xFFFFC000  }
0x33: {  	[spmem:s11] =	stream.linear.scatter [tilespmem:s12], [sflag:$0x5], $0x4000, $0x38;
	[tilespmem:$0x1C800] =	vst v63  }
0x34: {  	_ =	swait.ge [sflag:s13], $0x4000  }
0x35: {  	[sflag:s13] =	ssyncset.done $0x0  }
0x36: {  	s10 =	rddreg [dreg:$0x9];
	[sflag:s13] =	ssyncadd.s32 $0xFFFFC000  }
0x37: {  	[spmem:s10] =	stream.linear.scatter [tilespmem:s12], [sflag:$0x5], $0x4000, $0x38;
	[tilespmem:$0x1C800] =	vst v63  }
0x38: {  	_ =	swait.ge [sflag:s13], $0x4000  }
0x39: {  	[sflag:s13] =	ssyncset.done $0x0  }
0x3a: {  	s11 =	rddreg [dreg:$0xa];
	[sflag:s13] =	ssyncadd.s32 $0xFFFFC000  }
0x3b: {  	[spmem:s11] =	stream.linear.scatter [tilespmem:s12], [sflag:$0x5], $0x4000, $0x38;
	[tilespmem:$0x1C800] =	vst v63  }
0x3c: {  	_ =	swait.ge [sflag:s13], $0x4000  }
0x3d: {  	[sflag:s13] =	ssyncset.done $0x0  }
0x3e: {  	[sflag:s13] =	ssyncadd.s32 $0xFFFFC000  }
0x3f: {  	[bflag:$0x0] =	sbarrier.arrive $0xFFFF  }
0x40: {  	s5 =	rddreg [dreg:$0x5]  }
0x41: {  	s10 =	sadd.s32 $0x0, s5  }
0x42: {  	[tilespmem:s14], [sflag:$0x5] =	stream.linear.gather [hbm4b:s10+s4], $0x400, $0x38;
	[tilespmem:$0x1C800] =	vst v63  }
0x43: {  	_ =	swait.ge [sflag:s13], $0x400  }
0x44: {  	s11 =	rddreg [dreg:$0x4];
	[sflag:s13] =	ssyncset.done $0x0  }
0x45: {  	[sflag:s13] =	ssyncadd.s32 $0xFFFFFC00;
	s10 =	sadd.s32 $0x0, s11  }
0x46: {  	[tilespmem:s15], [sflag:$0x5] =	stream.linear.gather [hbm4b:s10+s4], $0x400, $0x38;
	[tilespmem:$0x1C800] =	vst v63  }
0x47: {  	_ =	swait.ge [sflag:s13], $0x400  }
0x48: {  	[sflag:s13] =	ssyncset.done $0x0  }
0x49: {  	[sflag:s13] =	ssyncadd.s32 $0xFFFFFC00  }
0x4a: {  	[tilespmem:s12], [sflag:$0x1] =	stream.indirect.gather [hbm4b:s2+s16], $0x80, s14, s16, $0xb8;
	[tilespmem:$0x1C800] =	vst v63  }
0x4b: {  	_ = 	snop  }
0x4c: {  	[tilespmem:s18], [sflag:$0x2] =	stream.indirect.gather [hbm4b:s2+s16], $0x80, s17, s16, $0xb8;
	[tilespmem:$0x1C800] =	vst v63  }
0x4d: {  	_ =	swait.ge [sflag:s19], $0x4000  }
0x4e: {  	[sflag:s19] =	ssyncset.done $0x0  }
0x4f: {  	[sflag:s19] =	ssyncadd.s32 $0xFFFFC000  }
0x50: {  	[spmem:s3] =	stream.indirect.scatter.add.f32 [tilespmem:s12], [sflag:$0x3], $0x80, s15, s16, $0xb8;
	[tilespmem:$0x1C800] =	vst v63  }
0x51: {  	_ =	swait.ge [sflag:s20], $0x4000  }
0x52: {  	[sflag:s20] =	ssyncset.done $0x0  }
0x53: {  	[sflag:s20] =	ssyncadd.s32 $0xFFFFC000  }
0x54: {  	[tilespmem:s12], [sflag:$0x1] =	stream.indirect.gather [hbm4b:s2+s16], $0x80, s21, s16, $0xb8;
	[tilespmem:$0x1C800] =	vst v63  }
0x55: {  	_ =	swait.ge [sflag:s22], $0x4000  }
0x56: {  	[sflag:s22] =	ssyncset.done $0x0  }
0x57: {  	[sflag:s22] =	ssyncadd.s32 $0xFFFFC000  }
0x58: {  	[spmem:s3] =	stream.indirect.scatter.add.f32 [tilespmem:s18], [sflag:$0x4], $0x80, s23, s16, $0xb8;
	[tilespmem:$0x1C800] =	vst v63  }
0x59: {  	_ =	swait.ge [sflag:s24], $0x4000  }
0x5a: {  	[sflag:s24] =	ssyncset.done $0x0  }
0x5b: {  	[sflag:s24] =	ssyncadd.s32 $0xFFFFC000  }
0x5c: {  	[tilespmem:s18], [sflag:$0x2] =	stream.indirect.gather [hbm4b:s2+s16], $0x80, s25, s16, $0xb8;
	[tilespmem:$0x1C800] =	vst v63  }
0x5d: {  	_ =	swait.ge [sflag:s19], $0x4000  }
0x5e: {  	[sflag:s19] =	ssyncset.done $0x0  }
0x5f: {  	[sflag:s19] =	ssyncadd.s32 $0xFFFFC000  }
0x60: {  	[spmem:s3] =	stream.indirect.scatter.add.f32 [tilespmem:s12], [sflag:$0x3], $0x80, s26, s16, $0xb8;
	[tilespmem:$0x1C800] =	vst v63  }
0x61: {  	_ =	swait.ge [sflag:s20], $0x4000  }
0x62: {  	[sflag:s20] =	ssyncset.done $0x0  }
0x63: {  	[sflag:s20] =	ssyncadd.s32 $0xFFFFC000  }
0x64: {  	[tilespmem:s12], [sflag:$0x1] =	stream.indirect.gather [hbm4b:s2+s16], $0x80, s28, s16, $0xb8;
	[tilespmem:$0x1C800] =	vst v63  }
0x65: {  	_ =	swait.ge [sflag:s22], $0x4000  }
0x66: {  	[sflag:s22] =	ssyncset.done $0x0  }
0x67: {  	[sflag:s22] =	ssyncadd.s32 $0xFFFFC000  }
0x68: {  	[spmem:s3] =	stream.indirect.scatter.add.f32 [tilespmem:s18], [sflag:$0x4], $0x80, s29, s16, $0xb8;
	[tilespmem:$0x1C800] =	vst v63  }
0x69: {  	_ =	swait.ge [sflag:s24], $0x4000  }
0x6a: {  	[sflag:s24] =	ssyncset.done $0x0  }
0x6b: {  	[sflag:s24] =	ssyncadd.s32 $0xFFFFC000  }
0x6c: {  	[tilespmem:s18], [sflag:$0x2] =	stream.indirect.gather [hbm4b:s2+s16], $0x80, s30, s16, $0xb8;
	[tilespmem:$0x1C800] =	vst v63  }
0x6d: {  	_ =	swait.ge [sflag:s19], $0x4000  }
0x6e: {  	[sflag:s19] =	ssyncset.done $0x0  }
0x6f: {  	[sflag:s19] =	ssyncadd.s32 $0xFFFFC000  }
0x70: {  	[spmem:s3] =	stream.indirect.scatter.add.f32 [tilespmem:s12], [sflag:$0x3], $0x80, s31, s16, $0xb8;
	[tilespmem:$0x1C800] =	vst v63  }
0x71: {  	_ =	swait.ge [sflag:s20], $0x4000  }
0x72: {  	[sflag:s20] =	ssyncset.done $0x0  }
0x73: {  	[sflag:s20] =	ssyncadd.s32 $0xFFFFC000  }
0x74: {  	[tilespmem:s12], [sflag:$0x1] =	stream.indirect.gather [hbm4b:s2+s16], $0x80, s1, s16, $0xb8;
	[tilespmem:$0x1C800] =	vst v63  }
0x75: {  	_ =	swait.ge [sflag:s22], $0x4000  }
0x76: {  	[sflag:s22] =	ssyncset.done $0x0  }
0x77: {  	[sflag:s22] =	ssyncadd.s32 $0xFFFFC000  }
0x78: {  	[spmem:s3] =	stream.indirect.scatter.add.f32 [tilespmem:s18], [sflag:$0x4], $0x80, s0, s16, $0xb8;
	[tilespmem:$0x1C800] =	vst v63  }
0x79: {  	_ =	swait.ge [sflag:s24], $0x4000  }
0x7a: {  	[sflag:s24] =	ssyncset.done $0x0  }
0x7b: {  	[sflag:s24] =	ssyncadd.s32 $0xFFFFC000  }
0x7c: {  	[tilespmem:s18], [sflag:$0x2] =	stream.indirect.gather [hbm4b:s2+s16], $0x80, s6, s16, $0xb8;
	[tilespmem:$0x1C800] =	vst v63  }
0x7d: {  	_ =	swait.ge [sflag:s19], $0x4000  }
0x7e: {  	[sflag:s19] =	ssyncset.done $0x0  }
0x7f: {  	[sflag:s19] =	ssyncadd.s32 $0xFFFFC000  }
0x80: {  	[spmem:s3] =	stream.indirect.scatter.add.f32 [tilespmem:s12], [sflag:$0x3], $0x80, s7, s16, $0xb8;
	[tilespmem:$0x1C800] =	vst v63  }
0x81: {  	_ =	swait.ge [sflag:s22], $0x4000  }
0x82: {  	[sflag:s22] =	ssyncset.done $0x0  }
0x83: {  	[sflag:s22] =	ssyncadd.s32 $0xFFFFC000  }
0x84: {  	[spmem:s3] =	stream.indirect.scatter.add.f32 [tilespmem:s18], [sflag:$0x4], $0x80, s8, s16, $0xb8;
	[tilespmem:$0x1C800] =	vst v63  }
0x85: {  	_ =	swait.ge [sflag:s20], $0x4000  }
0x86: {  	[sflag:s20] =	ssyncset.done $0x0  }
0x87: {  	[sflag:s20] =	ssyncadd.s32 $0xFFFFC000  }
0x88: {  	_ =	swait.ge [sflag:s24], $0x4000  }
0x89: {  	s10 =	simm.s32 $0x80;
	[sflag:s24] =	ssyncset.done $0x0  }
.LBB2_4:
0x8a: {  	s11 =	rddreg [dreg:$0x5];
	s5 =	smov.u32 s10  }
0x8b: {  	[sflag:s24] =	ssyncadd.s32 $0xFFFFC000;
	s11 =	sadd.s32 s5, s11  }
0x8c: {  	[tilespmem:s14], [sflag:$0x5] =	stream.linear.gather [hbm4b:s11+s4], $0x400, $0x38;
	[tilespmem:$0x1C800] =	vst v63  }
0x8d: {  	_ =	swait.ge [sflag:s13], $0x400  }
0x8e: {  	s11 =	rddreg [dreg:$0x4];
	[sflag:s13] =	ssyncset.done $0x0  }
0x8f: {  	[sflag:s13] =	ssyncadd.s32 $0xFFFFFC00;
	s5 =	sadd.s32 s5, s11  }
0x90: {  	[tilespmem:s15], [sflag:$0x5] =	stream.linear.gather [hbm4b:s5+s4], $0x400, $0x38;
	[tilespmem:$0x1C800] =	vst v63  }
0x91: {  	_ =	swait.ge [sflag:s13], $0x400  }
0x92: {  	[sflag:s13] =	ssyncset.done $0x0  }
0x93: {  	[sflag:s13] =	ssyncadd.s32 $0xFFFFFC00  }
0x94: {  	[tilespmem:s12], [sflag:$0x1] =	stream.indirect.gather [hbm4b:s2+s16], $0x80, s14, s16, $0xb8;
	[tilespmem:$0x1C800] =	vst v63  }
0x95: {  	_ = 	snop  }
0x96: {  	[tilespmem:s18], [sflag:$0x2] =	stream.indirect.gather [hbm4b:s2+s16], $0x80, s17, s16, $0xb8;
	[tilespmem:$0x1C800] =	vst v63  }
0x97: {  	_ =	swait.ge [sflag:s19], $0x4000  }
0x98: {  	[sflag:s19] =	ssyncset.done $0x0  }
0x99: {  	[sflag:s19] =	ssyncadd.s32 $0xFFFFC000  }
0x9a: {  	[spmem:s3] =	stream.indirect.scatter.add.f32 [tilespmem:s12], [sflag:$0x3], $0x80, s15, s16, $0xb8;
	[tilespmem:$0x1C800] =	vst v63  }
0x9b: {  	_ =	swait.ge [sflag:s20], $0x4000  }
0x9c: {  	[sflag:s20] =	ssyncset.done $0x0  }
0x9d: {  	[sflag:s20] =	ssyncadd.s32 $0xFFFFC000  }
0x9e: {  	[tilespmem:s12], [sflag:$0x1] =	stream.indirect.gather [hbm4b:s2+s16], $0x80, s21, s16, $0xb8;
	[tilespmem:$0x1C800] =	vst v63  }
0x9f: {  	_ =	swait.ge [sflag:s22], $0x4000  }
0xa0: {  	[sflag:s22] =	ssyncset.done $0x0  }
0xa1: {  	[sflag:s22] =	ssyncadd.s32 $0xFFFFC000  }
0xa2: {  	[spmem:s3] =	stream.indirect.scatter.add.f32 [tilespmem:s18], [sflag:$0x4], $0x80, s23, s16, $0xb8;
	[tilespmem:$0x1C800] =	vst v63  }
0xa3: {  	_ =	swait.ge [sflag:s24], $0x4000  }
0xa4: {  	[sflag:s24] =	ssyncset.done $0x0  }
0xa5: {  	[sflag:s24] =	ssyncadd.s32 $0xFFFFC000  }
0xa6: {  	[tilespmem:s18], [sflag:$0x2] =	stream.indirect.gather [hbm4b:s2+s16], $0x80, s25, s16, $0xb8;
	[tilespmem:$0x1C800] =	vst v63  }
0xa7: {  	_ =	swait.ge [sflag:s19], $0x4000  }
0xa8: {  	[sflag:s19] =	ssyncset.done $0x0  }
0xa9: {  	[sflag:s19] =	ssyncadd.s32 $0xFFFFC000  }
0xaa: {  	[spmem:s3] =	stream.indirect.scatter.add.f32 [tilespmem:s12], [sflag:$0x3], $0x80, s26, s16, $0xb8;
	[tilespmem:$0x1C800] =	vst v63  }
0xab: {  	_ =	swait.ge [sflag:s20], $0x4000  }
0xac: {  	[sflag:s20] =	ssyncset.done $0x0  }
0xad: {  	[sflag:s20] =	ssyncadd.s32 $0xFFFFC000  }
0xae: {  	[tilespmem:s12], [sflag:$0x1] =	stream.indirect.gather [hbm4b:s2+s16], $0x80, s28, s16, $0xb8;
	[tilespmem:$0x1C800] =	vst v63  }
0xaf: {  	_ =	swait.ge [sflag:s22], $0x4000  }
0xb0: {  	[sflag:s22] =	ssyncset.done $0x0  }
0xb1: {  	[sflag:s22] =	ssyncadd.s32 $0xFFFFC000  }
0xb2: {  	[spmem:s3] =	stream.indirect.scatter.add.f32 [tilespmem:s18], [sflag:$0x4], $0x80, s29, s16, $0xb8;
	[tilespmem:$0x1C800] =	vst v63  }
0xb3: {  	_ =	swait.ge [sflag:s24], $0x4000  }
0xb4: {  	[sflag:s24] =	ssyncset.done $0x0  }
0xb5: {  	[sflag:s24] =	ssyncadd.s32 $0xFFFFC000  }
0xb6: {  	[tilespmem:s18], [sflag:$0x2] =	stream.indirect.gather [hbm4b:s2+s16], $0x80, s30, s16, $0xb8;
	[tilespmem:$0x1C800] =	vst v63  }
0xb7: {  	_ =	swait.ge [sflag:s19], $0x4000  }
0xb8: {  	[sflag:s19] =	ssyncset.done $0x0  }
0xb9: {  	[sflag:s19] =	ssyncadd.s32 $0xFFFFC000  }
0xba: {  	[spmem:s3] =	stream.indirect.scatter.add.f32 [tilespmem:s12], [sflag:$0x3], $0x80, s31, s16, $0xb8;
	[tilespmem:$0x1C800] =	vst v63  }
0xbb: {  	_ =	swait.ge [sflag:s20], $0x4000  }
0xbc: {  	[sflag:s20] =	ssyncset.done $0x0  }
0xbd: {  	[sflag:s20] =	ssyncadd.s32 $0xFFFFC000  }
0xbe: {  	[tilespmem:s12], [sflag:$0x1] =	stream.indirect.gather [hbm4b:s2+s16], $0x80, s1, s16, $0xb8;
	[tilespmem:$0x1C800] =	vst v63  }
0xbf: {  	_ =	swait.ge [sflag:s22], $0x4000  }
0xc0: {  	[sflag:s22] =	ssyncset.done $0x0  }
0xc1: {  	[sflag:s22] =	ssyncadd.s32 $0xFFFFC000  }
0xc2: {  	[spmem:s3] =	stream.indirect.scatter.add.f32 [tilespmem:s18], [sflag:$0x4], $0x80, s0, s16, $0xb8;
	[tilespmem:$0x1C800] =	vst v63  }
0xc3: {  	_ =	swait.ge [sflag:s24], $0x4000  }
0xc4: {  	[sflag:s24] =	ssyncset.done $0x0  }
0xc5: {  	[sflag:s24] =	ssyncadd.s32 $0xFFFFC000  }
0xc6: {  	[tilespmem:s18], [sflag:$0x2] =	stream.indirect.gather [hbm4b:s2+s16], $0x80, s6, s16, $0xb8;
	[tilespmem:$0x1C800] =	vst v63  }
0xc7: {  	_ =	swait.ge [sflag:s19], $0x4000  }
0xc8: {  	[sflag:s19] =	ssyncset.done $0x0  }
0xc9: {  	[sflag:s19] =	ssyncadd.s32 $0xFFFFC000  }
0xca: {  	[spmem:s3] =	stream.indirect.scatter.add.f32 [tilespmem:s12], [sflag:$0x3], $0x80, s7, s16, $0xb8;
	[tilespmem:$0x1C800] =	vst v63  }
0xcb: {  	_ =	swait.ge [sflag:s22], $0x4000  }
0xcc: {  	[sflag:s22] =	ssyncset.done $0x0  }
0xcd: {  	p0 =	sne.s32 s10, $0x480;
	[sflag:s22] =	ssyncadd.s32 $0xFFFFC000  }
0xce: {  	[spmem:s3] =	stream.indirect.scatter.add.f32 [tilespmem:s18], [sflag:$0x4], $0x80, s8, s16, $0xb8;
	[tilespmem:$0x1C800] =	vst v63  }
.Ltmp1:
0xcf: {  	_ =	swait.ge [sflag:s20], $0x4000;
	(pc) =	sbr.rel @p0 .LBB2_4-.Ltmp1, $4  }
0xd0: {  	[sflag:s20] =	ssyncset.done $0x0  }
0xd1: {  	[sflag:s20] =	ssyncadd.s32 $0xFFFFC000  }
0xd2: {  	_ =	swait.ge [sflag:s24], $0x4000  }
0xd3: {  	s10 =	sadd.s32 $0x80, s10;
	[sflag:s24] =	ssyncset.done $0x0  }
0xd4: {  	[sflag:s24] =	ssyncadd.s32 $0xFFFFC000  }
0xd5: {  	s5 =	stileid.u32;
	[bflag:$0x0] =	sbarrier.arrive $0xFFFF  }
0xd6: {  	s5 =	sshll.u32 s5, $0x6;
	s10 =	rddreg [dreg:$0x6]  }
0xd7: {  	s5 =	sor.u32 $0x1C05, s5;
	s11 =	rddreg [dreg:$0xb];
	s10 =	sshrl.u32 s10, $0x3  }
0xd8: {  	[hbm:s11], [sflag:s5] =	dma.local [spmem:s10], $0x2800  }
0xd9: {  	_ =	swait.ge [sflag:s13], $0x2800  }
0xda: {  	s9 =	sadd.s32 $0x1, s9;
	s11 =	rddreg [dreg:$0xc]  }
0xdb: {  	p0 =	sne.s32 s9, s11  }
.Ltmp2:
0xdc: {  	_ = 	snop;
	(pc) =	sbr.rel @p0 .LBB2_1-.Ltmp2, $3  }
0xdd: {  	_ =	sdelay $0x1  }
0xde: {  	[sflag:s13] =	ssyncset.done $0x0  }
0xdf: {  	[sflag:s13] =	ssyncadd.s32 $0xFFFFD800  }
0xe0: {  	_ =	sfence.sel $0x180000  }
0xe1: {  	[bflag:$0x0] =	sbarrier.arrive $0xFFFF  }
0xe2: {  	_ =	strace $0x9000004A  }
0xe3: {  	s0 =	stileid.u32;
	[bflag:$0x2] =	sbarrier.arrive $0xFFFF  }
0xe4: {  	p0 =	sne.s32 s0, $0x0;
	s0 =	rddreg [dreg:$0x3]  }
0xe5: {  	s0 =	sadd.s32 @!p0 $0x100000, s0  }
0xe6: {  	[sflag:s0] =	ssyncadd.tile.s32 @!p0 $0x1;
	_ =	shalt  }
.Lfunc_end2:
_tile_overlayer_lowered:
.L_overlay_start_2:
0xe7: {  	(tag) =	ssettag $0x2  }
0xe8: {  	s0 =	rddreg [dreg:$0x0];
	s2 =	stileid.u32  }
0xe9: {  	s1 =	rddreg [dreg:$0x1];
	p0 =	sne.s32 s2, $0x0  }
0xea: {  	s3 =	rddreg [dreg:$0x2];
	[bflag:$0x3] =	sbarrier.arrive $0xFFFF;
	s2 =	simm.s32 @!p0 $0x1C05  }
0xeb: {  	[timem:s3], [sflag:s2] =	dma.local @!p0 [hbm:s0], s1  }
0xec: {  	s0 =	simm.s32 @!p0 $0x5  }
0xed: {  	_ =	swait.ge @!p0 [sflag:s0], s1  }
0xee: {  	s1 =	ssub.s32 @!p0 $0x0, s1;
	[sflag:s0] =	ssyncset.done @!p0 $0x0  }
0xef: {  	[sflag:s0] =	ssyncadd.s32 @!p0 s1  }
0xf0: {  	[bflag:$0x3] =	sbarrier.arrive $0xFFFF  }
0xf1: {  	_ =	shalt  }

// kernel: kernel.14.cloned.1.call-start
scs
__scs_entry_jumppad:
0x0: {  	(pc) =	sbr.rel $0x88, $3  }
0x1: {  	(tag) =	ssettag $0x0;
	lr =	simm.s32 $0x1  }
0x2: {  	[smem:$0x3F9B] =	sst lr;
	_ =	strace $0xD0000000  }
0x3: {  	_ = 	snop  }
0x4: {  	_ = 	snop  }
0x5: {  	_ = 	snop  }
0x6: {  	_ = 	snop  }
0x7: {  	_ = 	snop  }
__scs_overlays_trampoline_lowered:
0x8: {  	[smem:$0x3FAA] =	sst s0  }
0x9: {  	[smem:$0x3FAB] =	sst s1  }
0xa: {  	[smem:$0x3FAC] =	sst s2  }
0xb: {  	[smem:$0x3FAD] =	sst s3  }
0xc: {  	[smem:$0x3FAE] =	sst s4  }
0xd: {  	[smem:$0x3FAF] =	sst s5  }
0xe: {  	[smem:$0x3FB0] =	sst s6  }
0xf: {  	[smem:$0x3FB1] =	sst s7  }
0x10: {  	[smem:$0x3FB2] =	sst s8  }
0x11: {  	[smem:$0x3FB3] =	sst s9;
	s0 =	simm.s32 @!p0 $0x0  }
0x12: {  	s1 =	sld [smem:$0x3F99];
	s0 =	simm.s32 @p0 $0x1  }
0x13: {  	[smem:$0x3FB4] =	sst s0;
	s0 =	simm.s32 @!p1 $0x0  }
0x14: {  	s2 =	sld [smem:$0x3F98];
	s0 =	simm.s32 @p1 $0x1  }
0x15: {  	[smem:$0x3FB5] =	sst s0;
	s0 =	simm.s32 @!p2 $0x0  }
0x16: {  	s3 =	sld [smem:$0x3FDB];
	s0 =	simm.s32 @p2 $0x1  }
0x17: {  	s4 =	simm.s32 $0x1BF5;
	[smem:$0x3FB7] =	sst s0  }
0x18: {  	s0 =	sld [smem:$0x3F9A];
	_ =	swait.ge [sflag:s4], $0x0  }
0x19: {  	s7 =	sld [smem:$0x3F9B]  }
0x1a: {  	s8 =	sadd.s32 $0xFFFFE003, lr  }
0x1b: {  	s9 =	sadd.s32 $0xFFFFFEF7, lr;
	s5 =	simm.s32 $0xFFFFFFFF;
	p2 =	slt.u32 s8, $0xFFFFF086  }
0x1c: {  	p1 =	slt.u32 s9, $0xF7A;
	s5 =	simm.s32 @!p2 $0x0  }
0x1d: {  	s5 =	simm.s32 @p1 $0x1;
	p0 =	seq.s32 s7, s2  }
0x1e: {  	s7 =	smul.u32 @!p0 $0xF7A, s2;
	p2 =	seq.s32 @!p0 s5, $0x0  }
0x1f: {  	s9 =	smul.u32 $0xF7A, s1;
	s8 =	simm.s32 @!p0 $0x1BF5;
	p2 =	por !p2, p0  }
0x20: {  	[sflag:s8] =	ssyncset.s32 @!p0 $0xFFFFF086;
	s6 =	sadd.s32 @!p0 s3, s7;
	s7 =	simm.s32 @!p0 $0x108  }
0x21: {  	s3 =	sadd.s32 s3, s9;
	s6 =	sadd.s32 @!p0 $0x88, s6;
	s7 =	simm.s32 @p2 $0x1082  }
0x22: {  	[simem:s7], [sflag:s8] =	dma.local @!p0 [hbm:s6], $0xF7A  }
0x23: {  	s9 =	sor.u32 $0xD0000000, s2;
	s6 =	simm.s32 $0x108;
	_ =	swait.ge @!p0 [sflag:s8], $0x0  }
0x24: {  	s3 =	sadd.s32 $0x88, s3;
	s6 =	simm.s32 @!p1 $0x1082;
	[sflag:s4] =	ssyncset.s32 $0xFFFFF086  }
0x25: {  	[simem:s6], [sflag:s4] =	dma.local [hbm:s3], $0xF7A  }
0x26: {  	[smem:$0x3F9B] =	sst s1;
	(tag) =	ssettag s2;
	_ =	strace s9  }
0x27: {  	s1 =	sld [smem:$0x3FAB]  }
0x28: {  	s2 =	sld [smem:$0x3FAC]  }
0x29: {  	s4 =	sld [smem:$0x3FAE]  }
0x2a: {  	p0 =	seq.s32 s5, $0x0;
	s5 =	sld [smem:$0x3FAF]  }
0x2b: {  	s6 =	sld [smem:$0x3FB0]  }
0x2c: {  	s7 =	sld [smem:$0x3FB1]  }
0x2d: {  	s3 =	simm.s32 $0x108;
	s8 =	sld [smem:$0x3FB2]  }
0x2e: {  	s3 =	simm.s32 @!p0 $0x1082;
	s9 =	sld [smem:$0x3FB3]  }
0x2f: {  	lr =	sadd.s32 s0, s3;
	s0 =	sld [smem:$0x3FAA]  }
0x30: {  	s3 =	sld [smem:$0x3FAD]  }
0x31: {  	[smem:$0x3FB6] =	sst s10  }
0x32: {  	s10 =	sld [smem:$0x3FB4];
	_ =	sdelay $0x3  }
0x33: {  	p0 =	seq.s32 s10, $0x1;
	s10 =	sld [smem:$0x3FB6];
	_ =	sdelay $0x3  }
0x34: {  	[smem:$0x3FB6] =	sst s10  }
0x35: {  	s10 =	sld [smem:$0x3FB5];
	_ =	sdelay $0x3  }
0x36: {  	p1 =	seq.s32 s10, $0x1;
	s10 =	sld [smem:$0x3FB6];
	_ =	sdelay $0x3  }
0x37: {  	[smem:$0x3FB6] =	sst s10  }
0x38: {  	s10 =	sld [smem:$0x3FB7]  }
0x39: {  	_ = 	snop;
	(pc) =	sbr.ind lr, $3  }
0x3a: {  	_ = 	snop  }
0x3b: {  	_ = 	snop  }
0x3c: {  	p2 =	seq.s32 s10, $0x1;
	s10 =	sld [smem:$0x3FB6]  }
0x3d: {  	_ =	shalt  }
0x3e: {  	_ =	shalt  }
0x3f: {  	_ =	shalt  }
0x40: {  	_ =	shalt  }
0x41: {  	_ =	shalt  }
0x42: {  	_ =	shalt  }
0x43: {  	_ =	shalt  }
0x44: {  	_ =	shalt  }
0x45: {  	_ =	shalt  }
0x46: {  	_ =	shalt  }
0x47: {  	_ =	shalt  }
0x48: {  	_ =	shalt  }
0x49: {  	_ =	shalt  }
0x4a: {  	_ =	shalt  }
0x4b: {  	_ =	shalt  }
0x4c: {  	_ =	shalt  }
0x4d: {  	_ =	shalt  }
0x4e: {  	_ =	shalt  }
0x4f: {  	_ =	shalt  }
0x50: {  	_ =	shalt  }
0x51: {  	_ =	shalt  }
0x52: {  	_ =	shalt  }
0x53: {  	_ =	shalt  }
0x54: {  	_ =	shalt  }
0x55: {  	_ =	shalt  }
0x56: {  	_ =	shalt  }
0x57: {  	_ =	shalt  }
0x58: {  	_ =	shalt  }
0x59: {  	_ =	shalt  }
0x5a: {  	_ =	shalt  }
0x5b: {  	_ =	shalt  }
0x5c: {  	_ =	shalt  }
0x5d: {  	_ =	shalt  }
0x5e: {  	_ =	shalt  }
0x5f: {  	_ =	shalt  }
0x60: {  	_ =	shalt  }
0x61: {  	_ =	shalt  }
0x62: {  	_ =	shalt  }
0x63: {  	_ =	shalt  }
0x64: {  	_ =	shalt  }
0x65: {  	_ =	shalt  }
0x66: {  	_ =	shalt  }
0x67: {  	_ =	shalt  }
0x68: {  	_ =	shalt  }
0x69: {  	_ =	shalt  }
0x6a: {  	_ =	shalt  }
0x6b: {  	_ =	shalt  }
0x6c: {  	_ =	shalt  }
0x6d: {  	_ =	shalt  }
0x6e: {  	_ =	shalt  }
0x6f: {  	_ =	shalt  }
0x70: {  	_ =	shalt  }
0x71: {  	_ =	shalt  }
0x72: {  	_ =	shalt  }
0x73: {  	_ =	shalt  }
0x74: {  	_ =	shalt  }
0x75: {  	_ =	shalt  }
0x76: {  	_ =	shalt  }
0x77: {  	_ =	shalt  }
0x78: {  	_ =	shalt  }
0x79: {  	_ =	shalt  }
0x7a: {  	_ =	shalt  }
0x7b: {  	_ =	shalt  }
0x7c: {  	_ =	shalt  }
0x7d: {  	_ =	shalt  }
0x7e: {  	_ =	shalt  }
0x7f: {  	_ =	shalt  }
0x80: {  	_ =	shalt  }
0x81: {  	_ =	shalt  }
0x82: {  	_ =	shalt  }
0x83: {  	_ =	shalt  }
0x84: {  	_ =	shalt  }
0x85: {  	_ =	shalt  }
0x86: {  	_ =	shalt  }
0x87: {  	_ =	shalt  }
.Lfunc_end0:
.L_simem_size_0:
called_computation.2_lowered:
.L_overlay_start_0:
0x88: {  	s2 =	sld [smem:$0x3FD9]  }
0x89: {  	s3 =	sld [smem:$0x3FFE];
	_ =	sdelay $0x1  }
0x8a: {  	s1 =	srdreg.scid  }
0x8b: {  	s0 =	sand.u32 $0x1, s1  }
0x8c: {  	s17 =	sshll.u32 s0, $0xA;
	s2 =	sadd.s32 s3, s2  }
0x8d: {  	s2 =	sadd.s32 s2, s17  }
0x8e: {  	[smem:$0x3FC2] =	sst s2  }
0x8f: {  	_ = 	snop  }
0x90: {  	s2 =	sld [smem:$0x3FD0];
	(tm) =	ssettm $0x1  }
0x91: {  	s18 =	sld [smem:$0x3FFB];
	_ =	sdelay $0x3  }
0x92: {  	_ =	strace s18  }
0x93: {  	s3 =	sld [smem:$0x3FFC];
	_ =	sdelay $0x3  }
0x94: {  	_ =	strace s3  }
0x95: {  	s3 =	sld [smem:$0x3FFD];
	_ =	sdelay $0x3  }
0x96: {  	_ =	strace s3  }
0x97: {  	_ =	strace $0x8FFFFFFF  }
0x98: {  	s19 =	sld [smem:$0x3FDB];
	_ =	sdelay $0x1  }
0x99: {  	s4 =	simm.s32 $_scs_section_size  }
0x9a: {  	s5 =	simm.s32 $_size__tile_overlayer_lowered;
	s6 =	simm.s32 $_tile_overlayer_lowered  }
0x9b: {  	s22 =	simm.s32 $0x1BFF;
	s21 =	sshll.u32 s6, $0x1;
	s3 =	sadd.s32 s4, s19  }
0x9c: {  	s7 =	simm.s32 $0x0;
	s20 =	sshll.u32 s5, $0x1;
	s5 =	sadd.s32 s21, s3  }
0x9d: {  	[timem:s7], [sflag:s22] =	dma.local [hbm:s5], s20  }
0x9e: {  	_ =	swait.ge [sflag:s22], s20  }
0x9f: {  	s4 =	ssub.s32 $0x0, s20;
	[sflag:s22] =	ssyncset.done $0x0  }
0xa0: {  	[sflag:s22] =	ssyncadd.s32 s4;
	_ =	sdelay $0x1  }
0xa1: {  	s23 =	simm.s32 $0x1B8B  }
0xa2: {  	_ =	swait.ge [sflag:s23], $0x1  }
0xa3: {  	[sflag:s23] =	ssyncset.done $0x0  }
0xa4: {  	s25 =	simm.s32 $0x1B8E;
	s24 =	sld [smem:$0x3FFE];
	[sflag:s23] =	ssyncadd.s32 $0xFFFFFFFF  }
0xa5: {  	s26 =	simm.s32 $execute0_lowered;
	[smem:$0x3FD2] =	sst s25  }
0xa6: {  	s5 =	sshll.u32 s26, $0x1;
	_ =	strace $0x8000004C;
	[dreg:$0x1] =	wrdreg $0xFFFFFFFF  }
0xa7: {  	s28 =	simm.s32 $_size_execute0_lowered;
	s3 =	sadd.s32 s3, s5;
	[dreg:$0x0] =	wrdreg $0x0  }
0xa8: {  	s5 =	sshll.u32 s28, $0x1;
	[dreg:$0x2] =	wrdreg s3  }
0xa9: {  	[dreg:$0x3] =	wrdreg s5  }
0xaa: {  	[dreg:$0x4] =	wrdreg $0xC0  }
0xab: {  	_ =	task [dreg:s7], $0x5FFFF  }
0xac: {  	[dreg:$0x1] =	wrdreg $0xFFFFFFFF  }
0xad: {  	[dreg:$0x0] =	wrdreg $0x60  }
0xae: {  	[dreg:$0x2] =	wrdreg s24  }
0xaf: {  	[dreg:$0x3] =	wrdreg s2  }
0xb0: {  	[dreg:$0x4] =	wrdreg $0x0  }
0xb1: {  	[dreg:$0x5] =	wrdreg $0x9  }
0xb2: {  	_ =	task.clear_ibuf [dreg:s7], $0x6FFFF;
	_ =	strace $0x9000004C  }
0xb3: {  	s29 =	simm.s32 $0x9;
	_ =	strace $0x8000004E  }
0xb4: {  	_ =	swait.ge [sflag:s29], $0x1  }
0xb5: {  	[sflag:s29] =	ssyncadd.s32 $0xFFFFFFFF  }
0xb6: {  	_ =	strace $0x9000004E  }
0xb7: {  	_ =	sfence  }
0xb8: {  	s30 =	sld [smem:$0x0];
	_ =	sdelay $0x2  }
0xb9: {  	s31 =	sshll.u32 s1, $0xD;
	s1 =	sshrl.u32 s1, $0x2  }
0xba: {  	s3 =	sand.u32 $0x4000, s31;
	s1 =	sadd.s32 s1, s30  }
0xbb: {  	s0 =	sor.u32 s3, s0;
	s1 =	sshll.u32 s1, $0x11  }
0xbc: {  	s0 =	sor.u32 s1, s0  }
0xbd: {  	s0 =	sadd.s32 $0x8F2B, s0  }
0xbe: {  	[sflag:s0] =	ssyncadd.remote.s32 $0x1  }
0xbf: {  	_ =	sfence.sel $0xFFFF  }
0xc0: {  	[dreg:$0x0] =	wrdreg $0xFFFFFFFF;
	(pc) =	sbr.abs _section_cstart, $3  }
0xc1: {  	[dreg:$0x1] =	wrdreg $0xFFFFFFFF  }
0xc2: {  	_ =	task.clear_ibuf [dreg:s7], $0x2FFFF;
	_ =	strace $0x9FFFFFFF  }
0xc3: {  	(tm) =	ssettm $0x7FFFFFFF  }
tec
execute0_lowered:
.L_overlay_start_1:
0x0: {  	(tag) =	ssettag $0x1  }
0x1: {  	s0 =	rddreg [dreg:$0x0]  }
0x2: {  	s2 =	rddreg [dreg:$0x1]  }
0x3: {  	s3 =	rddreg [dreg:$0x2]  }
0x4: {  	s8 =	stileid.u32;
	s1 =	srdreg.scid  }
0x5: {  	s4 =	simm.s32 $0x0;
	s12 =	simm.s32 $0x14800;
	s13 =	simm.s32 $0x5  }
0x6: {  	s14 =	simm.s32 $0x14000;
	s15 =	simm.s32 $0x14400;
	s16 =	simm.s32 $0x80  }
0x7: {  	s17 =	simm.s32 $0x14080;
	s18 =	simm.s32 $0x18800;
	s28 =	simm.s32 $0x14200  }
0x8: {  	s29 =	simm.s32 $0x14580;
	s30 =	simm.s32 $0x14280;
	s5 =	smul.u32 $0x50, s8  }
0x9: {  	s31 =	simm.s32 $0x14600;
	s9 =	simm.s32 $0x0;
	s19 =	smul.u32 $0x14000, s8  }
0xa: {  	s1 =	sand.u32 $0x1, s1;
	[smem:$0x7FF] =	sst s4;
	s8 =	smul.u32 $0x50000, s8  }
0xb: {  	p0 =	seq.s32 s1, $0x0;
	s7 =	smul.u32 $0x140000, s1;
	_ =	strace $0x8000004D  }
0xc: {  	s1 =	ssub.s32 $0x2, s1;
	s6 =	sadd.s32 $0x500, s5;
	s20 =	sshrl.u32 s8, $0x2  }
0xd: {  	s21 =	sshrl.u32 s1, $0x1;
	s8 =	simm.s32 $0x14780;
	s6 =	smov.u32 @p0 s5  }
0xe: {  	s5 =	sadd.s32 s19, s7;
	s22 =	sadd.s32 s20, s3;
	s1 =	ssub.s32 s1, s21  }
0xf: {  	s19 =	simm.s32 $0x1;
	s20 =	simm.s32 $0x3;
	s21 =	simm.s32 $0x14100  }
0x10: {  	s6 =	sshll.u32 s6, $0x4;
	s7 =	sadd.s32 $0x4000, s22;
	[dreg:$0x6] =	wrdreg s22  }
0x11: {  	s5 =	sshrl.u32 s5, $0x3;
	s23 =	sadd.s32 $0x8000, s22;
	[dreg:$0x7] =	wrdreg s7  }
0x12: {  	s24 =	sadd.s32 $0xC000, s22;
	s1 =	smax.u32 s1, $0x1;
	[dreg:$0x8] =	wrdreg s23  }
0x13: {  	s6 =	sadd.s32 s6, s0;
	s0 =	sadd.s32 s5, s0;
	[dreg:$0x9] =	wrdreg s24  }
0x14: {  	s5 =	sadd.s32 $0x10000, s22;
	[dreg:$0xc] =	wrdreg s1;
	s22 =	simm.s32 $0x2  }
0x15: {  	s23 =	simm.s32 $0x14480;
	[dreg:$0xa] =	wrdreg s5;
	s0 =	sadd.s32 $0x66A00, s0  }
0x16: {  	s24 =	simm.s32 $0x4;
	s25 =	sadd.s32 $0xCA00, s6;
	[dreg:$0xb] =	wrdreg s0  }
0x17: {  	s1 =	simm.s32 $0x14300;
	s26 =	sadd.s32 $0x2A00, s6;
	[dreg:$0x4] =	wrdreg s25  }
0x18: {  	s7 =	simm.s32 $0x14700;
	s6 =	simm.s32 $0x14380;
	[dreg:$0x5] =	wrdreg s26  }
0x19: {  	v0 =	vimm.f32 $0.0e+00;
	s25 =	simm.s32 $0x14180;
	s26 =	simm.s32 $0x14500;
	s0 =	simm.s32 $0x14680  }
.LBB2_1:
0x1a: {  	s10 =	simm.s32 $0x0;
	s11 =	simm.s32 $0x200  }
.LBB2_2:
0x1b: {  	p0 =	sne.s32 s11, $0xFE00;
	[tilespmem:s10+$0x14870] =	vst v0  }
0x1c: {  	[tilespmem:s10+$0x14800] =	vst v0  }
0x1d: {  	[tilespmem:s10+$0x14810] =	vst v0  }
.Ltmp0:
0x1e: {  	[tilespmem:s10+$0x14820] =	vst v0;
	(pc) =	sbr.rel @p0 .LBB2_2-.Ltmp0, $4  }
0x1f: {  	[tilespmem:s10+$0x14830] =	vst v0  }
0x20: {  	[tilespmem:s10+$0x14840] =	vst v0  }
0x21: {  	[tilespmem:s10+$0x14850] =	vst v0  }
0x22: {  	[tilespmem:s10+$0x14860] =	vst v0;
	s10 =	sshra.s32 s11, $0x2;
	s11 =	sadd.s32 $0x200, s11  }
0x23: {  	[tilespmem:s10+$0x14870] =	vst v0  }
0x24: {  	[tilespmem:s10+$0x14800] =	vst v0  }
0x25: {  	[tilespmem:s10+$0x14810] =	vst v0  }
0x26: {  	[tilespmem:s10+$0x14820] =	vst v0  }
0x27: {  	[tilespmem:s10+$0x14830] =	vst v0  }
0x28: {  	[tilespmem:s10+$0x14840] =	vst v0  }
0x29: {  	[tilespmem:s10+$0x14850] =	vst v0  }
0x2a: {  	[tilespmem:s10+$0x14860] =	vst v0;
	s5 =	rddreg [dreg:$0x6]  }
0x2b: {  	[spmem:s5] =	stream.linear.scatter [tilespmem:s12], [sflag:$0x5], $0x4000, $0x38;
	[tilespmem:$0x1C800] =	vst v63  }
0x2c: {  	_ =	swait.ge [sflag:s13], $0x4000  }
0x2d: {  	[sflag:s13] =	ssyncset.done $0x0  }
0x2e: {  	s10 =	rddreg [dreg:$0x7];
	[sflag:s13] =	ssyncadd.s32 $0xFFFFC000  }
0x2f: {  	[spmem:s10] =	stream.linear.scatter [tilespmem:s12], [sflag:$0x5], $0x4000, $0x38;
	[tilespmem:$0x1C800] =	vst v63  }
0x30: {  	_ =	swait.ge [sflag:s13], $0x4000  }
0x31: {  	[sflag:s13] =	ssyncset.done $0x0  }
0x32: {  	s11 =	rddreg [dreg:$0x8];
	[sflag:s13] =	ssyncadd.s32 $0xFFFFC000  }
0x33: {  	[spmem:s11] =	stream.linear.scatter [tilespmem:s12], [sflag:$0x5], $0x4000, $0x38;
	[tilespmem:$0x1C800] =	vst v63  }
0x34: {  	_ =	swait.ge [sflag:s13], $0x4000  }
0x35: {  	[sflag:s13] =	ssyncset.done $0x0  }
0x36: {  	s10 =	rddreg [dreg:$0x9];
	[sflag:s13] =	ssyncadd.s32 $0xFFFFC000  }
0x37: {  	[spmem:s10] =	stream.linear.scatter [tilespmem:s12], [sflag:$0x5], $0x4000, $0x38;
	[tilespmem:$0x1C800] =	vst v63  }
0x38: {  	_ =	swait.ge [sflag:s13], $0x4000  }
0x39: {  	[sflag:s13] =	ssyncset.done $0x0  }
0x3a: {  	s11 =	rddreg [dreg:$0xa];
	[sflag:s13] =	ssyncadd.s32 $0xFFFFC000  }
0x3b: {  	[spmem:s11] =	stream.linear.scatter [tilespmem:s12], [sflag:$0x5], $0x4000, $0x38;
	[tilespmem:$0x1C800] =	vst v63  }
0x3c: {  	_ =	swait.ge [sflag:s13], $0x4000  }
0x3d: {  	[sflag:s13] =	ssyncset.done $0x0  }
0x3e: {  	[sflag:s13] =	ssyncadd.s32 $0xFFFFC000  }
0x3f: {  	[bflag:$0x0] =	sbarrier.arrive $0xFFFF  }
0x40: {  	s5 =	rddreg [dreg:$0x5]  }
0x41: {  	s10 =	sadd.s32 $0x0, s5  }
0x42: {  	[tilespmem:s14], [sflag:$0x5] =	stream.linear.gather [hbm4b:s10+s4], $0x400, $0x38;
	[tilespmem:$0x1C800] =	vst v63  }
0x43: {  	_ =	swait.ge [sflag:s13], $0x400  }
0x44: {  	s11 =	rddreg [dreg:$0x4];
	[sflag:s13] =	ssyncset.done $0x0  }
0x45: {  	[sflag:s13] =	ssyncadd.s32 $0xFFFFFC00;
	s10 =	sadd.s32 $0x0, s11  }
0x46: {  	[tilespmem:s15], [sflag:$0x5] =	stream.linear.gather [hbm4b:s10+s4], $0x400, $0x38;
	[tilespmem:$0x1C800] =	vst v63  }
0x47: {  	_ =	swait.ge [sflag:s13], $0x400  }
0x48: {  	[sflag:s13] =	ssyncset.done $0x0  }
0x49: {  	[sflag:s13] =	ssyncadd.s32 $0xFFFFFC00  }
0x4a: {  	[tilespmem:s12], [sflag:$0x1] =	stream.indirect.gather [hbm4b:s2+s16], $0x80, s14, s16, $0xb8;
	[tilespmem:$0x1C800] =	vst v63  }
0x4b: {  	_ = 	snop  }
0x4c: {  	[tilespmem:s18], [sflag:$0x2] =	stream.indirect.gather [hbm4b:s2+s16], $0x80, s17, s16, $0xb8;
	[tilespmem:$0x1C800] =	vst v63  }
0x4d: {  	_ =	swait.ge [sflag:s19], $0x4000  }
0x4e: {  	[sflag:s19] =	ssyncset.done $0x0  }
0x4f: {  	[sflag:s19] =	ssyncadd.s32 $0xFFFFC000  }
0x50: {  	[spmem:s3] =	stream.indirect.scatter.add.f32 [tilespmem:s12], [sflag:$0x3], $0x80, s15, s16, $0xb8;
	[tilespmem:$0x1C800] =	vst v63  }
0x51: {  	_ =	swait.ge [sflag:s20], $0x4000  }
0x52: {  	[sflag:s20] =	ssyncset.done $0x0  }
0x53: {  	[sflag:s20] =	ssyncadd.s32 $0xFFFFC000  }
0x54: {  	[tilespmem:s12], [sflag:$0x1] =	stream.indirect.gather [hbm4b:s2+s16], $0x80, s21, s16, $0xb8;
	[tilespmem:$0x1C800] =	vst v63  }
0x55: {  	_ =	swait.ge [sflag:s22], $0x4000  }
0x56: {  	[sflag:s22] =	ssyncset.done $0x0  }
0x57: {  	[sflag:s22] =	ssyncadd.s32 $0xFFFFC000  }
0x58: {  	[spmem:s3] =	stream.indirect.scatter.add.f32 [tilespmem:s18], [sflag:$0x4], $0x80, s23, s16, $0xb8;
	[tilespmem:$0x1C800] =	vst v63  }
0x59: {  	_ =	swait.ge [sflag:s24], $0x4000  }
0x5a: {  	[sflag:s24] =	ssyncset.done $0x0  }
0x5b: {  	[sflag:s24] =	ssyncadd.s32 $0xFFFFC000  }
0x5c: {  	[tilespmem:s18], [sflag:$0x2] =	stream.indirect.gather [hbm4b:s2+s16], $0x80, s25, s16, $0xb8;
	[tilespmem:$0x1C800] =	vst v63  }
0x5d: {  	_ =	swait.ge [sflag:s19], $0x4000  }
0x5e: {  	[sflag:s19] =	ssyncset.done $0x0  }
0x5f: {  	[sflag:s19] =	ssyncadd.s32 $0xFFFFC000  }
0x60: {  	[spmem:s3] =	stream.indirect.scatter.add.f32 [tilespmem:s12], [sflag:$0x3], $0x80, s26, s16, $0xb8;
	[tilespmem:$0x1C800] =	vst v63  }
0x61: {  	_ =	swait.ge [sflag:s20], $0x4000  }
0x62: {  	[sflag:s20] =	ssyncset.done $0x0  }
0x63: {  	[sflag:s20] =	ssyncadd.s32 $0xFFFFC000  }
0x64: {  	[tilespmem:s12], [sflag:$0x1] =	stream.indirect.gather [hbm4b:s2+s16], $0x80, s28, s16, $0xb8;
	[tilespmem:$0x1C800] =	vst v63  }
0x65: {  	_ =	swait.ge [sflag:s22], $0x4000  }
0x66: {  	[sflag:s22] =	ssyncset.done $0x0  }
0x67: {  	[sflag:s22] =	ssyncadd.s32 $0xFFFFC000  }
0x68: {  	[spmem:s3] =	stream.indirect.scatter.add.f32 [tilespmem:s18], [sflag:$0x4], $0x80, s29, s16, $0xb8;
	[tilespmem:$0x1C800] =	vst v63  }
0x69: {  	_ =	swait.ge [sflag:s24], $0x4000  }
0x6a: {  	[sflag:s24] =	ssyncset.done $0x0  }
0x6b: {  	[sflag:s24] =	ssyncadd.s32 $0xFFFFC000  }
0x6c: {  	[tilespmem:s18], [sflag:$0x2] =	stream.indirect.gather [hbm4b:s2+s16], $0x80, s30, s16, $0xb8;
	[tilespmem:$0x1C800] =	vst v63  }
0x6d: {  	_ =	swait.ge [sflag:s19], $0x4000  }
0x6e: {  	[sflag:s19] =	ssyncset.done $0x0  }
0x6f: {  	[sflag:s19] =	ssyncadd.s32 $0xFFFFC000  }
0x70: {  	[spmem:s3] =	stream.indirect.scatter.add.f32 [tilespmem:s12], [sflag:$0x3], $0x80, s31, s16, $0xb8;
	[tilespmem:$0x1C800] =	vst v63  }
0x71: {  	_ =	swait.ge [sflag:s20], $0x4000  }
0x72: {  	[sflag:s20] =	ssyncset.done $0x0  }
0x73: {  	[sflag:s20] =	ssyncadd.s32 $0xFFFFC000  }
0x74: {  	[tilespmem:s12], [sflag:$0x1] =	stream.indirect.gather [hbm4b:s2+s16], $0x80, s1, s16, $0xb8;
	[tilespmem:$0x1C800] =	vst v63  }
0x75: {  	_ =	swait.ge [sflag:s22], $0x4000  }
0x76: {  	[sflag:s22] =	ssyncset.done $0x0  }
0x77: {  	[sflag:s22] =	ssyncadd.s32 $0xFFFFC000  }
0x78: {  	[spmem:s3] =	stream.indirect.scatter.add.f32 [tilespmem:s18], [sflag:$0x4], $0x80, s0, s16, $0xb8;
	[tilespmem:$0x1C800] =	vst v63  }
0x79: {  	_ =	swait.ge [sflag:s24], $0x4000  }
0x7a: {  	[sflag:s24] =	ssyncset.done $0x0  }
0x7b: {  	[sflag:s24] =	ssyncadd.s32 $0xFFFFC000  }
0x7c: {  	[tilespmem:s18], [sflag:$0x2] =	stream.indirect.gather [hbm4b:s2+s16], $0x80, s6, s16, $0xb8;
	[tilespmem:$0x1C800] =	vst v63  }
0x7d: {  	_ =	swait.ge [sflag:s19], $0x4000  }
0x7e: {  	[sflag:s19] =	ssyncset.done $0x0  }
0x7f: {  	[sflag:s19] =	ssyncadd.s32 $0xFFFFC000  }
0x80: {  	[spmem:s3] =	stream.indirect.scatter.add.f32 [tilespmem:s12], [sflag:$0x3], $0x80, s7, s16, $0xb8;
	[tilespmem:$0x1C800] =	vst v63  }
0x81: {  	_ =	swait.ge [sflag:s22], $0x4000  }
0x82: {  	[sflag:s22] =	ssyncset.done $0x0  }
0x83: {  	[sflag:s22] =	ssyncadd.s32 $0xFFFFC000  }
0x84: {  	[spmem:s3] =	stream.indirect.scatter.add.f32 [tilespmem:s18], [sflag:$0x4], $0x80, s8, s16, $0xb8;
	[tilespmem:$0x1C800] =	vst v63  }
0x85: {  	_ =	swait.ge [sflag:s20], $0x4000  }
0x86: {  	[sflag:s20] =	ssyncset.done $0x0  }
0x87: {  	[sflag:s20] =	ssyncadd.s32 $0xFFFFC000  }
0x88: {  	_ =	swait.ge [sflag:s24], $0x4000  }
0x89: {  	s10 =	simm.s32 $0x80;
	[sflag:s24] =	ssyncset.done $0x0  }
.LBB2_4:
0x8a: {  	s11 =	rddreg [dreg:$0x5];
	s5 =	smov.u32 s10  }
0x8b: {  	[sflag:s24] =	ssyncadd.s32 $0xFFFFC000;
	s11 =	sadd.s32 s5, s11  }
0x8c: {  	[tilespmem:s14], [sflag:$0x5] =	stream.linear.gather [hbm4b:s11+s4], $0x400, $0x38;
	[tilespmem:$0x1C800] =	vst v63  }
0x8d: {  	_ =	swait.ge [sflag:s13], $0x400  }
0x8e: {  	s11 =	rddreg [dreg:$0x4];
	[sflag:s13] =	ssyncset.done $0x0  }
0x8f: {  	[sflag:s13] =	ssyncadd.s32 $0xFFFFFC00;
	s5 =	sadd.s32 s5, s11  }
0x90: {  	[tilespmem:s15], [sflag:$0x5] =	stream.linear.gather [hbm4b:s5+s4], $0x400, $0x38;
	[tilespmem:$0x1C800] =	vst v63  }
0x91: {  	_ =	swait.ge [sflag:s13], $0x400  }
0x92: {  	[sflag:s13] =	ssyncset.done $0x0  }
0x93: {  	[sflag:s13] =	ssyncadd.s32 $0xFFFFFC00  }
0x94: {  	[tilespmem:s12], [sflag:$0x1] =	stream.indirect.gather [hbm4b:s2+s16], $0x80, s14, s16, $0xb8;
	[tilespmem:$0x1C800] =	vst v63  }
0x95: {  	_ = 	snop  }
0x96: {  	[tilespmem:s18], [sflag:$0x2] =	stream.indirect.gather [hbm4b:s2+s16], $0x80, s17, s16, $0xb8;
	[tilespmem:$0x1C800] =	vst v63  }
0x97: {  	_ =	swait.ge [sflag:s19], $0x4000  }
0x98: {  	[sflag:s19] =	ssyncset.done $0x0  }
0x99: {  	[sflag:s19] =	ssyncadd.s32 $0xFFFFC000  }
0x9a: {  	[spmem:s3] =	stream.indirect.scatter.add.f32 [tilespmem:s12], [sflag:$0x3], $0x80, s15, s16, $0xb8;
	[tilespmem:$0x1C800] =	vst v63  }
0x9b: {  	_ =	swait.ge [sflag:s20], $0x4000  }
0x9c: {  	[sflag:s20] =	ssyncset.done $0x0  }
0x9d: {  	[sflag:s20] =	ssyncadd.s32 $0xFFFFC000  }
0x9e: {  	[tilespmem:s12], [sflag:$0x1] =	stream.indirect.gather [hbm4b:s2+s16], $0x80, s21, s16, $0xb8;
	[tilespmem:$0x1C800] =	vst v63  }
0x9f: {  	_ =	swait.ge [sflag:s22], $0x4000  }
0xa0: {  	[sflag:s22] =	ssyncset.done $0x0  }
0xa1: {  	[sflag:s22] =	ssyncadd.s32 $0xFFFFC000  }
0xa2: {  	[spmem:s3] =	stream.indirect.scatter.add.f32 [tilespmem:s18], [sflag:$0x4], $0x80, s23, s16, $0xb8;
	[tilespmem:$0x1C800] =	vst v63  }
0xa3: {  	_ =	swait.ge [sflag:s24], $0x4000  }
0xa4: {  	[sflag:s24] =	ssyncset.done $0x0  }
0xa5: {  	[sflag:s24] =	ssyncadd.s32 $0xFFFFC000  }
0xa6: {  	[tilespmem:s18], [sflag:$0x2] =	stream.indirect.gather [hbm4b:s2+s16], $0x80, s25, s16, $0xb8;
	[tilespmem:$0x1C800] =	vst v63  }
0xa7: {  	_ =	swait.ge [sflag:s19], $0x4000  }
0xa8: {  	[sflag:s19] =	ssyncset.done $0x0  }
0xa9: {  	[sflag:s19] =	ssyncadd.s32 $0xFFFFC000  }
0xaa: {  	[spmem:s3] =	stream.indirect.scatter.add.f32 [tilespmem:s12], [sflag:$0x3], $0x80, s26, s16, $0xb8;
	[tilespmem:$0x1C800] =	vst v63  }
0xab: {  	_ =	swait.ge [sflag:s20], $0x4000  }
0xac: {  	[sflag:s20] =	ssyncset.done $0x0  }
0xad: {  	[sflag:s20] =	ssyncadd.s32 $0xFFFFC000  }
0xae: {  	[tilespmem:s12], [sflag:$0x1] =	stream.indirect.gather [hbm4b:s2+s16], $0x80, s28, s16, $0xb8;
	[tilespmem:$0x1C800] =	vst v63  }
0xaf: {  	_ =	swait.ge [sflag:s22], $0x4000  }
0xb0: {  	[sflag:s22] =	ssyncset.done $0x0  }
0xb1: {  	[sflag:s22] =	ssyncadd.s32 $0xFFFFC000  }
0xb2: {  	[spmem:s3] =	stream.indirect.scatter.add.f32 [tilespmem:s18], [sflag:$0x4], $0x80, s29, s16, $0xb8;
	[tilespmem:$0x1C800] =	vst v63  }
0xb3: {  	_ =	swait.ge [sflag:s24], $0x4000  }
0xb4: {  	[sflag:s24] =	ssyncset.done $0x0  }
0xb5: {  	[sflag:s24] =	ssyncadd.s32 $0xFFFFC000  }
0xb6: {  	[tilespmem:s18], [sflag:$0x2] =	stream.indirect.gather [hbm4b:s2+s16], $0x80, s30, s16, $0xb8;
	[tilespmem:$0x1C800] =	vst v63  }
0xb7: {  	_ =	swait.ge [sflag:s19], $0x4000  }
0xb8: {  	[sflag:s19] =	ssyncset.done $0x0  }
0xb9: {  	[sflag:s19] =	ssyncadd.s32 $0xFFFFC000  }
0xba: {  	[spmem:s3] =	stream.indirect.scatter.add.f32 [tilespmem:s12], [sflag:$0x3], $0x80, s31, s16, $0xb8;
	[tilespmem:$0x1C800] =	vst v63  }
0xbb: {  	_ =	swait.ge [sflag:s20], $0x4000  }
0xbc: {  	[sflag:s20] =	ssyncset.done $0x0  }
0xbd: {  	[sflag:s20] =	ssyncadd.s32 $0xFFFFC000  }
0xbe: {  	[tilespmem:s12], [sflag:$0x1] =	stream.indirect.gather [hbm4b:s2+s16], $0x80, s1, s16, $0xb8;
	[tilespmem:$0x1C800] =	vst v63  }
0xbf: {  	_ =	swait.ge [sflag:s22], $0x4000  }
0xc0: {  	[sflag:s22] =	ssyncset.done $0x0  }
0xc1: {  	[sflag:s22] =	ssyncadd.s32 $0xFFFFC000  }
0xc2: {  	[spmem:s3] =	stream.indirect.scatter.add.f32 [tilespmem:s18], [sflag:$0x4], $0x80, s0, s16, $0xb8;
	[tilespmem:$0x1C800] =	vst v63  }
0xc3: {  	_ =	swait.ge [sflag:s24], $0x4000  }
0xc4: {  	[sflag:s24] =	ssyncset.done $0x0  }
0xc5: {  	[sflag:s24] =	ssyncadd.s32 $0xFFFFC000  }
0xc6: {  	[tilespmem:s18], [sflag:$0x2] =	stream.indirect.gather [hbm4b:s2+s16], $0x80, s6, s16, $0xb8;
	[tilespmem:$0x1C800] =	vst v63  }
0xc7: {  	_ =	swait.ge [sflag:s19], $0x4000  }
0xc8: {  	[sflag:s19] =	ssyncset.done $0x0  }
0xc9: {  	[sflag:s19] =	ssyncadd.s32 $0xFFFFC000  }
0xca: {  	[spmem:s3] =	stream.indirect.scatter.add.f32 [tilespmem:s12], [sflag:$0x3], $0x80, s7, s16, $0xb8;
	[tilespmem:$0x1C800] =	vst v63  }
0xcb: {  	_ =	swait.ge [sflag:s22], $0x4000  }
0xcc: {  	[sflag:s22] =	ssyncset.done $0x0  }
0xcd: {  	p0 =	sne.s32 s10, $0x480;
	[sflag:s22] =	ssyncadd.s32 $0xFFFFC000  }
0xce: {  	[spmem:s3] =	stream.indirect.scatter.add.f32 [tilespmem:s18], [sflag:$0x4], $0x80, s8, s16, $0xb8;
	[tilespmem:$0x1C800] =	vst v63  }
.Ltmp1:
0xcf: {  	_ =	swait.ge [sflag:s20], $0x4000;
	(pc) =	sbr.rel @p0 .LBB2_4-.Ltmp1, $4  }
0xd0: {  	[sflag:s20] =	ssyncset.done $0x0  }
0xd1: {  	[sflag:s20] =	ssyncadd.s32 $0xFFFFC000  }
0xd2: {  	_ =	swait.ge [sflag:s24], $0x4000  }
0xd3: {  	s10 =	sadd.s32 $0x80, s10;
	[sflag:s24] =	ssyncset.done $0x0  }
0xd4: {  	[sflag:s24] =	ssyncadd.s32 $0xFFFFC000  }
0xd5: {  	s5 =	stileid.u32;
	[bflag:$0x0] =	sbarrier.arrive $0xFFFF  }
0xd6: {  	s5 =	sshll.u32 s5, $0x6;
	s10 =	rddreg [dreg:$0x6]  }
0xd7: {  	s5 =	sor.u32 $0x1C05, s5;
	s11 =	rddreg [dreg:$0xb];
	s10 =	sshrl.u32 s10, $0x3  }
0xd8: {  	[hbm:s11], [sflag:s5] =	dma.local [spmem:s10], $0x2800  }
0xd9: {  	_ =	swait.ge [sflag:s13], $0x2800  }
0xda: {  	s9 =	sadd.s32 $0x1, s9;
	s11 =	rddreg [dreg:$0xc]  }
0xdb: {  	p0 =	sne.s32 s9, s11  }
.Ltmp2:
0xdc: {  	_ = 	snop;
	(pc) =	sbr.rel @p0 .LBB2_1-.Ltmp2, $3  }
0xdd: {  	_ =	sdelay $0x1  }
0xde: {  	[sflag:s13] =	ssyncset.done $0x0  }
0xdf: {  	[sflag:s13] =	ssyncadd.s32 $0xFFFFD800  }
0xe0: {  	_ =	sfence.sel $0x180000  }
0xe1: {  	[bflag:$0x0] =	sbarrier.arrive $0xFFFF  }
0xe2: {  	_ =	strace $0x9000004D  }
0xe3: {  	s0 =	stileid.u32;
	[bflag:$0x2] =	sbarrier.arrive $0xFFFF  }
0xe4: {  	p0 =	sne.s32 s0, $0x0;
	s0 =	rddreg [dreg:$0x3]  }
0xe5: {  	s0 =	sadd.s32 @!p0 $0x100000, s0  }
0xe6: {  	[sflag:s0] =	ssyncadd.tile.s32 @!p0 $0x1;
	_ =	shalt  }
.Lfunc_end2:
_tile_overlayer_lowered:
.L_overlay_start_2:
0xe7: {  	(tag) =	ssettag $0x2  }
0xe8: {  	s0 =	rddreg [dreg:$0x0];
	s2 =	stileid.u32  }
0xe9: {  	s1 =	rddreg [dreg:$0x1];
	p0 =	sne.s32 s2, $0x0  }
0xea: {  	s3 =	rddreg [dreg:$0x2];
	[bflag:$0x3] =	sbarrier.arrive $0xFFFF;
	s2 =	simm.s32 @!p0 $0x1C05  }
0xeb: {  	[timem:s3], [sflag:s2] =	dma.local @!p0 [hbm:s0], s1  }
0xec: {  	s0 =	simm.s32 @!p0 $0x5  }
0xed: {  	_ =	swait.ge @!p0 [sflag:s0], s1  }
0xee: {  	s1 =	ssub.s32 @!p0 $0x0, s1;
	[sflag:s0] =	ssyncset.done @!p0 $0x0  }
0xef: {  	[sflag:s0] =	ssyncadd.s32 @!p0 s1  }
0xf0: {  	[bflag:$0x3] =	sbarrier.arrive $0xFFFF  }
0xf1: {  	_ =	shalt  }

// kernel: kernel.8.cloned.1.call-start
scs
__scs_entry_jumppad:
0x0: {  	(pc) =	sbr.rel $0x88, $3  }
0x1: {  	(tag) =	ssettag $0x0;
	lr =	simm.s32 $0x1  }
0x2: {  	[smem:$0x3F9B] =	sst lr;
	_ =	strace $0xD0000000  }
0x3: {  	_ = 	snop  }
0x4: {  	_ = 	snop  }
0x5: {  	_ = 	snop  }
0x6: {  	_ = 	snop  }
0x7: {  	_ = 	snop  }
__scs_overlays_trampoline_lowered:
0x8: {  	[smem:$0x3FAA] =	sst s0  }
0x9: {  	[smem:$0x3FAB] =	sst s1  }
0xa: {  	[smem:$0x3FAC] =	sst s2  }
0xb: {  	[smem:$0x3FAD] =	sst s3  }
0xc: {  	[smem:$0x3FAE] =	sst s4  }
0xd: {  	[smem:$0x3FAF] =	sst s5  }
0xe: {  	[smem:$0x3FB0] =	sst s6  }
0xf: {  	[smem:$0x3FB1] =	sst s7  }
0x10: {  	[smem:$0x3FB2] =	sst s8  }
0x11: {  	[smem:$0x3FB3] =	sst s9;
	s0 =	simm.s32 @!p0 $0x0  }
0x12: {  	s1 =	sld [smem:$0x3F99];
	s0 =	simm.s32 @p0 $0x1  }
0x13: {  	[smem:$0x3FB4] =	sst s0;
	s0 =	simm.s32 @!p1 $0x0  }
0x14: {  	s2 =	sld [smem:$0x3F98];
	s0 =	simm.s32 @p1 $0x1  }
0x15: {  	[smem:$0x3FB5] =	sst s0;
	s0 =	simm.s32 @!p2 $0x0  }
0x16: {  	s3 =	sld [smem:$0x3FDB];
	s0 =	simm.s32 @p2 $0x1  }
0x17: {  	s4 =	simm.s32 $0x1BF5;
	[smem:$0x3FB7] =	sst s0  }
0x18: {  	s0 =	sld [smem:$0x3F9A];
	_ =	swait.ge [sflag:s4], $0x0  }
0x19: {  	s7 =	sld [smem:$0x3F9B]  }
0x1a: {  	s8 =	sadd.s32 $0xFFFFE003, lr  }
0x1b: {  	s9 =	sadd.s32 $0xFFFFFEF7, lr;
	s5 =	simm.s32 $0xFFFFFFFF;
	p2 =	slt.u32 s8, $0xFFFFF086  }
0x1c: {  	p1 =	slt.u32 s9, $0xF7A;
	s5 =	simm.s32 @!p2 $0x0  }
0x1d: {  	s5 =	simm.s32 @p1 $0x1;
	p0 =	seq.s32 s7, s2  }
0x1e: {  	s7 =	smul.u32 @!p0 $0xF7A, s2;
	p2 =	seq.s32 @!p0 s5, $0x0  }
0x1f: {  	s9 =	smul.u32 $0xF7A, s1;
	s8 =	simm.s32 @!p0 $0x1BF5;
	p2 =	por !p2, p0  }
0x20: {  	[sflag:s8] =	ssyncset.s32 @!p0 $0xFFFFF086;
	s6 =	sadd.s32 @!p0 s3, s7;
	s7 =	simm.s32 @!p0 $0x108  }
0x21: {  	s3 =	sadd.s32 s3, s9;
	s6 =	sadd.s32 @!p0 $0x88, s6;
	s7 =	simm.s32 @p2 $0x1082  }
0x22: {  	[simem:s7], [sflag:s8] =	dma.local @!p0 [hbm:s6], $0xF7A  }
0x23: {  	s9 =	sor.u32 $0xD0000000, s2;
	s6 =	simm.s32 $0x108;
	_ =	swait.ge @!p0 [sflag:s8], $0x0  }
0x24: {  	s3 =	sadd.s32 $0x88, s3;
	s6 =	simm.s32 @!p1 $0x1082;
	[sflag:s4] =	ssyncset.s32 $0xFFFFF086  }
0x25: {  	[simem:s6], [sflag:s4] =	dma.local [hbm:s3], $0xF7A  }
0x26: {  	[smem:$0x3F9B] =	sst s1;
	(tag) =	ssettag s2;
	_ =	strace s9  }
0x27: {  	s1 =	sld [smem:$0x3FAB]  }
0x28: {  	s2 =	sld [smem:$0x3FAC]  }
0x29: {  	s4 =	sld [smem:$0x3FAE]  }
0x2a: {  	p0 =	seq.s32 s5, $0x0;
	s5 =	sld [smem:$0x3FAF]  }
0x2b: {  	s6 =	sld [smem:$0x3FB0]  }
0x2c: {  	s7 =	sld [smem:$0x3FB1]  }
0x2d: {  	s3 =	simm.s32 $0x108;
	s8 =	sld [smem:$0x3FB2]  }
0x2e: {  	s3 =	simm.s32 @!p0 $0x1082;
	s9 =	sld [smem:$0x3FB3]  }
0x2f: {  	lr =	sadd.s32 s0, s3;
	s0 =	sld [smem:$0x3FAA]  }
0x30: {  	s3 =	sld [smem:$0x3FAD]  }
0x31: {  	[smem:$0x3FB6] =	sst s10  }
0x32: {  	s10 =	sld [smem:$0x3FB4];
	_ =	sdelay $0x3  }
0x33: {  	p0 =	seq.s32 s10, $0x1;
	s10 =	sld [smem:$0x3FB6];
	_ =	sdelay $0x3  }
0x34: {  	[smem:$0x3FB6] =	sst s10  }
0x35: {  	s10 =	sld [smem:$0x3FB5];
	_ =	sdelay $0x3  }
0x36: {  	p1 =	seq.s32 s10, $0x1;
	s10 =	sld [smem:$0x3FB6];
	_ =	sdelay $0x3  }
0x37: {  	[smem:$0x3FB6] =	sst s10  }
0x38: {  	s10 =	sld [smem:$0x3FB7]  }
0x39: {  	_ = 	snop;
	(pc) =	sbr.ind lr, $3  }
0x3a: {  	_ = 	snop  }
0x3b: {  	_ = 	snop  }
0x3c: {  	p2 =	seq.s32 s10, $0x1;
	s10 =	sld [smem:$0x3FB6]  }
0x3d: {  	_ =	shalt  }
0x3e: {  	_ =	shalt  }
0x3f: {  	_ =	shalt  }
0x40: {  	_ =	shalt  }
0x41: {  	_ =	shalt  }
0x42: {  	_ =	shalt  }
0x43: {  	_ =	shalt  }
0x44: {  	_ =	shalt  }
0x45: {  	_ =	shalt  }
0x46: {  	_ =	shalt  }
0x47: {  	_ =	shalt  }
0x48: {  	_ =	shalt  }
0x49: {  	_ =	shalt  }
0x4a: {  	_ =	shalt  }
0x4b: {  	_ =	shalt  }
0x4c: {  	_ =	shalt  }
0x4d: {  	_ =	shalt  }
0x4e: {  	_ =	shalt  }
0x4f: {  	_ =	shalt  }
0x50: {  	_ =	shalt  }
0x51: {  	_ =	shalt  }
0x52: {  	_ =	shalt  }
0x53: {  	_ =	shalt  }
0x54: {  	_ =	shalt  }
0x55: {  	_ =	shalt  }
0x56: {  	_ =	shalt  }
0x57: {  	_ =	shalt  }
0x58: {  	_ =	shalt  }
0x59: {  	_ =	shalt  }
0x5a: {  	_ =	shalt  }
0x5b: {  	_ =	shalt  }
0x5c: {  	_ =	shalt  }
0x5d: {  	_ =	shalt  }
0x5e: {  	_ =	shalt  }
0x5f: {  	_ =	shalt  }
0x60: {  	_ =	shalt  }
0x61: {  	_ =	shalt  }
0x62: {  	_ =	shalt  }
0x63: {  	_ =	shalt  }
0x64: {  	_ =	shalt  }
0x65: {  	_ =	shalt  }
0x66: {  	_ =	shalt  }
0x67: {  	_ =	shalt  }
0x68: {  	_ =	shalt  }
0x69: {  	_ =	shalt  }
0x6a: {  	_ =	shalt  }
0x6b: {  	_ =	shalt  }
0x6c: {  	_ =	shalt  }
0x6d: {  	_ =	shalt  }
0x6e: {  	_ =	shalt  }
0x6f: {  	_ =	shalt  }
0x70: {  	_ =	shalt  }
0x71: {  	_ =	shalt  }
0x72: {  	_ =	shalt  }
0x73: {  	_ =	shalt  }
0x74: {  	_ =	shalt  }
0x75: {  	_ =	shalt  }
0x76: {  	_ =	shalt  }
0x77: {  	_ =	shalt  }
0x78: {  	_ =	shalt  }
0x79: {  	_ =	shalt  }
0x7a: {  	_ =	shalt  }
0x7b: {  	_ =	shalt  }
0x7c: {  	_ =	shalt  }
0x7d: {  	_ =	shalt  }
0x7e: {  	_ =	shalt  }
0x7f: {  	_ =	shalt  }
0x80: {  	_ =	shalt  }
0x81: {  	_ =	shalt  }
0x82: {  	_ =	shalt  }
0x83: {  	_ =	shalt  }
0x84: {  	_ =	shalt  }
0x85: {  	_ =	shalt  }
0x86: {  	_ =	shalt  }
0x87: {  	_ =	shalt  }
.Lfunc_end0:
.L_simem_size_0:
called_computation_lowered:
.L_overlay_start_0:
0x88: {  	s2 =	sld [smem:$0x3FD9]  }
0x89: {  	s3 =	sld [smem:$0x3FFE];
	_ =	sdelay $0x1  }
0x8a: {  	s1 =	srdreg.scid  }
0x8b: {  	s0 =	sand.u32 $0x1, s1  }
0x8c: {  	s16 =	sshll.u32 s0, $0xA;
	s2 =	sadd.s32 s3, s2  }
0x8d: {  	s2 =	sadd.s32 s2, s16  }
0x8e: {  	[smem:$0x3FC2] =	sst s2  }
0x8f: {  	_ = 	snop  }
0x90: {  	(tm) =	ssettm $0x1  }
0x91: {  	s17 =	sld [smem:$0x3FFB];
	_ =	sdelay $0x3  }
0x92: {  	_ =	strace s17  }
0x93: {  	s2 =	sld [smem:$0x3FFC];
	_ =	sdelay $0x3  }
0x94: {  	_ =	strace s2  }
0x95: {  	s2 =	sld [smem:$0x3FFD];
	_ =	sdelay $0x3  }
0x96: {  	_ =	strace s2  }
0x97: {  	_ =	strace $0x8FFFFFFF  }
0x98: {  	s18 =	sld [smem:$0x3FDB];
	_ =	sdelay $0x1  }
0x99: {  	s19 =	simm.s32 $_scs_section_size  }
0x9a: {  	s4 =	simm.s32 $_size__tile_overlayer_lowered;
	s5 =	simm.s32 $_tile_overlayer_lowered  }
0x9b: {  	s22 =	simm.s32 $0x1BFF;
	s21 =	sshll.u32 s5, $0x1;
	s2 =	sadd.s32 s19, s18  }
0x9c: {  	s6 =	simm.s32 $0x0;
	s20 =	sshll.u32 s4, $0x1;
	s4 =	sadd.s32 s21, s2  }
0x9d: {  	[timem:s6], [sflag:s22] =	dma.local [hbm:s4], s20  }
0x9e: {  	_ =	swait.ge [sflag:s22], s20  }
0x9f: {  	s3 =	ssub.s32 $0x0, s20;
	[sflag:s22] =	ssyncset.done $0x0  }
0xa0: {  	[sflag:s22] =	ssyncadd.s32 s3;
	_ =	sdelay $0x1  }
0xa1: {  	s23 =	simm.s32 $0x1B8B  }
0xa2: {  	_ =	swait.ge [sflag:s23], $0x1  }
0xa3: {  	[sflag:s23] =	ssyncset.done $0x0  }
0xa4: {  	s25 =	simm.s32 $0x1B8E;
	s24 =	sld [smem:$0x3FFE];
	[sflag:s23] =	ssyncadd.s32 $0xFFFFFFFF  }
0xa5: {  	s26 =	simm.s32 $execute0_lowered;
	[smem:$0x3FD2] =	sst s25  }
0xa6: {  	s4 =	sshll.u32 s26, $0x1;
	_ =	strace $0x80000046;
	[dreg:$0x1] =	wrdreg $0xFFFFFFFF  }
0xa7: {  	s28 =	simm.s32 $_size_execute0_lowered;
	s2 =	sadd.s32 s2, s4;
	[dreg:$0x0] =	wrdreg $0x0  }
0xa8: {  	s4 =	sshll.u32 s28, $0x1;
	[dreg:$0x2] =	wrdreg s2  }
0xa9: {  	[dreg:$0x3] =	wrdreg s4  }
0xaa: {  	[dreg:$0x4] =	wrdreg $0xC0  }
0xab: {  	_ =	task [dreg:s6], $0x5FFFF  }
0xac: {  	[dreg:$0x1] =	wrdreg $0xFFFFFFFF  }
0xad: {  	[dreg:$0x0] =	wrdreg $0x60  }
0xae: {  	[dreg:$0x2] =	wrdreg s24  }
0xaf: {  	[dreg:$0x3] =	wrdreg $0x0  }
0xb0: {  	[dreg:$0x4] =	wrdreg $0x9  }
0xb1: {  	_ =	task.clear_ibuf [dreg:s6], $0x5FFFF;
	_ =	strace $0x90000046  }
0xb2: {  	s29 =	simm.s32 $0x9;
	_ =	strace $0x80000048  }
0xb3: {  	_ =	swait.ge [sflag:s29], $0x1  }
0xb4: {  	[sflag:s29] =	ssyncadd.s32 $0xFFFFFFFF  }
0xb5: {  	_ =	strace $0x90000048  }
0xb6: {  	_ =	sfence  }
0xb7: {  	s30 =	sld [smem:$0x0];
	_ =	sdelay $0x2  }
0xb8: {  	s31 =	sshll.u32 s1, $0xD;
	s1 =	sshrl.u32 s1, $0x2  }
0xb9: {  	s3 =	sand.u32 $0x4000, s31;
	s1 =	sadd.s32 s1, s30  }
0xba: {  	s0 =	sor.u32 s3, s0;
	s1 =	sshll.u32 s1, $0x11  }
0xbb: {  	s0 =	sor.u32 s1, s0  }
0xbc: {  	s0 =	sadd.s32 $0x8F2B, s0  }
0xbd: {  	[sflag:s0] =	ssyncadd.remote.s32 $0x1  }
0xbe: {  	_ =	sfence.sel $0xFFFF  }
0xbf: {  	[dreg:$0x0] =	wrdreg $0xFFFFFFFF;
	(pc) =	sbr.abs _section_cstart, $3  }
0xc0: {  	[dreg:$0x1] =	wrdreg $0xFFFFFFFF  }
0xc1: {  	_ =	task.clear_ibuf [dreg:s6], $0x2FFFF;
	_ =	strace $0x9FFFFFFF  }
0xc2: {  	(tm) =	ssettm $0x7FFFFFFF  }
0xc3: {  	_ =	shalt  }
tec
execute0_lowered:
.L_overlay_start_1:
0x0: {  	(tag) =	ssettag $0x1  }
0x1: {  	s4 =	rddreg [dreg:$0x0];
	s0 =	srdreg.scid  }
0x2: {  	s2 =	rddreg [dreg:$0x1];
	s1 =	stileid.u32;
	s3 =	simm.s32 $0x0  }
0x3: {  	s13 =	simm.s32 $0x2;
	s14 =	simm.s32 $0x2800;
	s15 =	simm.s32 $0x80  }
0x4: {  	s16 =	simm.s32 $0x2880;
	s17 =	simm.s32 $0x2900;
	s18 =	simm.s32 $0x2980  }
0x5: {  	s19 =	simm.s32 $0x2A00;
	s20 =	simm.s32 $0x2A80;
	s7 =	smul.u32 $0x14000, s1  }
0x6: {  	s21 =	simm.s32 $0x2B00;
	s22 =	simm.s32 $0x2B80;
	s29 =	smul.u32 $0x50000, s1  }
0x7: {  	s23 =	simm.s32 $0x1;
	s5 =	sand.u32 $0x1, s0;
	s12 =	smul.u32 $0x500, s1  }
0x8: {  	s24 =	simm.s32 $0x0;
	s0 =	rddreg [dreg:$0x2];
	s6 =	smul.u32 $0x140000, s5  }
0x9: {  	[smem:$0x7FF] =	sst s3;
	s8 =	smul.u32 $0x5000, s5;
	s5 =	ssub.s32 $0x2, s5  }
0xa: {  	_ =	strace $0x80000047;
	s30 =	sshrl.u32 s5, $0x1;
	s31 =	sshrl.u32 s29, $0x2  }
0xb: {  	s6 =	sadd.s32 s7, s6;
	s10 =	sadd.s32 s8, s4;
	s11 =	ssub.s32 s5, s30  }
0xc: {  	s6 =	sshrl.u32 s6, $0x3;
	s12 =	sadd.s32 s12, s10;
	s10 =	smax.u32 s11, $0x1  }
0xd: {  	s9 =	sadd.s32 s6, s4;
	s4 =	sadd.s32 s31, s2;
	s11 =	sadd.s32 $0xCA00, s12  }
0xe: {  	s12 =	simm.s32 $0x2C00;
	s5 =	sadd.s32 $0x4000, s4;
	s6 =	sadd.s32 $0x8000, s4  }
0xf: {  	v0 =	vimm.f32 $0.0e+00;
	v1 =	vimm.f32 $1.000000000e+00;
	s7 =	sadd.s32 $0xC000, s4;
	s8 =	sadd.s32 $0x10000, s4;
	s9 =	sadd.s32 $0x16A00, s9  }
.LBB2_1:
0x10: {  	s25 =	simm.s32 $0x200;
	s26 =	simm.s32 $0x0  }
.LBB2_2:
0x11: {  	p0 =	sne.s32 s25, $0xFE00;
	[tilespmem:s26+$0x2C00] =	vst v0;
	s26 =	smov.u32 s25;
	s25 =	sadd.s32 $0x200, s25  }
.Ltmp0:
0x12: {  	(pc) =	sbr.rel @p0 .LBB2_2-.Ltmp0, $2  }
0x13: {  	_ =	sdelay $0x2  }
0x14: {  	s26 =	sshra.s32 s26, $0x2  }
0x15: {  	[tilespmem:s26+$0x2C00] =	vst v0  }
0x16: {  	[spmem:s4] =	stream.linear.scatter [tilespmem:s12], [sflag:$0x2], $0x4000, $0x38;
	[tilespmem:$0x6C00] =	vst v63  }
0x17: {  	_ =	swait.ge [sflag:s13], $0x4000  }
0x18: {  	[sflag:s13] =	ssyncset.done $0x0  }
0x19: {  	[sflag:s13] =	ssyncadd.s32 $0xFFFFC000  }
0x1a: {  	[spmem:s5] =	stream.linear.scatter [tilespmem:s12], [sflag:$0x2], $0x4000, $0x38;
	[tilespmem:$0x6C00] =	vst v63  }
0x1b: {  	_ =	swait.ge [sflag:s13], $0x4000  }
0x1c: {  	[sflag:s13] =	ssyncset.done $0x0  }
0x1d: {  	[sflag:s13] =	ssyncadd.s32 $0xFFFFC000  }
0x1e: {  	[spmem:s6] =	stream.linear.scatter [tilespmem:s12], [sflag:$0x2], $0x4000, $0x38;
	[tilespmem:$0x6C00] =	vst v63  }
0x1f: {  	_ =	swait.ge [sflag:s13], $0x4000  }
0x20: {  	[sflag:s13] =	ssyncset.done $0x0  }
0x21: {  	[sflag:s13] =	ssyncadd.s32 $0xFFFFC000  }
0x22: {  	[spmem:s7] =	stream.linear.scatter [tilespmem:s12], [sflag:$0x2], $0x4000, $0x38;
	[tilespmem:$0x6C00] =	vst v63  }
0x23: {  	_ =	swait.ge [sflag:s13], $0x4000  }
0x24: {  	[sflag:s13] =	ssyncset.done $0x0  }
0x25: {  	[sflag:s13] =	ssyncadd.s32 $0xFFFFC000  }
0x26: {  	[spmem:s8] =	stream.linear.scatter [tilespmem:s12], [sflag:$0x2], $0x4000, $0x38;
	[tilespmem:$0x6C00] =	vst v63  }
0x27: {  	_ =	swait.ge [sflag:s13], $0x4000  }
0x28: {  	[sflag:s13] =	ssyncset.done $0x0  }
0x29: {  	s25 =	simm.s32 $0x200;
	s26 =	simm.s32 $0x0;
	[sflag:s13] =	ssyncadd.s32 $0xFFFFC000  }
.LBB2_4:
0x2a: {  	p0 =	sne.s32 s25, $0xFE00;
	[tilespmem:s26+$0x2C00] =	vst v1;
	s26 =	smov.u32 s25;
	s25 =	sadd.s32 $0x200, s25  }
.Ltmp1:
0x2b: {  	(pc) =	sbr.rel @p0 .LBB2_4-.Ltmp1, $2  }
0x2c: {  	_ =	sdelay $0x2  }
0x2d: {  	s26 =	sshra.s32 s26, $0x2  }
0x2e: {  	[tilespmem:s26+$0x2C00] =	vst v1  }
0x2f: {  	s25 =	sadd.s32 $0x0, s11;
	[bflag:$0x0] =	sbarrier.arrive $0xFFFF  }
0x30: {  	[tilespmem:s14], [sflag:$0x2] =	stream.linear.gather [hbm4b:s25+s3], $0x400, $0x38;
	[tilespmem:$0x6C00] =	vst v63  }
0x31: {  	_ =	swait.ge [sflag:s13], $0x400  }
0x32: {  	[sflag:s13] =	ssyncset.done $0x0  }
0x33: {  	[sflag:s13] =	ssyncadd.s32 $0xFFFFFC00  }
0x34: {  	[spmem:s2] =	stream.indirect.scatter.add.f32 [tilespmem:s12], [sflag:$0x1], $0x10, s14, s15, $0xb8;
	[tilespmem:$0x6C00] =	vst v63  }
0x35: {  	_ = 	snop  }
0x36: {  	[spmem:s2] =	stream.indirect.scatter.add.f32 [tilespmem:s12], [sflag:$0x1], $0x10, s16, s15, $0xb8;
	[tilespmem:$0x6C00] =	vst v63  }
0x37: {  	_ = 	snop  }
0x38: {  	[spmem:s2] =	stream.indirect.scatter.add.f32 [tilespmem:s12], [sflag:$0x1], $0x10, s17, s15, $0xb8;
	[tilespmem:$0x6C00] =	vst v63  }
0x39: {  	_ = 	snop  }
0x3a: {  	[spmem:s2] =	stream.indirect.scatter.add.f32 [tilespmem:s12], [sflag:$0x1], $0x10, s18, s15, $0xb8;
	[tilespmem:$0x6C00] =	vst v63  }
0x3b: {  	_ = 	snop  }
0x3c: {  	[spmem:s2] =	stream.indirect.scatter.add.f32 [tilespmem:s12], [sflag:$0x1], $0x10, s19, s15, $0xb8;
	[tilespmem:$0x6C00] =	vst v63  }
0x3d: {  	_ = 	snop  }
0x3e: {  	[spmem:s2] =	stream.indirect.scatter.add.f32 [tilespmem:s12], [sflag:$0x1], $0x10, s20, s15, $0xb8;
	[tilespmem:$0x6C00] =	vst v63  }
0x3f: {  	_ = 	snop  }
0x40: {  	[spmem:s2] =	stream.indirect.scatter.add.f32 [tilespmem:s12], [sflag:$0x1], $0x10, s21, s15, $0xb8;
	[tilespmem:$0x6C00] =	vst v63  }
0x41: {  	_ = 	snop  }
0x42: {  	[spmem:s2] =	stream.indirect.scatter.add.f32 [tilespmem:s12], [sflag:$0x1], $0x10, s22, s15, $0xb8;
	[tilespmem:$0x6C00] =	vst v63  }
0x43: {  	_ =	swait.ge [sflag:s23], $0x800  }
0x44: {  	[sflag:s23] =	ssyncset.done $0x0  }
0x45: {  	[sflag:s23] =	ssyncadd.s32 $0xFFFFF800  }
0x46: {  	_ =	swait.ge [sflag:s23], $0x800  }
0x47: {  	[sflag:s23] =	ssyncset.done $0x0  }
0x48: {  	[sflag:s23] =	ssyncadd.s32 $0xFFFFF800  }
0x49: {  	_ =	swait.ge [sflag:s23], $0x800  }
0x4a: {  	[sflag:s23] =	ssyncset.done $0x0  }
0x4b: {  	[sflag:s23] =	ssyncadd.s32 $0xFFFFF800  }
0x4c: {  	_ =	swait.ge [sflag:s23], $0x800  }
0x4d: {  	[sflag:s23] =	ssyncset.done $0x0  }
0x4e: {  	[sflag:s23] =	ssyncadd.s32 $0xFFFFF800  }
0x4f: {  	_ =	swait.ge [sflag:s23], $0x800  }
0x50: {  	[sflag:s23] =	ssyncset.done $0x0  }
0x51: {  	[sflag:s23] =	ssyncadd.s32 $0xFFFFF800  }
0x52: {  	_ =	swait.ge [sflag:s23], $0x800  }
0x53: {  	[sflag:s23] =	ssyncset.done $0x0  }
0x54: {  	[sflag:s23] =	ssyncadd.s32 $0xFFFFF800  }
0x55: {  	_ =	swait.ge [sflag:s23], $0x800  }
0x56: {  	[sflag:s23] =	ssyncset.done $0x0  }
0x57: {  	[sflag:s23] =	ssyncadd.s32 $0xFFFFF800  }
0x58: {  	_ =	swait.ge [sflag:s23], $0x800  }
0x59: {  	s28 =	simm.s32 $0x100;
	s25 =	simm.s32 $0x80;
	[sflag:s23] =	ssyncset.done $0x0  }
.LBB2_6:
0x5a: {  	s29 =	sadd.s32 s25, s11  }
0x5b: {  	[sflag:s23] =	ssyncadd.s32 $0xFFFFF800;
	s25 =	smov.u32 s28;
	s26 =	sadd.s32 $0x80, s28  }
0x5c: {  	[tilespmem:s14], [sflag:$0x2] =	stream.linear.gather [hbm4b:s29+s3], $0x400, $0x38;
	[tilespmem:$0x6C00] =	vst v63  }
0x5d: {  	p0 =	sne.s32 s28, $0x480;
	_ =	swait.ge [sflag:s13], $0x400  }
0x5e: {  	[sflag:s13] =	ssyncset.done $0x0  }
0x5f: {  	[sflag:s13] =	ssyncadd.s32 $0xFFFFFC00  }
0x60: {  	[spmem:s2] =	stream.indirect.scatter.add.f32 [tilespmem:s12], [sflag:$0x1], $0x10, s14, s15, $0xb8;
	[tilespmem:$0x6C00] =	vst v63  }
0x61: {  	_ = 	snop  }
0x62: {  	[spmem:s2] =	stream.indirect.scatter.add.f32 [tilespmem:s12], [sflag:$0x1], $0x10, s16, s15, $0xb8;
	[tilespmem:$0x6C00] =	vst v63  }
0x63: {  	_ = 	snop  }
0x64: {  	[spmem:s2] =	stream.indirect.scatter.add.f32 [tilespmem:s12], [sflag:$0x1], $0x10, s17, s15, $0xb8;
	[tilespmem:$0x6C00] =	vst v63  }
0x65: {  	_ = 	snop  }
0x66: {  	[spmem:s2] =	stream.indirect.scatter.add.f32 [tilespmem:s12], [sflag:$0x1], $0x10, s18, s15, $0xb8;
	[tilespmem:$0x6C00] =	vst v63  }
0x67: {  	_ = 	snop  }
0x68: {  	[spmem:s2] =	stream.indirect.scatter.add.f32 [tilespmem:s12], [sflag:$0x1], $0x10, s19, s15, $0xb8;
	[tilespmem:$0x6C00] =	vst v63  }
0x69: {  	_ = 	snop  }
0x6a: {  	[spmem:s2] =	stream.indirect.scatter.add.f32 [tilespmem:s12], [sflag:$0x1], $0x10, s20, s15, $0xb8;
	[tilespmem:$0x6C00] =	vst v63  }
0x6b: {  	_ = 	snop  }
0x6c: {  	[spmem:s2] =	stream.indirect.scatter.add.f32 [tilespmem:s12], [sflag:$0x1], $0x10, s21, s15, $0xb8;
	[tilespmem:$0x6C00] =	vst v63  }
0x6d: {  	_ = 	snop  }
0x6e: {  	[spmem:s2] =	stream.indirect.scatter.add.f32 [tilespmem:s12], [sflag:$0x1], $0x10, s22, s15, $0xb8;
	[tilespmem:$0x6C00] =	vst v63  }
0x6f: {  	_ =	swait.ge [sflag:s23], $0x800  }
0x70: {  	[sflag:s23] =	ssyncset.done $0x0  }
0x71: {  	[sflag:s23] =	ssyncadd.s32 $0xFFFFF800  }
0x72: {  	_ =	swait.ge [sflag:s23], $0x800  }
0x73: {  	[sflag:s23] =	ssyncset.done $0x0  }
0x74: {  	[sflag:s23] =	ssyncadd.s32 $0xFFFFF800  }
0x75: {  	_ =	swait.ge [sflag:s23], $0x800  }
0x76: {  	[sflag:s23] =	ssyncset.done $0x0  }
0x77: {  	[sflag:s23] =	ssyncadd.s32 $0xFFFFF800  }
0x78: {  	_ =	swait.ge [sflag:s23], $0x800  }
0x79: {  	[sflag:s23] =	ssyncset.done $0x0  }
0x7a: {  	[sflag:s23] =	ssyncadd.s32 $0xFFFFF800  }
0x7b: {  	_ =	swait.ge [sflag:s23], $0x800  }
0x7c: {  	[sflag:s23] =	ssyncset.done $0x0  }
0x7d: {  	[sflag:s23] =	ssyncadd.s32 $0xFFFFF800  }
0x7e: {  	_ =	swait.ge [sflag:s23], $0x800  }
0x7f: {  	[sflag:s23] =	ssyncset.done $0x0  }
0x80: {  	[sflag:s23] =	ssyncadd.s32 $0xFFFFF800  }
.Ltmp2:
0x81: {  	_ =	swait.ge [sflag:s23], $0x800;
	(pc) =	sbr.rel @p0 .LBB2_6-.Ltmp2, $4  }
0x82: {  	[sflag:s23] =	ssyncset.done $0x0  }
0x83: {  	[sflag:s23] =	ssyncadd.s32 $0xFFFFF800  }
0x84: {  	_ =	swait.ge [sflag:s23], $0x800  }
0x85: {  	s28 =	smov.u32 s26;
	[sflag:s23] =	ssyncset.done $0x0  }
0x86: {  	s25 =	sadd.s32 s25, s11;
	[sflag:s23] =	ssyncadd.s32 $0xFFFFF800  }
0x87: {  	[tilespmem:s14], [sflag:$0x2] =	stream.linear.gather [hbm4b:s25+s3], $0x400, $0x38;
	[tilespmem:$0x6C00] =	vst v63  }
0x88: {  	_ =	swait.ge [sflag:s13], $0x400  }
0x89: {  	[sflag:s13] =	ssyncset.done $0x0  }
0x8a: {  	[sflag:s13] =	ssyncadd.s32 $0xFFFFFC00  }
0x8b: {  	[spmem:s2] =	stream.indirect.scatter.add.f32 [tilespmem:s12], [sflag:$0x1], $0x10, s14, s15, $0xb8;
	[tilespmem:$0x6C00] =	vst v63  }
0x8c: {  	_ = 	snop  }
0x8d: {  	[spmem:s2] =	stream.indirect.scatter.add.f32 [tilespmem:s12], [sflag:$0x1], $0x10, s16, s15, $0xb8;
	[tilespmem:$0x6C00] =	vst v63  }
0x8e: {  	_ = 	snop  }
0x8f: {  	[spmem:s2] =	stream.indirect.scatter.add.f32 [tilespmem:s12], [sflag:$0x1], $0x10, s17, s15, $0xb8;
	[tilespmem:$0x6C00] =	vst v63  }
0x90: {  	_ = 	snop  }
0x91: {  	[spmem:s2] =	stream.indirect.scatter.add.f32 [tilespmem:s12], [sflag:$0x1], $0x10, s18, s15, $0xb8;
	[tilespmem:$0x6C00] =	vst v63  }
0x92: {  	_ = 	snop  }
0x93: {  	[spmem:s2] =	stream.indirect.scatter.add.f32 [tilespmem:s12], [sflag:$0x1], $0x10, s19, s15, $0xb8;
	[tilespmem:$0x6C00] =	vst v63  }
0x94: {  	_ = 	snop  }
0x95: {  	[spmem:s2] =	stream.indirect.scatter.add.f32 [tilespmem:s12], [sflag:$0x1], $0x10, s20, s15, $0xb8;
	[tilespmem:$0x6C00] =	vst v63  }
0x96: {  	_ = 	snop  }
0x97: {  	[spmem:s2] =	stream.indirect.scatter.add.f32 [tilespmem:s12], [sflag:$0x1], $0x10, s21, s15, $0xb8;
	[tilespmem:$0x6C00] =	vst v63  }
0x98: {  	_ = 	snop  }
0x99: {  	[spmem:s2] =	stream.indirect.scatter.add.f32 [tilespmem:s12], [sflag:$0x1], $0x10, s22, s15, $0xb8;
	[tilespmem:$0x6C00] =	vst v63  }
0x9a: {  	_ =	swait.ge [sflag:s23], $0x800  }
0x9b: {  	[sflag:s23] =	ssyncset.done $0x0  }
0x9c: {  	[sflag:s23] =	ssyncadd.s32 $0xFFFFF800  }
0x9d: {  	_ =	swait.ge [sflag:s23], $0x800  }
0x9e: {  	[sflag:s23] =	ssyncset.done $0x0  }
0x9f: {  	[sflag:s23] =	ssyncadd.s32 $0xFFFFF800  }
0xa0: {  	_ =	swait.ge [sflag:s23], $0x800  }
0xa1: {  	[sflag:s23] =	ssyncset.done $0x0  }
0xa2: {  	[sflag:s23] =	ssyncadd.s32 $0xFFFFF800  }
0xa3: {  	_ =	swait.ge [sflag:s23], $0x800  }
0xa4: {  	[sflag:s23] =	ssyncset.done $0x0  }
0xa5: {  	[sflag:s23] =	ssyncadd.s32 $0xFFFFF800  }
0xa6: {  	_ =	swait.ge [sflag:s23], $0x800  }
0xa7: {  	[sflag:s23] =	ssyncset.done $0x0  }
0xa8: {  	[sflag:s23] =	ssyncadd.s32 $0xFFFFF800  }
0xa9: {  	_ =	swait.ge [sflag:s23], $0x800  }
0xaa: {  	[sflag:s23] =	ssyncset.done $0x0  }
0xab: {  	[sflag:s23] =	ssyncadd.s32 $0xFFFFF800  }
0xac: {  	_ =	swait.ge [sflag:s23], $0x800  }
0xad: {  	[sflag:s23] =	ssyncset.done $0x0  }
0xae: {  	[sflag:s23] =	ssyncadd.s32 $0xFFFFF800  }
0xaf: {  	_ =	swait.ge [sflag:s23], $0x800  }
0xb0: {  	s31 =	sshll.u32 s1, $0x6;
	s24 =	sadd.s32 $0x1, s24;
	[sflag:s23] =	ssyncset.done $0x0  }
0xb1: {  	s26 =	sshrl.u32 s4, $0x3;
	p0 =	sne.s32 s24, s10;
	[sflag:s23] =	ssyncadd.s32 $0xFFFFF800  }
.Ltmp3:
0xb2: {  	s25 =	sor.u32 $0x1C02, s31;
	[bflag:$0x0] =	sbarrier.arrive $0xFFFF;
	(pc) =	sbr.rel @p0 .LBB2_1-.Ltmp3, $4  }
0xb3: {  	[hbm:s9], [sflag:s25] =	dma.local [spmem:s26], $0x2800  }
0xb4: {  	_ =	swait.ge [sflag:s13], $0x2800  }
0xb5: {  	[sflag:s13] =	ssyncset.done $0x0  }
0xb6: {  	[sflag:s13] =	ssyncadd.s32 $0xFFFFD800  }
0xb7: {  	_ =	sfence.sel $0x180000  }
0xb8: {  	[bflag:$0x0] =	sbarrier.arrive $0xFFFF  }
0xb9: {  	p0 =	sne.s32 s1, $0x0;
	_ =	strace $0x90000047  }
0xba: {  	s0 =	sadd.s32 @!p0 $0x100000, s0;
	[bflag:$0x2] =	sbarrier.arrive $0xFFFF  }
0xbb: {  	[sflag:s0] =	ssyncadd.tile.s32 @!p0 $0x1;
	_ =	shalt  }
.Lfunc_end2:
_tile_overlayer_lowered:
.L_overlay_start_2:
0xbc: {  	(tag) =	ssettag $0x2  }
0xbd: {  	s0 =	rddreg [dreg:$0x0];
	s2 =	stileid.u32  }
0xbe: {  	s1 =	rddreg [dreg:$0x1];
	p0 =	sne.s32 s2, $0x0  }
0xbf: {  	s3 =	rddreg [dreg:$0x2];
	[bflag:$0x3] =	sbarrier.arrive $0xFFFF;
	s2 =	simm.s32 @!p0 $0x1C02  }
0xc0: {  	[timem:s3], [sflag:s2] =	dma.local @!p0 [hbm:s0], s1  }
0xc1: {  	s0 =	simm.s32 @!p0 $0x2  }
0xc2: {  	_ =	swait.ge @!p0 [sflag:s0], s1  }
0xc3: {  	s1 =	ssub.s32 @!p0 $0x0, s1;
	[sflag:s0] =	ssyncset.done @!p0 $0x0  }
0xc4: {  	[sflag:s0] =	ssyncadd.s32 @!p0 s1  }
0xc5: {  	[bflag:$0x3] =	sbarrier.arrive $0xFFFF  }
0xc6: {  	_ =	shalt  }

</sc_bundles>
